<compile_context>
chip_gen: v7x
topology: tpu7x:2x2x1
jax: 0.10.2.dev20260603
libtpu: 0.0.44.dev20260713+nightly
codegen_flags: <defaults>
</compile_context>

<pallas_src>
import functools

import jax
import jax.numpy as jnp
from jax import lax
from jax.experimental import pallas as pl
from jax.experimental.pallas import tpu as pltpu
from jax.experimental.pallas import tpu_sc as plsc

_B = 1024
_D = 64
_NH = 4
_DH = 16
_LL = 200
_LS = 50
_TOPK = 50
_NB = 1024

_NW = 32
_CHUNK = 128
_TOT = _B * _LL + _B * _LS + _B
_NCH = 64
_PAD_TOT = _NW * _NCH * _CHUNK


def _sc_gather(table, ids):
    mesh = plsc.VectorSubcoreMesh(core_axis_name="c", subcore_axis_name="s")

    @functools.partial(
        pl.kernel,
        mesh=mesh,
        compiler_params=pltpu.CompilerParams(use_tc_tiling_on_sc=False),
        out_type=jax.ShapeDtypeStruct((_PAD_TOT, _D), jnp.float32),
        scratch_types=[
            pltpu.VMEM((_NCH, _CHUNK), jnp.int32),
            pltpu.VMEM((4, _CHUNK, _D), jnp.float32),
            pltpu.SemaphoreType.DMA,
            pltpu.SemaphoreType.DMA,
        ],
    )
    def k(table_hbm, ids_hbm, out_hbm, idx_v, rows_v, semg, semw):
        wid = lax.axis_index("s") * 2 + lax.axis_index("c")
        base = wid * (_NCH * _CHUNK)
        pltpu.sync_copy(ids_hbm.at[wid], idx_v)
        for j in range(3):
            pltpu.async_copy(table_hbm.at[idx_v.at[j]], rows_v.at[j], semg)

        def body(i, _):
            slot = lax.rem(i, 4)
            pltpu.make_async_copy(
                table_hbm.at[idx_v.at[i]], rows_v.at[slot], semg).wait()
            pltpu.async_copy(
                rows_v.at[slot], out_hbm.at[pl.ds(base + i * _CHUNK, _CHUNK)],
                semw)

            @pl.when(i + 3 < _NCH)
            def _start():
                nslot = lax.rem(i + 3, 4)

                @pl.when(i >= 1)
                def _drain():
                    pltpu.make_async_copy(
                        rows_v.at[nslot],
                        out_hbm.at[pl.ds(base + i * _CHUNK, _CHUNK)],
                        semw).wait()

                pltpu.async_copy(
                    table_hbm.at[idx_v.at[i + 3]], rows_v.at[nslot], semg)

            return _

        lax.fori_loop(0, _NCH, body, None)
        def drain(i, _):
            pltpu.make_async_copy(
                rows_v.at[0], out_hbm.at[pl.ds(base, _CHUNK)], semw).wait()
            return _

        lax.fori_loop(0, 4, drain, None)

    return k(table, ids)


def _layernorm(x, g, b, eps=1e-5):
    m = jnp.mean(x, axis=-1, keepdims=True)
    v = jnp.mean((x - m) ** 2, axis=-1, keepdims=True)
    return (x - m) / jnp.sqrt(v + eps) * g + b


def _make_tc_body(bb):
    n_tok = bb * _LS

    def body(uf_ref, le_ref, xs_ref, tr_ref, idm_ref,
             wt, bt, wa1t, wa1l, wa1x, ba1, wa2, ba2,
             hcat, wsp, bsp, lyr0, lyr1,
             wfa, bfa, wfb, bfb, wfc, bfc, out_ref):
        uf = uf_ref[...]
        le = le_ref[...]
        xs = xs_ref[...]
        tr = tr_ref[...]
        idm = idm_ref[...]

        te = jnp.dot(tr, wt[...]) + bt[...]

        le2 = le.reshape(bb * _LL, _D)
        tex = jnp.broadcast_to(te[:, None, :], (bb, _LL, _D)).reshape(bb * _LL, _D)
        pre = jnp.dot(te, wa1t[...]) + ba1[...]
        preb = jnp.broadcast_to(pre[:, None, :], (bb, _LL, _D)).reshape(bb * _LL, _D)
        h1 = jax.nn.relu(jnp.dot(le2, wa1l[...]) + jnp.dot(le2 * tex, wa1x[...]) + preb)
        s = (jnp.dot(h1, wa2[...]) + ba2[...]).reshape(bb, _LL)

        mx = jnp.max(s, axis=1, keepdims=True)
        e = jnp.exp(s - mx)
        aw = e / jnp.sum(e, axis=1, keepdims=True)

        bits = lax.bitcast_convert_type(aw, jnp.int32)
        lo0 = jnp.zeros((bb, 1), jnp.int32)
        hi0 = jnp.full((bb, 1), 0x3F800001, jnp.int32)

        def bs(_, c):
            lo, hi = c
            mid = (lo + hi) >> 1
            cnt = jnp.sum(jnp.where(bits >= mid, 1.0, 0.0), axis=1, keepdims=True)
            p = cnt >= float(_TOPK)
            return jnp.where(p, mid, lo), jnp.where(p, hi, mid)

        tlo, _ = lax.fori_loop(0, 31, bs, (lo0, hi0))
        gt = bits > tlo
        eq = bits == tlo
        c_gt = jnp.sum(jnp.where(gt, 1.0, 0.0), axis=1, keepdims=True)
        need = float(_TOPK) - c_gt
        ii = lax.broadcasted_iota(jnp.int32, (_LL, _LL), 0)
        jj = lax.broadcasted_iota(jnp.int32, (_LL, _LL), 1)
        ltri = jnp.where(ii <= jj, 1.0, 0.0)
        prefix = jnp.dot(jnp.where(eq, 1.0, 0.0), ltri)
        sel = gt | (eq & (prefix <= need))

        awm = jnp.max(aw, axis=1, keepdims=True)
        w = jnp.where(sel, jnp.exp(aw - awm), 0.0)
        wsum = jnp.sum(w, axis=1, keepdims=True)
        hard = jnp.sum((w / wsum)[:, :, None] * le, axis=1)
        lemean = jnp.mean(le, axis=1)

        iot = lax.broadcasted_iota(jnp.int16, (bb, _LL, _NB), 2)
        oneh = jnp.where(idm.astype(jnp.int16)[:, :, None] == iot,
                         jnp.bfloat16(1.0), jnp.bfloat16(0.0))
        obd = jnp.where(
            lax.broadcasted_iota(jnp.int32, (bb, bb * _LL), 0)
            == lax.broadcasted_iota(jnp.int32, (bb, bb * _LL), 1) // _LL,
            1.0, 0.0).astype(jnp.bfloat16)
        counts = jnp.dot(obd, oneh.reshape(bb * _LL, _NB),
                         preferred_element_type=jnp.float32)
        hr = jnp.dot(counts * (1.0 / _LL), hcat[...])
        soft = jnp.dot(hr + lemean, wsp[...]) + bsp[...]

        x = xs.reshape(n_tok, _D)
        bf = jnp.bfloat16
        x = x.astype(bf)
        hmask = jnp.where(
            lax.broadcasted_iota(jnp.int32, (_NH * _LS, _D), 0) // _LS
            == lax.broadcasted_iota(jnp.int32, (_NH * _LS, _D), 1) // _DH,
            1.0, 0.0).astype(bf)

        for (wqkv, bqkv, wo, bo, g1, b1, w1, bff1, w2, bff2, g2, b2) in (lyr0, lyr1):
            qkv = (jnp.dot(x, wqkv[...].astype(bf), preferred_element_type=jnp.float32)
                   + bqkv[...]).astype(bf)
            vbigs, scs = [], []
            for smp in range(bb):
                sl = slice(smp * _LS, (smp + 1) * _LS)
                q_s = qkv[sl, :_D]
                k_s = qkv[sl, _D:2 * _D]
                v_s = qkv[sl, 2 * _D:]
                kbig = jnp.concatenate([k_s] * _NH, axis=0) * hmask
                vbigs.append(jnp.concatenate([v_s] * _NH, axis=0) * hmask)
                scs.append(lax.dot_general(
                    q_s, kbig, (((1,), (1,)), ((), ())),
                    preferred_element_type=jnp.float32).astype(bf))
            sall = jnp.concatenate(scs, axis=0) * bf(0.25)
            aparts = []
            for h in range(_NH):
                blk = sall[:, h * _LS:(h + 1) * _LS]
                bm = jnp.max(blk, axis=1, keepdims=True)
                ebk = jnp.exp(blk - bm)
                aparts.append(ebk / jnp.sum(ebk, axis=1, keepdims=True))
            aall = jnp.concatenate(aparts, axis=1)
            outs = [
                jnp.dot(aall[smp * _LS:(smp + 1) * _LS], vbigs[smp],
                        preferred_element_type=jnp.float32).astype(bf)
                for smp in range(bb)
            ]
            o = (jnp.dot(jnp.concatenate(outs, axis=0),
                         wo[...].astype(bf),
                         preferred_element_type=jnp.float32).astype(bf)
                 + bo[...].astype(bf))
            x = _layernorm(x + o, g1[...].astype(bf), b1[...].astype(bf))
            ff = (jnp.dot(
                jax.nn.relu(
                    jnp.dot(x, w1[...].astype(bf),
                            preferred_element_type=jnp.float32).astype(bf)
                    + bff1[...].astype(bf)),
                w2[...].astype(bf),
                preferred_element_type=jnp.float32).astype(bf)
                + bff2[...].astype(bf))
            x = _layernorm(x + ff, g2[...].astype(bf), b2[...].astype(bf))

        bst = jnp.mean(x.astype(jnp.float32).reshape(bb, _LS, _D), axis=1)

        comb = jnp.concatenate([uf, hard, soft, bst], axis=1)
        hh = jax.nn.relu(jnp.dot(comb, wfa[...]) + bfa[...])
        hh = jax.nn.relu(jnp.dot(hh, wfb[...]) + bfb[...])
        out_ref[...] = jnp.dot(hh, wfc[...]) + bfc[...]

    return body


def _tc_forward(uf, le, xs, tr, idm, p, bb=32, interpret=False):
    row = lambda v: v.reshape(1, -1)
    hcat = jnp.concatenate([p['hash0'], p['hash1'], p['hash2'], p['hash3']], axis=1)
    wa1 = p['Wa1']
    lyrs = []
    for i in range(2):
        lyrs.append([
            p['Wqkv%d' % i], row(p['bqkv%d' % i]), p['Wo%d' % i], row(p['bo%d' % i]),
            row(p['g1_%d' % i]), row(p['b1_%d' % i]), p['W1_%d' % i], row(p['bff1_%d' % i]),
            p['W2_%d' % i], row(p['bff2_%d' % i]), row(p['g2_%d' % i]), row(p['b2_%d' % i]),
        ])
    weights = [
        p['Wt'], row(p['bt']),
        wa1[:_D], wa1[_D:2 * _D], wa1[2 * _D:], row(p['ba1']),
        p['Wa2'], row(p['ba2']),
        hcat, p['Wsp'], row(p['bsp']),
        lyrs[0], lyrs[1],
        p['Wfa'], row(p['bfa']), p['Wfb'], row(p['bfb']), p['Wfc'], row(p['bfc']),
    ]

    def wspec(w):
        nd = w.ndim
        return pl.BlockSpec(w.shape, lambda i, _n=nd: (0,) * _n)

    in_specs = [
        pl.BlockSpec((bb, _D), lambda i: (i, 0)),
        pl.BlockSpec((bb, _LL, _D), lambda i: (i, 0, 0)),
        pl.BlockSpec((bb, _LS, _D), lambda i: (i, 0, 0)),
        pl.BlockSpec((bb, _D), lambda i: (i, 0)),
        pl.BlockSpec((bb, _LL), lambda i: (i, 0)),
    ] + jax.tree.map(wspec, weights)

    out = pl.pallas_call(
        _make_tc_body(bb),
        grid=(_B // bb,),
        in_specs=in_specs,
        out_specs=pl.BlockSpec((bb, 1), lambda i: (i, 0)),
        out_shape=jax.ShapeDtypeStruct((_B, 1), jnp.float32),
        interpret=interpret,
    )(uf, le, xs, tr, idm, *weights)
    return out[:, 0]


def kernel(user_features, params, target_item_id, short_hist_ids, long_hist_ids):
    ids_all = jnp.concatenate([
        long_hist_ids.reshape(-1),
        short_hist_ids.reshape(-1),
        target_item_id,
        jnp.zeros((_PAD_TOT - _TOT,), jnp.int32),
    ]).astype(jnp.int32).reshape(_NW, _NCH, _CHUNK)
    rows = _sc_gather(params['table'], ids_all)
    le = rows[:_B * _LL].reshape(_B, _LL, _D)
    xs = rows[_B * _LL:_B * _LL + _B * _LS].reshape(_B, _LS, _D)
    tr = rows[_B * _LL + _B * _LS:_TOT]
    idm = (long_hist_ids % _NB).astype(jnp.int32)
    return _tc_forward(user_features, le, xs, tr, idm, params)

# --- scband reference (transcript-rebuilt; emitter-appended) ---
"""Pipeline reference for scband-simmodel-80247168959022 (READ-ONLY COPY).

The authoritative reference and input builder live on the scoring server;
editing this copy changes nothing except your own understanding.
"""

import jax, jax.numpy as jnp
import numpy as np

B = 1024
D = 64
NH = 4
NUM_ITEMS = 1000000
LL = 200
LS = 50
TOPK = 50
NB = 1024


def _layernorm(x, g, b, eps=1e-5):
    m = x.mean(-1, keepdims=True)
    v = ((x - m) ** 2).mean(-1, keepdims=True)
    return (x - m) / jnp.sqrt(v + eps) * g + b


def _mha(x, Wqkv, bqkv, Wo, bo):
    Bb, S, Dd = x.shape
    dh = Dd // NH
    qkv = x @ Wqkv + bqkv
    q, k, v = jnp.split(qkv, 3, axis=-1)
    sh = lambda t: t.reshape(Bb, S, NH, dh).transpose(0, 2, 1, 3)
    q, k, v = sh(q), sh(k), sh(v)
    a = jax.nn.softmax((q @ k.transpose(0, 1, 3, 2)) / np.sqrt(dh).astype(np.float32), axis=-1)
    o = (a @ v).transpose(0, 2, 1, 3).reshape(Bb, S, Dd)
    return o @ Wo + bo


def _encoder_layer(x, p, i):
    h = _mha(x, p['Wqkv%d' % i], p['bqkv%d' % i], p['Wo%d' % i], p['bo%d' % i])
    x = _layernorm(x + h, p['g1_%d' % i], p['b1_%d' % i])
    ff = jax.nn.relu(x @ p['W1_%d' % i] + p['bff1_%d' % i]) @ p['W2_%d' % i] + p['bff2_%d' % i]
    x = _layernorm(x + ff, p['g2_%d' % i], p['b2_%d' % i])
    return x


def _forward(user_features, params, target_item_id, short_hist_ids, long_hist_ids):
    tbl = params['table']
    te = jnp.take(tbl, target_item_id, axis=0) @ params['Wt'] + params['bt']
    le = jnp.take(tbl, long_hist_ids, axis=0)
    tex = jnp.broadcast_to(te[:, None, :], le.shape)
    cat = jnp.concatenate([tex, le, le * tex], axis=-1)
    s = (jax.nn.relu(cat @ params['Wa1'] + params['ba1']) @ params['Wa2'] + params['ba2'])[..., 0]
    aw = jax.nn.softmax(s, axis=-1)
    tw, ti = jax.lax.top_k(aw, TOPK)
    tw = jax.nn.softmax(tw, axis=-1)
    tops = jnp.take_along_axis(le, ti[:, :, None], axis=1)
    hard = (tw[:, :, None] * tops).sum(axis=1)
    bucket = long_hist_ids % NB
    hr = jnp.concatenate([jnp.take(params['hash%d' % j], bucket, axis=0).mean(axis=1) for j in range(4)], axis=-1)
    soft = (hr + le.mean(axis=1)) @ params['Wsp'] + params['bsp']
    x = jnp.take(tbl, short_hist_ids, axis=0)
    for i in range(2):
        x = _encoder_layer(x, params, i)
    bst = x.mean(axis=1)
    comb = jnp.concatenate([user_features, hard, soft, bst], axis=-1)
    h = jax.nn.relu(comb @ params['Wfa'] + params['bfa'])
    h = jax.nn.relu(h @ params['Wfb'] + params['bfb'])
    return (h @ params['Wfc'] + params['bfc'])[..., 0]


def setup_inputs(seed: int = 0):
    key = jax.random.key(seed)
    cnt = [0]

    def nk():
        cnt[0] += 1
        return jax.random.fold_in(key, cnt[0])

    def nrm(shape, s=0.02):
        return jax.random.normal(nk(), shape, dtype=jnp.float32) * s

    table = nrm((NUM_ITEMS + 1, D), 0.05)
    table = table.at[0].set(0.0)
    params = {'table': table, 'Wt': nrm((D, D)), 'bt': jnp.zeros((D,), jnp.float32), 'Wa1': nrm((3 * D, 64)), 'ba1': jnp.zeros((64,), jnp.float32), 'Wa2': nrm((64, 1)), 'ba2': jnp.zeros((1,), jnp.float32), 'Wsp': nrm((D, D)), 'bsp': jnp.zeros((D,), jnp.float32), 'Wfa': nrm((4 * D, 256)), 'bfa': jnp.zeros((256,), jnp.float32), 'Wfb': nrm((256, 128)), 'bfb': jnp.zeros((128,), jnp.float32), 'Wfc': nrm((128, 1)), 'bfc': jnp.zeros((1,), jnp.float32)}
    for j in range(4):
        params['hash%d' % j] = nrm((NB, D // 4), 0.05)
    for i in range(2):
        params['Wqkv%d' % i] = nrm((D, 3 * D))
        params['bqkv%d' % i] = jnp.zeros((3 * D,), jnp.float32)
        params['Wo%d' % i] = nrm((D, D))
        params['bo%d' % i] = jnp.zeros((D,), jnp.float32)
        params['g1_%d' % i] = jnp.ones((D,), jnp.float32)
        params['b1_%d' % i] = jnp.zeros((D,), jnp.float32)
        params['W1_%d' % i] = nrm((D, 2 * D))
        params['bff1_%d' % i] = jnp.zeros((2 * D,), jnp.float32)
        params['W2_%d' % i] = nrm((2 * D, D))
        params['bff2_%d' % i] = jnp.zeros((D,), jnp.float32)
        params['g2_%d' % i] = jnp.ones((D,), jnp.float32)
        params['b2_%d' % i] = jnp.zeros((D,), jnp.float32)
    user_features = jax.random.normal(nk(), (B, D), dtype=jnp.float32)
    target_item_id = jax.random.randint(nk(), (B,), 0, NUM_ITEMS)
    short_hist_ids = jax.random.randint(nk(), (B, LS), 0, NUM_ITEMS)
    long_hist_ids = jax.random.randint(nk(), (B, LL), 0, NUM_ITEMS)
    return {'user_features': user_features, 'params': params, 'target_item_id': target_item_id, 'short_hist_ids': short_hist_ids, 'long_hist_ids': long_hist_ids}


def reference(user_features, params, target_item_id, short_hist_ids, long_hist_ids):
    return _forward(user_features, params, target_item_id, short_hist_ids, long_hist_ids)

if __name__ == "__main__":
    import jax
    _d = setup_inputs()
    print(jax.jit(kernel)(*tuple(_d.values())))

</pallas_src>

<mosaic_0001>
#map = affine_map<(d0, d1) -> (0, 0)>
#map1 = affine_map<(d0, d1) -> (0, 0, 0)>
module attributes {stable_mosaic.version = 14 : i64} {
  func.func @k(%arg0: i32, %arg1: i32, %arg2: memref<1000001x64xf32, #tpu.memory_space<hbm>>, %arg3: memref<32x64x128xi32, #tpu.memory_space<hbm>>, %arg4: memref<262144x64xf32, #tpu.memory_space<hbm>>, %arg5: memref<64x128xi32, #tpu.memory_space<vmem>>, %arg6: memref<4x128x64xf32, #tpu.memory_space<vmem>>, %arg7: memref<!tpu.dma_semaphore, #tpu.memory_space<semaphore_mem>>, %arg8: memref<!tpu.dma_semaphore, #tpu.memory_space<semaphore_mem>>) attributes {dimension_semantics = [#tpu.dimension_semantics<core_parallel>, #tpu.dimension_semantics<subcore_parallel>], iteration_bounds = array<i64: 2, 16>, scalar_prefetch = 0 : i64, scratch_operands = 4 : i64, tpu.core_type = #tpu.core_type<sc_vector_subcore>, window_params = [{transform_indices = #map}, {transform_indices = #map1}, {transform_indices = #map}]} {
    %mul3A = arith.constant 2 : i32
    %mul3A_0 = arith.muli %arg1, %mul3A : i32
    %add3A = arith.addi %mul3A_0, %arg0 : i32
    %mul3A_1 = arith.constant 8192 : i32
    %mul3A_2 = arith.muli %add3A, %mul3A_1 : i32
    "tpu.region"() ({
      %run_scoped3A = tpu.sem_alloc : memref<!tpu.dma_semaphore, #tpu.memory_space<semaphore_mem>>
      %dma_start3A_47 = arith.constant 0 : i32
      %dma_start3A_48 = arith.constant 0 : i32
      %dma_start3A_49 = tpu.memref_slice %arg3[%add3A, %dma_start3A_47, %dma_start3A_48] : memref<32x64x128xi32, #tpu.memory_space<hbm>> -> memref<1x64x128xi32, #tpu.memory_space<hbm>>
      %dma_start3A_50 = tpu.memref_squeeze %dma_start3A_49 : memref<1x64x128xi32, #tpu.memory_space<hbm>> -> memref<64x128xi32, #tpu.memory_space<hbm>>
      %dma_start3A_51 = arith.constant 0 : i32
      %dma_start3A_52 = arith.constant 0 : i32
      %dma_start3A_53 = tpu.memref_slice %arg3[%add3A, %dma_start3A_51, %dma_start3A_52] : memref<32x64x128xi32, #tpu.memory_space<hbm>> -> memref<1x64x128xi32, #tpu.memory_space<hbm>>
      %dma_start3A_54 = tpu.memref_squeeze %dma_start3A_53 : memref<1x64x128xi32, #tpu.memory_space<hbm>> -> memref<64x128xi32, #tpu.memory_space<hbm>>
      tpu.enqueue_dma source(%dma_start3A_54 : memref<64x128xi32, #tpu.memory_space<hbm>>) target(%arg5 : memref<64x128xi32, #tpu.memory_space<vmem>>) target_semaphore(%run_scoped3A : memref<!tpu.dma_semaphore, #tpu.memory_space<semaphore_mem>>)
      %dma_wait3A = arith.constant 0 : i32
      %dma_wait3A_55 = arith.constant 0 : i32
      %dma_wait3A_56 = tpu.memref_slice %arg3[%add3A, %dma_wait3A, %dma_wait3A_55] : memref<32x64x128xi32, #tpu.memory_space<hbm>> -> memref<1x64x128xi32, #tpu.memory_space<hbm>>
      %dma_wait3A_57 = tpu.memref_squeeze %dma_wait3A_56 : memref<1x64x128xi32, #tpu.memory_space<hbm>> -> memref<64x128xi32, #tpu.memory_space<hbm>>
      %dma_wait3A_58 = arith.constant 0 : i32
      %dma_wait3A_59 = arith.constant 0 : i32
      %dma_wait3A_60 = tpu.memref_slice %arg3[%add3A, %dma_wait3A_58, %dma_wait3A_59] : memref<32x64x128xi32, #tpu.memory_space<hbm>> -> memref<1x64x128xi32, #tpu.memory_space<hbm>>
      %dma_wait3A_61 = tpu.memref_squeeze %dma_wait3A_60 : memref<1x64x128xi32, #tpu.memory_space<hbm>> -> memref<64x128xi32, #tpu.memory_space<hbm>>
      tpu.wait_dma2 semaphore(%run_scoped3A : memref<!tpu.dma_semaphore, #tpu.memory_space<semaphore_mem>>) src(%dma_wait3A_61 : memref<64x128xi32, #tpu.memory_space<hbm>>) dst(%arg5 : memref<64x128xi32, #tpu.memory_space<vmem>>)
      tpu.yield
    }) : () -> ()
    %dma_start3A = arith.constant 0 : i32
    %dma_start3A_3 = arith.constant 0 : i32
    %dma_start3A_4 = arith.constant 0 : i32
    %dma_start3A_5 = arith.constant 0 : i32
    %dma_start3A_6 = tpu.memref_slice %arg6[%dma_start3A_3, %dma_start3A_4, %dma_start3A_5] : memref<4x128x64xf32, #tpu.memory_space<vmem>> -> memref<1x128x64xf32, #tpu.memory_space<vmem>>
    %dma_start3A_7 = tpu.memref_squeeze %dma_start3A_6 : memref<1x128x64xf32, #tpu.memory_space<vmem>> -> memref<128x64xf32, #tpu.memory_space<vmem>>
    %dma_start3A_8 = arith.constant 0 : i32
    %dma_start3A_9 = tpu.memref_slice %arg5[%dma_start3A, %dma_start3A_8] : memref<64x128xi32, #tpu.memory_space<vmem>> -> memref<1x128xi32, #tpu.memory_space<vmem>>
    %dma_start3A_10 = tpu.memref_squeeze %dma_start3A_9 : memref<1x128xi32, #tpu.memory_space<vmem>> -> memref<128xi32, #tpu.memory_space<vmem>>
    %dma_start3A_11 = arith.constant 0 : i32
    %dma_start3A_12 = arith.constant 0 : i32
    %dma_start3A_13 = tpu.memref_slice %arg2[%dma_start3A_11, %dma_start3A_12] : memref<1000001x64xf32, #tpu.memory_space<hbm>> -> memref<1000001x64xf32, #tpu.memory_space<hbm>>
    tpu.enqueue_indirect_dma source(%dma_start3A_13 : memref<1000001x64xf32, #tpu.memory_space<hbm>>) target(%dma_start3A_7 : memref<128x64xf32, #tpu.memory_space<vmem>>) offsets(%dma_start3A_10 : memref<128xi32, #tpu.memory_space<vmem>>) semaphore(%arg7 : memref<!tpu.dma_semaphore, #tpu.memory_space<semaphore_mem>>)
    %dma_start3A_14 = arith.constant 1 : i32
    %dma_start3A_15 = arith.constant 1 : i32
    %dma_start3A_16 = arith.constant 0 : i32
    %dma_start3A_17 = arith.constant 0 : i32
    %dma_start3A_18 = tpu.memref_slice %arg6[%dma_start3A_15, %dma_start3A_16, %dma_start3A_17] : memref<4x128x64xf32, #tpu.memory_space<vmem>> -> memref<1x128x64xf32, #tpu.memory_space<vmem>>
    %dma_start3A_19 = tpu.memref_squeeze %dma_start3A_18 : memref<1x128x64xf32, #tpu.memory_space<vmem>> -> memref<128x64xf32, #tpu.memory_space<vmem>>
    %dma_start3A_20 = arith.constant 0 : i32
    %dma_start3A_21 = tpu.memref_slice %arg5[%dma_start3A_14, %dma_start3A_20] : memref<64x128xi32, #tpu.memory_space<vmem>> -> memref<1x128xi32, #tpu.memory_space<vmem>>
    %dma_start3A_22 = tpu.memref_squeeze %dma_start3A_21 : memref<1x128xi32, #tpu.memory_space<vmem>> -> memref<128xi32, #tpu.memory_space<vmem>>
    %dma_start3A_23 = arith.constant 0 : i32
    %dma_start3A_24 = arith.constant 0 : i32
    %dma_start3A_25 = tpu.memref_slice %arg2[%dma_start3A_23, %dma_start3A_24] : memref<1000001x64xf32, #tpu.memory_space<hbm>> -> memref<1000001x64xf32, #tpu.memory_space<hbm>>
    tpu.enqueue_indirect_dma source(%dma_start3A_25 : memref<1000001x64xf32, #tpu.memory_space<hbm>>) target(%dma_start3A_19 : memref<128x64xf32, #tpu.memory_space<vmem>>) offsets(%dma_start3A_22 : memref<128xi32, #tpu.memory_space<vmem>>) semaphore(%arg7 : memref<!tpu.dma_semaphore, #tpu.memory_space<semaphore_mem>>)
    %dma_start3A_26 = arith.constant 2 : i32
    %dma_start3A_27 = arith.constant 2 : i32
    %dma_start3A_28 = arith.constant 0 : i32
    %dma_start3A_29 = arith.constant 0 : i32
    %dma_start3A_30 = tpu.memref_slice %arg6[%dma_start3A_27, %dma_start3A_28, %dma_start3A_29] : memref<4x128x64xf32, #tpu.memory_space<vmem>> -> memref<1x128x64xf32, #tpu.memory_space<vmem>>
    %dma_start3A_31 = tpu.memref_squeeze %dma_start3A_30 : memref<1x128x64xf32, #tpu.memory_space<vmem>> -> memref<128x64xf32, #tpu.memory_space<vmem>>
    %dma_start3A_32 = arith.constant 0 : i32
    %dma_start3A_33 = tpu.memref_slice %arg5[%dma_start3A_26, %dma_start3A_32] : memref<64x128xi32, #tpu.memory_space<vmem>> -> memref<1x128xi32, #tpu.memory_space<vmem>>
    %dma_start3A_34 = tpu.memref_squeeze %dma_start3A_33 : memref<1x128xi32, #tpu.memory_space<vmem>> -> memref<128xi32, #tpu.memory_space<vmem>>
    %dma_start3A_35 = arith.constant 0 : i32
    %dma_start3A_36 = arith.constant 0 : i32
    %dma_start3A_37 = tpu.memref_slice %arg2[%dma_start3A_35, %dma_start3A_36] : memref<1000001x64xf32, #tpu.memory_space<hbm>> -> memref<1000001x64xf32, #tpu.memory_space<hbm>>
    tpu.enqueue_indirect_dma source(%dma_start3A_37 : memref<1000001x64xf32, #tpu.memory_space<hbm>>) target(%dma_start3A_31 : memref<128x64xf32, #tpu.memory_space<vmem>>) offsets(%dma_start3A_34 : memref<128xi32, #tpu.memory_space<vmem>>) semaphore(%arg7 : memref<!tpu.dma_semaphore, #tpu.memory_space<semaphore_mem>>)
    %scan3A = arith.constant 0 : i32
    %scan3A_38 = arith.constant 64 : i32
    %scan3A_39 = arith.addi %scan3A, %scan3A_38 : i32
    %scan3A_40 = arith.constant 1 : i32
    scf.for %scan3A_47 = %scan3A to %scan3A_39 step %scan3A_40  : i32 {
      %rem3A = arith.constant 4 : i32
      %rem3A_48 = arith.remsi %scan3A_47, %rem3A : i32
      %dma_wait3A = arith.constant 0 : i32
      %dma_wait3A_49 = arith.constant 0 : i32
      %dma_wait3A_50 = tpu.memref_slice %arg6[%rem3A_48, %dma_wait3A, %dma_wait3A_49] : memref<4x128x64xf32, #tpu.memory_space<vmem>> -> memref<1x128x64xf32, #tpu.memory_space<vmem>>
      %dma_wait3A_51 = tpu.memref_squeeze %dma_wait3A_50 : memref<1x128x64xf32, #tpu.memory_space<vmem>> -> memref<128x64xf32, #tpu.memory_space<vmem>>
      %dma_wait3A_52 = arith.constant 0 : i32
      %dma_wait3A_53 = tpu.memref_slice %arg5[%scan3A_47, %dma_wait3A_52] : memref<64x128xi32, #tpu.memory_space<vmem>> -> memref<1x128xi32, #tpu.memory_space<vmem>>
      %dma_wait3A_54 = tpu.memref_squeeze %dma_wait3A_53 : memref<1x128xi32, #tpu.memory_space<vmem>> -> memref<128xi32, #tpu.memory_space<vmem>>
      %dma_wait3A_55 = arith.constant 0 : i32
      %dma_wait3A_56 = arith.constant 0 : i32
      %dma_wait3A_57 = tpu.memref_slice %arg2[%dma_wait3A_55, %dma_wait3A_56] : memref<1000001x64xf32, #tpu.memory_space<hbm>> -> memref<1000001x64xf32, #tpu.memory_space<hbm>>
      tpu.wait_indirect_dma semaphore(%arg7 : memref<!tpu.dma_semaphore, #tpu.memory_space<semaphore_mem>>) src(%dma_wait3A_57 : memref<1000001x64xf32, #tpu.memory_space<hbm>>) dst(%dma_wait3A_51 : memref<128x64xf32, #tpu.memory_space<vmem>>)
      %mul3A_58 = arith.constant 128 : i32
      %mul3A_59 = arith.muli %scan3A_47, %mul3A_58 : i32
      %add3A_60 = arith.addi %mul3A_2, %mul3A_59 : i32
      %dma_start3A_61 = arith.constant 0 : i32
      %dma_start3A_62 = arith.constant 0 : i32
      %dma_start3A_63 = tpu.memref_slice %arg6[%rem3A_48, %dma_start3A_61, %dma_start3A_62] : memref<4x128x64xf32, #tpu.memory_space<vmem>> -> memref<1x128x64xf32, #tpu.memory_space<vmem>>
      %dma_start3A_64 = tpu.memref_squeeze %dma_start3A_63 : memref<1x128x64xf32, #tpu.memory_space<vmem>> -> memref<128x64xf32, #tpu.memory_space<vmem>>
      %dma_start3A_65 = arith.constant 0 : i32
      %dma_start3A_66 = tpu.memref_slice %arg4[%add3A_60, %dma_start3A_65] : memref<262144x64xf32, #tpu.memory_space<hbm>> -> memref<128x64xf32, #tpu.memory_space<hbm>>
      %dma_start3A_67 = arith.constant 0 : i32
      %dma_start3A_68 = tpu.memref_slice %arg4[%add3A_60, %dma_start3A_67] : memref<262144x64xf32, #tpu.memory_space<hbm>> -> memref<128x64xf32, #tpu.memory_space<hbm>>
      %dma_start3A_69 = arith.constant 0 : i32
      %dma_start3A_70 = arith.constant 0 : i32
      %dma_start3A_71 = tpu.memref_slice %arg6[%rem3A_48, %dma_start3A_69, %dma_start3A_70] : memref<4x128x64xf32, #tpu.memory_space<vmem>> -> memref<1x128x64xf32, #tpu.memory_space<vmem>>
      %dma_start3A_72 = tpu.memref_squeeze %dma_start3A_71 : memref<1x128x64xf32, #tpu.memory_space<vmem>> -> memref<128x64xf32, #tpu.memory_space<vmem>>
      tpu.enqueue_dma source(%dma_start3A_72 : memref<128x64xf32, #tpu.memory_space<vmem>>) target(%dma_start3A_68 : memref<128x64xf32, #tpu.memory_space<hbm>>) target_semaphore(%arg8 : memref<!tpu.dma_semaphore, #tpu.memory_space<semaphore_mem>>)
      %add3A_73 = arith.constant 3 : i32
      %add3A_74 = arith.addi %scan3A_47, %add3A_73 : i32
      %lt3A = arith.constant 64 : i32
      %lt3A_75 = arith.cmpi slt, %add3A_74, %lt3A : i32
      %convert_element_type3A = arith.extui %lt3A_75 : i1 to i32
      %cond3A = arith.constant 0 : i32
      %cond3A_76 = arith.cmpi ne, %convert_element_type3A, %cond3A : i32
      scf.if %cond3A_76 {
        %add3A_77 = arith.constant 3 : i32
        %add3A_78 = arith.addi %scan3A_47, %add3A_77 : i32
        %rem3A_79 = arith.constant 4 : i32
        %rem3A_80 = arith.remsi %add3A_78, %rem3A_79 : i32
        %ge3A = arith.constant 1 : i32
        %ge3A_81 = arith.cmpi sge, %scan3A_47, %ge3A : i32
        %convert_element_type3A_82 = arith.extui %ge3A_81 : i1 to i32
        %cond3A_83 = arith.constant 0 : i32
        %cond3A_84 = arith.cmpi ne, %convert_element_type3A_82, %cond3A_83 : i32
        scf.if %cond3A_84 {
          %mul3A_97 = arith.constant 128 : i32
          %mul3A_98 = arith.muli %scan3A_47, %mul3A_97 : i32
          %add3A_99 = arith.addi %mul3A_2, %mul3A_98 : i32
          %dma_wait3A_100 = arith.constant 0 : i32
          %dma_wait3A_101 = arith.constant 0 : i32
          %dma_wait3A_102 = tpu.memref_slice %arg6[%rem3A_80, %dma_wait3A_100, %dma_wait3A_101] : memref<4x128x64xf32, #tpu.memory_space<vmem>> -> memref<1x128x64xf32, #tpu.memory_space<vmem>>
          %dma_wait3A_103 = tpu.memref_squeeze %dma_wait3A_102 : memref<1x128x64xf32, #tpu.memory_space<vmem>> -> memref<128x64xf32, #tpu.memory_space<vmem>>
          %dma_wait3A_104 = arith.constant 0 : i32
          %dma_wait3A_105 = tpu.memref_slice %arg4[%add3A_99, %dma_wait3A_104] : memref<262144x64xf32, #tpu.memory_space<hbm>> -> memref<128x64xf32, #tpu.memory_space<hbm>>
          %dma_wait3A_106 = arith.constant 0 : i32
          %dma_wait3A_107 = tpu.memref_slice %arg4[%add3A_99, %dma_wait3A_106] : memref<262144x64xf32, #tpu.memory_space<hbm>> -> memref<128x64xf32, #tpu.memory_space<hbm>>
          %dma_wait3A_108 = arith.constant 0 : i32
          %dma_wait3A_109 = arith.constant 0 : i32
          %dma_wait3A_110 = tpu.memref_slice %arg6[%rem3A_80, %dma_wait3A_108, %dma_wait3A_109] : memref<4x128x64xf32, #tpu.memory_space<vmem>> -> memref<1x128x64xf32, #tpu.memory_space<vmem>>
          %dma_wait3A_111 = tpu.memref_squeeze %dma_wait3A_110 : memref<1x128x64xf32, #tpu.memory_space<vmem>> -> memref<128x64xf32, #tpu.memory_space<vmem>>
          tpu.wait_dma2 semaphore(%arg8 : memref<!tpu.dma_semaphore, #tpu.memory_space<semaphore_mem>>) src(%dma_wait3A_111 : memref<128x64xf32, #tpu.memory_space<vmem>>) dst(%dma_wait3A_107 : memref<128x64xf32, #tpu.memory_space<hbm>>)
        } else {
        }
        %add3A_85 = arith.constant 3 : i32
        %add3A_86 = arith.addi %scan3A_47, %add3A_85 : i32
        %dma_start3A_87 = arith.constant 0 : i32
        %dma_start3A_88 = arith.constant 0 : i32
        %dma_start3A_89 = tpu.memref_slice %arg6[%rem3A_80, %dma_start3A_87, %dma_start3A_88] : memref<4x128x64xf32, #tpu.memory_space<vmem>> -> memref<1x128x64xf32, #tpu.memory_space<vmem>>
        %dma_start3A_90 = tpu.memref_squeeze %dma_start3A_89 : memref<1x128x64xf32, #tpu.memory_space<vmem>> -> memref<128x64xf32, #tpu.memory_space<vmem>>
        %dma_start3A_91 = arith.constant 0 : i32
        %dma_start3A_92 = tpu.memref_slice %arg5[%add3A_86, %dma_start3A_91] : memref<64x128xi32, #tpu.memory_space<vmem>> -> memref<1x128xi32, #tpu.memory_space<vmem>>
        %dma_start3A_93 = tpu.memref_squeeze %dma_start3A_92 : memref<1x128xi32, #tpu.memory_space<vmem>> -> memref<128xi32, #tpu.memory_space<vmem>>
        %dma_start3A_94 = arith.constant 0 : i32
        %dma_start3A_95 = arith.constant 0 : i32
        %dma_start3A_96 = tpu.memref_slice %arg2[%dma_start3A_94, %dma_start3A_95] : memref<1000001x64xf32, #tpu.memory_space<hbm>> -> memref<1000001x64xf32, #tpu.memory_space<hbm>>
        tpu.enqueue_indirect_dma source(%dma_start3A_96 : memref<1000001x64xf32, #tpu.memory_space<hbm>>) target(%dma_start3A_90 : memref<128x64xf32, #tpu.memory_space<vmem>>) offsets(%dma_start3A_93 : memref<128xi32, #tpu.memory_space<vmem>>) semaphore(%arg7 : memref<!tpu.dma_semaphore, #tpu.memory_space<semaphore_mem>>)
      } else {
      }
    }
    %scan3A_41 = arith.constant 64 : i32
    %scan3A_42 = arith.constant 0 : i32
    %scan3A_43 = arith.constant 4 : i32
    %scan3A_44 = arith.addi %scan3A_42, %scan3A_43 : i32
    %scan3A_45 = arith.constant 1 : i32
    scf.for %scan3A_47 = %scan3A_42 to %scan3A_44 step %scan3A_45  : i32 {
      %dma_wait3A = arith.constant 0 : i32
      %dma_wait3A_48 = arith.constant 0 : i32
      %dma_wait3A_49 = arith.constant 0 : i32
      %dma_wait3A_50 = tpu.memref_slice %arg6[%dma_wait3A, %dma_wait3A_48, %dma_wait3A_49] : memref<4x128x64xf32, #tpu.memory_space<vmem>> -> memref<1x128x64xf32, #tpu.memory_space<vmem>>
      %dma_wait3A_51 = tpu.memref_squeeze %dma_wait3A_50 : memref<1x128x64xf32, #tpu.memory_space<vmem>> -> memref<128x64xf32, #tpu.memory_space<vmem>>
      %dma_wait3A_52 = arith.constant 0 : i32
      %dma_wait3A_53 = tpu.memref_slice %arg4[%mul3A_2, %dma_wait3A_52] : memref<262144x64xf32, #tpu.memory_space<hbm>> -> memref<128x64xf32, #tpu.memory_space<hbm>>
      %dma_wait3A_54 = arith.constant 0 : i32
      %dma_wait3A_55 = tpu.memref_slice %arg4[%mul3A_2, %dma_wait3A_54] : memref<262144x64xf32, #tpu.memory_space<hbm>> -> memref<128x64xf32, #tpu.memory_space<hbm>>
      %dma_wait3A_56 = arith.constant 0 : i32
      %dma_wait3A_57 = arith.constant 0 : i32
      %dma_wait3A_58 = tpu.memref_slice %arg6[%dma_wait3A, %dma_wait3A_56, %dma_wait3A_57] : memref<4x128x64xf32, #tpu.memory_space<vmem>> -> memref<1x128x64xf32, #tpu.memory_space<vmem>>
      %dma_wait3A_59 = tpu.memref_squeeze %dma_wait3A_58 : memref<1x128x64xf32, #tpu.memory_space<vmem>> -> memref<128x64xf32, #tpu.memory_space<vmem>>
      tpu.wait_dma2 semaphore(%arg8 : memref<!tpu.dma_semaphore, #tpu.memory_space<semaphore_mem>>) src(%dma_wait3A_59 : memref<128x64xf32, #tpu.memory_space<vmem>>) dst(%dma_wait3A_55 : memref<128x64xf32, #tpu.memory_space<hbm>>)
    }
    %scan3A_46 = arith.constant 4 : i32
    return
  }
}

module attributes {stable_mosaic.version = 14 : i64} {
  func.func @body(%arg0: i32, %arg1: memref<32x64xf32, #tpu.memory_space<vmem>>, %arg2: memref<32x200x64xf32, #tpu.memory_space<vmem>>, %arg3: memref<32x50x64xf32, #tpu.memory_space<vmem>>, %arg4: memref<32x64xf32, #tpu.memory_space<vmem>>, %arg5: memref<32x200xi32, #tpu.memory_space<vmem>>, %arg6: memref<64x64xf32, #tpu.memory_space<vmem>>, %arg7: memref<1x64xf32, #tpu.memory_space<vmem>>, %arg8: memref<64x64xf32, #tpu.memory_space<vmem>>, %arg9: memref<64x64xf32, #tpu.memory_space<vmem>>, %arg10: memref<64x64xf32, #tpu.memory_space<vmem>>, %arg11: memref<1x64xf32, #tpu.memory_space<vmem>>, %arg12: memref<64x1xf32, #tpu.memory_space<vmem>>, %arg13: memref<1x1xf32, #tpu.memory_space<vmem>>, %arg14: memref<1024x64xf32, #tpu.memory_space<vmem>>, %arg15: memref<64x64xf32, #tpu.memory_space<vmem>>, %arg16: memref<1x64xf32, #tpu.memory_space<vmem>>, %arg17: memref<64x192xf32, #tpu.memory_space<vmem>>, %arg18: memref<1x192xf32, #tpu.memory_space<vmem>>, %arg19: memref<64x64xf32, #tpu.memory_space<vmem>>, %arg20: memref<1x64xf32, #tpu.memory_space<vmem>>, %arg21: memref<1x64xf32, #tpu.memory_space<vmem>>, %arg22: memref<1x64xf32, #tpu.memory_space<vmem>>, %arg23: memref<64x128xf32, #tpu.memory_space<vmem>>, %arg24: memref<1x128xf32, #tpu.memory_space<vmem>>, %arg25: memref<128x64xf32, #tpu.memory_space<vmem>>, %arg26: memref<1x64xf32, #tpu.memory_space<vmem>>, %arg27: memref<1x64xf32, #tpu.memory_space<vmem>>, %arg28: memref<1x64xf32, #tpu.memory_space<vmem>>, %arg29: memref<64x192xf32, #tpu.memory_space<vmem>>, %arg30: memref<1x192xf32, #tpu.memory_space<vmem>>, %arg31: memref<64x64xf32, #tpu.memory_space<vmem>>, %arg32: memref<1x64xf32, #tpu.memory_space<vmem>>, %arg33: memref<1x64xf32, #tpu.memory_space<vmem>>, %arg34: memref<1x64xf32, #tpu.memory_space<vmem>>, %arg35: memref<64x128xf32, #tpu.memory_space<vmem>>, %arg36: memref<1x128xf32, #tpu.memory_space<vmem>>, %arg37: memref<128x64xf32, #tpu.memory_space<vmem>>, %arg38: memref<1x64xf32, #tpu.memory_space<vmem>>, %arg39: memref<1x64xf32, #tpu.memory_space<vmem>>, %arg40: memref<1x64xf32, #tpu.memory_space<vmem>>, %arg41: memref<256x256xf32, #tpu.memory_space<vmem>>, %arg42: memref<1x256xf32, #tpu.memory_space<vmem>>, %arg43: memref<256x128xf32, #tpu.memory_space<vmem>>, %arg44: memref<1x128xf32, #tpu.memory_space<vmem>>, %arg45: memref<128x1xf32, #tpu.memory_space<vmem>>, %arg46: memref<1x1xf32, #tpu.memory_space<vmem>>, %arg47: memref<32x1xf32, #tpu.memory_space<vmem>>) attributes {dimension_semantics = [#tpu.dimension_semantics<arbitrary>], iteration_bounds = array<i64: 32>, scalar_prefetch = 0 : i64, scratch_operands = 0 : i64, tpu.core_type = #tpu.core_type<tc>, window_params = [{transform_indices = @transform_0, window_bounds = array<i64: 32, 64>}, {transform_indices = @transform_1, window_bounds = array<i64: 32, 200, 64>}, {transform_indices = @transform_2, window_bounds = array<i64: 32, 50, 64>}, {transform_indices = @transform_3, window_bounds = array<i64: 32, 64>}, {transform_indices = @transform_4, window_bounds = array<i64: 32, 200>}, {pipeline_mode = #tpu.pipeline_mode<synchronous>, transform_indices = @transform_5, window_bounds = array<i64: 64, 64>}, {pipeline_mode = #tpu.pipeline_mode<synchronous>, transform_indices = @transform_6, window_bounds = array<i64: 1, 64>}, {pipeline_mode = #tpu.pipeline_mode<synchronous>, transform_indices = @transform_7, window_bounds = array<i64: 64, 64>}, {pipeline_mode = #tpu.pipeline_mode<synchronous>, transform_indices = @transform_8, window_bounds = array<i64: 64, 64>}, {pipeline_mode = #tpu.pipeline_mode<synchronous>, transform_indices = @transform_9, window_bounds = array<i64: 64, 64>}, {pipeline_mode = #tpu.pipeline_mode<synchronous>, transform_indices = @transform_10, window_bounds = array<i64: 1, 64>}, {pipeline_mode = #tpu.pipeline_mode<synchronous>, transform_indices = @transform_11, window_bounds = array<i64: 64, 1>}, {pipeline_mode = #tpu.pipeline_mode<synchronous>, transform_indices = @transform_12, window_bounds = array<i64: 1, 1>}, {pipeline_mode = #tpu.pipeline_mode<synchronous>, transform_indices = @transform_13, window_bounds = array<i64: 1024, 64>}, {pipeline_mode = #tpu.pipeline_mode<synchronous>, transform_indices = @transform_14, window_bounds = array<i64: 64, 64>}, {pipeline_mode = #tpu.pipeline_mode<synchronous>, transform_indices = @transform_15, window_bounds = array<i64: 1, 64>}, {pipeline_mode = #tpu.pipeline_mode<synchronous>, transform_indices = @transform_16, window_bounds = array<i64: 64, 192>}, {pipeline_mode = #tpu.pipeline_mode<synchronous>, transform_indices = @transform_17, window_bounds = array<i64: 1, 192>}, {pipeline_mode = #tpu.pipeline_mode<synchronous>, transform_indices = @transform_18, window_bounds = array<i64: 64, 64>}, {pipeline_mode = #tpu.pipeline_mode<synchronous>, transform_indices = @transform_19, window_bounds = array<i64: 1, 64>}, {pipeline_mode = #tpu.pipeline_mode<synchronous>, transform_indices = @transform_20, window_bounds = array<i64: 1, 64>}, {pipeline_mode = #tpu.pipeline_mode<synchronous>, transform_indices = @transform_21, window_bounds = array<i64: 1, 64>}, {pipeline_mode = #tpu.pipeline_mode<synchronous>, transform_indices = @transform_22, window_bounds = array<i64: 64, 128>}, {pipeline_mode = #tpu.pipeline_mode<synchronous>, transform_indices = @transform_23, window_bounds = array<i64: 1, 128>}, {pipeline_mode = #tpu.pipeline_mode<synchronous>, transform_indices = @transform_24, window_bounds = array<i64: 128, 64>}, {pipeline_mode = #tpu.pipeline_mode<synchronous>, transform_indices = @transform_25, window_bounds = array<i64: 1, 64>}, {pipeline_mode = #tpu.pipeline_mode<synchronous>, transform_indices = @transform_26, window_bounds = array<i64: 1, 64>}, {pipeline_mode = #tpu.pipeline_mode<synchronous>, transform_indices = @transform_27, window_bounds = array<i64: 1, 64>}, {pipeline_mode = #tpu.pipeline_mode<synchronous>, transform_indices = @transform_28, window_bounds = array<i64: 64, 192>}, {pipeline_mode = #tpu.pipeline_mode<synchronous>, transform_indices = @transform_29, window_bounds = array<i64: 1, 192>}, {pipeline_mode = #tpu.pipeline_mode<synchronous>, transform_indices = @transform_30, window_bounds = array<i64: 64, 64>}, {pipeline_mode = #tpu.pipeline_mode<synchronous>, transform_indices = @transform_31, window_bounds = array<i64: 1, 64>}, {pipeline_mode = #tpu.pipeline_mode<synchronous>, transform_indices = @transform_32, window_bounds = array<i64: 1, 64>}, {pipeline_mode = #tpu.pipeline_mode<synchronous>, transform_indices = @transform_33, window_bounds = array<i64: 1, 64>}, {pipeline_mode = #tpu.pipeline_mode<synchronous>, transform_indices = @transform_34, window_bounds = array<i64: 64, 128>}, {pipeline_mode = #tpu.pipeline_mode<synchronous>, transform_indices = @transform_35, window_bounds = array<i64: 1, 128>}, {pipeline_mode = #tpu.pipeline_mode<synchronous>, transform_indices = @transform_36, window_bounds = array<i64: 128, 64>}, {pipeline_mode = #tpu.pipeline_mode<synchronous>, transform_indices = @transform_37, window_bounds = array<i64: 1, 64>}, {pipeline_mode = #tpu.pipeline_mode<synchronous>, transform_indices = @transform_38, window_bounds = array<i64: 1, 64>}, {pipeline_mode = #tpu.pipeline_mode<synchronous>, transform_indices = @transform_39, window_bounds = array<i64: 1, 64>}, {pipeline_mode = #tpu.pipeline_mode<synchronous>, transform_indices = @transform_40, window_bounds = array<i64: 256, 256>}, {pipeline_mode = #tpu.pipeline_mode<synchronous>, transform_indices = @transform_41, window_bounds = array<i64: 1, 256>}, {pipeline_mode = #tpu.pipeline_mode<synchronous>, transform_indices = @transform_42, window_bounds = array<i64: 256, 128>}, {pipeline_mode = #tpu.pipeline_mode<synchronous>, transform_indices = @transform_43, window_bounds = array<i64: 1, 128>}, {pipeline_mode = #tpu.pipeline_mode<synchronous>, transform_indices = @transform_44, window_bounds = array<i64: 128, 1>}, {pipeline_mode = #tpu.pipeline_mode<synchronous>, transform_indices = @transform_45, window_bounds = array<i64: 1, 1>}, {transform_indices = @transform_46, window_bounds = array<i64: 32, 1>}]} {
    %get3A = arith.constant 0 : index
    %get3A_0 = arith.constant 0 : index
    %get3A_1 = vector.load %arg1[%get3A, %get3A_0] : memref<32x64xf32, #tpu.memory_space<vmem>>, vector<32x64xf32>
    %get3A_2 = arith.constant 0 : index
    %get3A_3 = arith.constant 0 : index
    %get3A_4 = arith.constant 0 : index
    %get3A_5 = vector.load %arg2[%get3A_2, %get3A_3, %get3A_4] : memref<32x200x64xf32, #tpu.memory_space<vmem>>, vector<32x200x64xf32>
    %get3A_6 = arith.constant 0 : index
    %get3A_7 = arith.constant 0 : index
    %get3A_8 = arith.constant 0 : index
    %get3A_9 = vector.load %arg3[%get3A_6, %get3A_7, %get3A_8] : memref<32x50x64xf32, #tpu.memory_space<vmem>>, vector<32x50x64xf32>
    %get3A_10 = arith.constant 0 : index
    %get3A_11 = arith.constant 0 : index
    %get3A_12 = vector.load %arg4[%get3A_10, %get3A_11] : memref<32x64xf32, #tpu.memory_space<vmem>>, vector<32x64xf32>
    %get3A_13 = arith.constant 0 : index
    %get3A_14 = arith.constant 0 : index
    %get3A_15 = vector.load %arg5[%get3A_13, %get3A_14] : memref<32x200xi32, #tpu.memory_space<vmem>>, vector<32x200xi32>
    %get3A_16 = arith.constant 0 : index
    %get3A_17 = arith.constant 0 : index
    %get3A_18 = vector.load %arg6[%get3A_16, %get3A_17] : memref<64x64xf32, #tpu.memory_space<vmem>>, vector<64x64xf32>
    %dot_general3A = arith.constant dense<0.000000e+00> : vector<32x64xf32>
    %dot_general3A_19 = tpu.matmul %get3A_12, %get3A_18, %dot_general3A {dimension_numbers = #tpu.dot_dimension_numbers<[1], [0], [0], [1], [0, 0, 1, 1], [], []>, transpose_lhs_hint = false} : vector<32x64xf32>, vector<64x64xf32>, vector<32x64xf32> -> vector<32x64xf32>
    %get3A_20 = arith.constant 0 : index
    %get3A_21 = arith.constant 0 : index
    %get3A_22 = vector.load %arg7[%get3A_20, %get3A_21] : memref<1x64xf32, #tpu.memory_space<vmem>>, vector<1x64xf32>
    %add3A = vector.broadcast %get3A_22 : vector<1x64xf32> to vector<32x64xf32>
    %add3A_23 = arith.addf %dot_general3A_19, %add3A : vector<32x64xf32>
    %reshape3A = vector.shape_cast %get3A_5 : vector<32x200x64xf32> to vector<6400x64xf32>
    %broadcast_in_dim3A = vector.shape_cast %add3A_23 : vector<32x64xf32> to vector<32x1x64xf32>
    %broadcast_in_dim3A_24 = vector.shape_cast %broadcast_in_dim3A : vector<32x1x64xf32> to vector<32x1x64xf32>
    %broadcast_in_dim3A_25 = vector.broadcast %broadcast_in_dim3A_24 : vector<32x1x64xf32> to vector<32x200x64xf32>
    %reshape3A_26 = vector.shape_cast %broadcast_in_dim3A_25 : vector<32x200x64xf32> to vector<6400x64xf32>
    %get3A_27 = arith.constant 0 : index
    %get3A_28 = arith.constant 0 : index
    %get3A_29 = vector.load %arg8[%get3A_27, %get3A_28] : memref<64x64xf32, #tpu.memory_space<vmem>>, vector<64x64xf32>
    %dot_general3A_30 = arith.constant dense<0.000000e+00> : vector<32x64xf32>
    %dot_general3A_31 = tpu.matmul %add3A_23, %get3A_29, %dot_general3A_30 {dimension_numbers = #tpu.dot_dimension_numbers<[1], [0], [0], [1], [0, 0, 1, 1], [], []>, transpose_lhs_hint = false} : vector<32x64xf32>, vector<64x64xf32>, vector<32x64xf32> -> vector<32x64xf32>
    %get3A_32 = arith.constant 0 : index
    %get3A_33 = arith.constant 0 : index
    %get3A_34 = vector.load %arg11[%get3A_32, %get3A_33] : memref<1x64xf32, #tpu.memory_space<vmem>>, vector<1x64xf32>
    %add3A_35 = vector.broadcast %get3A_34 : vector<1x64xf32> to vector<32x64xf32>
    %add3A_36 = arith.addf %dot_general3A_31, %add3A_35 : vector<32x64xf32>
    %broadcast_in_dim3A_37 = vector.shape_cast %add3A_36 : vector<32x64xf32> to vector<32x1x64xf32>
    %broadcast_in_dim3A_38 = vector.shape_cast %broadcast_in_dim3A_37 : vector<32x1x64xf32> to vector<32x1x64xf32>
    %broadcast_in_dim3A_39 = vector.broadcast %broadcast_in_dim3A_38 : vector<32x1x64xf32> to vector<32x200x64xf32>
    %reshape3A_40 = vector.shape_cast %broadcast_in_dim3A_39 : vector<32x200x64xf32> to vector<6400x64xf32>
    %get3A_41 = arith.constant 0 : index
    %get3A_42 = arith.constant 0 : index
    %get3A_43 = vector.load %arg9[%get3A_41, %get3A_42] : memref<64x64xf32, #tpu.memory_space<vmem>>, vector<64x64xf32>
    %dot_general3A_44 = arith.constant dense<0.000000e+00> : vector<6400x64xf32>
    %dot_general3A_45 = tpu.matmul %reshape3A, %get3A_43, %dot_general3A_44 {dimension_numbers = #tpu.dot_dimension_numbers<[1], [0], [0], [1], [0, 0, 1, 1], [], []>, transpose_lhs_hint = false} : vector<6400x64xf32>, vector<64x64xf32>, vector<6400x64xf32> -> vector<6400x64xf32>
    %mul3A = arith.mulf %reshape3A, %reshape3A_26 : vector<6400x64xf32>
    %get3A_46 = arith.constant 0 : index
    %get3A_47 = arith.constant 0 : index
    %get3A_48 = vector.load %arg10[%get3A_46, %get3A_47] : memref<64x64xf32, #tpu.memory_space<vmem>>, vector<64x64xf32>
    %dot_general3A_49 = arith.constant dense<0.000000e+00> : vector<6400x64xf32>
    %dot_general3A_50 = tpu.matmul %mul3A, %get3A_48, %dot_general3A_49 {dimension_numbers = #tpu.dot_dimension_numbers<[1], [0], [0], [1], [0, 0, 1, 1], [], []>, transpose_lhs_hint = false} : vector<6400x64xf32>, vector<64x64xf32>, vector<6400x64xf32> -> vector<6400x64xf32>
    %add3A_51 = arith.addf %dot_general3A_45, %dot_general3A_50 : vector<6400x64xf32>
    %add3A_52 = arith.addf %add3A_51, %reshape3A_40 : vector<6400x64xf32>
    %max3A = arith.constant 0.000000e+00 : f32
    %max3A_53 = vector.broadcast %max3A : f32 to vector<6400x64xf32>
    %max3A_54 = arith.maximumf %add3A_52, %max3A_53 : vector<6400x64xf32>
    %get3A_55 = arith.constant 0 : index
    %get3A_56 = arith.constant 0 : index
    %get3A_57 = vector.load %arg12[%get3A_55, %get3A_56] : memref<64x1xf32, #tpu.memory_space<vmem>>, vector<64x1xf32>
    %dot_general3A_58 = arith.constant dense<0.000000e+00> : vector<6400x1xf32>
    %dot_general3A_59 = tpu.matmul %max3A_54, %get3A_57, %dot_general3A_58 {dimension_numbers = #tpu.dot_dimension_numbers<[1], [0], [0], [1], [0, 0, 1, 1], [], []>, transpose_lhs_hint = false} : vector<6400x64xf32>, vector<64x1xf32>, vector<6400x1xf32> -> vector<6400x1xf32>
    %get3A_60 = arith.constant 0 : index
    %get3A_61 = arith.constant 0 : index
    %get3A_62 = vector.load %arg13[%get3A_60, %get3A_61] : memref<1x1xf32, #tpu.memory_space<vmem>>, vector<1x1xf32>
    %add3A_63 = vector.broadcast %get3A_62 : vector<1x1xf32> to vector<6400x1xf32>
    %add3A_64 = arith.addf %dot_general3A_59, %add3A_63 : vector<6400x1xf32>
    %reshape3A_65 = vector.shape_cast %add3A_64 : vector<6400x1xf32> to vector<32x200xf32>
    %reduce_max3A = arith.constant dense<0xFF800000> : vector<32xf32>
    %reduce_max3A_66 = vector.multi_reduction <maximumf>, %reshape3A_65, %reduce_max3A [1] : vector<32x200xf32> to vector<32xf32>
    %broadcast_in_dim3A_67 = vector.shape_cast %reduce_max3A_66 : vector<32xf32> to vector<32x1xf32>
    %sub3A = vector.broadcast %broadcast_in_dim3A_67 : vector<32x1xf32> to vector<32x200xf32>
    %sub3A_68 = arith.subf %reshape3A_65, %sub3A : vector<32x200xf32>
    %exp3A = math.exp %sub3A_68 : vector<32x200xf32>
    %reduce_sum3A = arith.constant dense<0.000000e+00> : vector<32xf32>
    %reduce_sum3A_69 = vector.multi_reduction <add>, %exp3A, %reduce_sum3A [1] : vector<32x200xf32> to vector<32xf32>
    %broadcast_in_dim3A_70 = vector.shape_cast %reduce_sum3A_69 : vector<32xf32> to vector<32x1xf32>
    %div3A = vector.broadcast %broadcast_in_dim3A_70 : vector<32x1xf32> to vector<32x200xf32>
    %div3A_71 = arith.divf %exp3A, %div3A : vector<32x200xf32>
    %bitcast_convert_type3A = tpu.bitcast %div3A_71 : vector<32x200xf32> -> vector<32x200xi32>
    %broadcast_in_dim3A_72 = arith.constant 0 : i32
    %broadcast_in_dim3A_73 = vector.broadcast %broadcast_in_dim3A_72 : i32 to vector<32x1xi32>
    %broadcast_in_dim3A_74 = arith.constant 1065353217 : i32
    %broadcast_in_dim3A_75 = vector.broadcast %broadcast_in_dim3A_74 : i32 to vector<32x1xi32>
    %scan3A = arith.constant 0 : i32
    %scan3A_76 = arith.constant 31 : i32
    %scan3A_77 = arith.addi %scan3A, %scan3A_76 : i32
    %scan3A_78 = arith.constant 1 : i32
    %scan3A_79:2 = scf.for %scan3A_1601 = %scan3A to %scan3A_77 step %scan3A_78 iter_args(%scan3A_1602 = %broadcast_in_dim3A_73, %scan3A_1603 = %broadcast_in_dim3A_75) -> (vector<32x1xi32>, vector<32x1xi32>)  : i32 {
      %add3A_1604 = arith.addi %scan3A_1602, %scan3A_1603 : vector<32x1xi32>
      %shift_right_arithmetic3A = arith.constant 1 : i32
      %shift_right_arithmetic3A_1605 = vector.broadcast %shift_right_arithmetic3A : i32 to vector<32x1xi32>
      %shift_right_arithmetic3A_1606 = arith.shrsi %add3A_1604, %shift_right_arithmetic3A_1605 : vector<32x1xi32>
      %ge3A = vector.broadcast %shift_right_arithmetic3A_1606 : vector<32x1xi32> to vector<32x200xi32>
      %ge3A_1607 = arith.cmpi sge, %bitcast_convert_type3A, %ge3A : vector<32x200xi32>
      %jit3A_1608 = arith.constant 1.000000e+00 : f32
      %jit3A_1609 = arith.constant 0.000000e+00 : f32
      %broadcast_in_dim3A_1610 = vector.broadcast %jit3A_1608 : f32 to vector<32x200xf32>
      %broadcast_in_dim3A_1611 = vector.broadcast %jit3A_1609 : f32 to vector<32x200xf32>
      %select_n3A_1612 = arith.select %ge3A_1607, %broadcast_in_dim3A_1610, %broadcast_in_dim3A_1611 : vector<32x200xi1>, vector<32x200xf32>
      %reduce_sum3A_1613 = arith.constant dense<0.000000e+00> : vector<32xf32>
      %reduce_sum3A_1614 = vector.multi_reduction <add>, %select_n3A_1612, %reduce_sum3A_1613 [1] : vector<32x200xf32> to vector<32xf32>
      %broadcast_in_dim3A_1615 = vector.shape_cast %reduce_sum3A_1614 : vector<32xf32> to vector<32x1xf32>
      %ge3A_1616 = arith.constant 5.000000e+01 : f32
      %ge3A_1617 = vector.broadcast %ge3A_1616 : f32 to vector<32x1xf32>
      %ge3A_1618 = arith.cmpf oge, %broadcast_in_dim3A_1615, %ge3A_1617 : vector<32x1xf32>
      %select_n3A_1619 = arith.select %ge3A_1618, %shift_right_arithmetic3A_1606, %scan3A_1602 : vector<32x1xi1>, vector<32x1xi32>
      %select_n3A_1620 = arith.select %ge3A_1618, %scan3A_1603, %shift_right_arithmetic3A_1606 : vector<32x1xi1>, vector<32x1xi32>
      scf.yield %select_n3A_1619, %select_n3A_1620 : vector<32x1xi32>, vector<32x1xi32>
    }
    %gt3A = vector.broadcast %scan3A_79#0 : vector<32x1xi32> to vector<32x200xi32>
    %gt3A_80 = arith.cmpi sgt, %bitcast_convert_type3A, %gt3A : vector<32x200xi32>
    %eq3A = vector.broadcast %scan3A_79#0 : vector<32x1xi32> to vector<32x200xi32>
    %eq3A_81 = arith.cmpi eq, %bitcast_convert_type3A, %eq3A : vector<32x200xi32>
    %jit3A = arith.constant 1.000000e+00 : f32
    %jit3A_82 = arith.constant 0.000000e+00 : f32
    %broadcast_in_dim3A_83 = vector.broadcast %jit3A : f32 to vector<32x200xf32>
    %broadcast_in_dim3A_84 = vector.broadcast %jit3A_82 : f32 to vector<32x200xf32>
    %select_n3A = arith.select %gt3A_80, %broadcast_in_dim3A_83, %broadcast_in_dim3A_84 : vector<32x200xi1>, vector<32x200xf32>
    %reduce_sum3A_85 = arith.constant dense<0.000000e+00> : vector<32xf32>
    %reduce_sum3A_86 = vector.multi_reduction <add>, %select_n3A, %reduce_sum3A_85 [1] : vector<32x200xf32> to vector<32xf32>
    %broadcast_in_dim3A_87 = vector.shape_cast %reduce_sum3A_86 : vector<32xf32> to vector<32x1xf32>
    %sub3A_88 = arith.constant 5.000000e+01 : f32
    %sub3A_89 = vector.broadcast %sub3A_88 : f32 to vector<32x1xf32>
    %sub3A_90 = arith.subf %sub3A_89, %broadcast_in_dim3A_87 : vector<32x1xf32>
    %iota3A = tpu.iota {dimensions = array<i32: 0>} : vector<200x200xi32>
    %iota3A_91 = tpu.iota {dimensions = array<i32: 1>} : vector<200x200xi32>
    %le3A = arith.cmpi sle, %iota3A, %iota3A_91 : vector<200x200xi32>
    %jit3A_92 = arith.constant 1.000000e+00 : f32
    %jit3A_93 = arith.constant 0.000000e+00 : f32
    %broadcast_in_dim3A_94 = vector.broadcast %jit3A_92 : f32 to vector<200x200xf32>
    %broadcast_in_dim3A_95 = vector.broadcast %jit3A_93 : f32 to vector<200x200xf32>
    %select_n3A_96 = arith.select %le3A, %broadcast_in_dim3A_94, %broadcast_in_dim3A_95 : vector<200x200xi1>, vector<200x200xf32>
    %jit3A_97 = arith.constant 1.000000e+00 : f32
    %jit3A_98 = arith.constant 0.000000e+00 : f32
    %broadcast_in_dim3A_99 = vector.broadcast %jit3A_97 : f32 to vector<32x200xf32>
    %broadcast_in_dim3A_100 = vector.broadcast %jit3A_98 : f32 to vector<32x200xf32>
    %select_n3A_101 = arith.select %eq3A_81, %broadcast_in_dim3A_99, %broadcast_in_dim3A_100 : vector<32x200xi1>, vector<32x200xf32>
    %dot_general3A_102 = arith.constant dense<0.000000e+00> : vector<32x200xf32>
    %dot_general3A_103 = tpu.matmul %select_n3A_101, %select_n3A_96, %dot_general3A_102 {dimension_numbers = #tpu.dot_dimension_numbers<[1], [0], [0], [1], [0, 0, 1, 1], [], []>, transpose_lhs_hint = false} : vector<32x200xf32>, vector<200x200xf32>, vector<32x200xf32> -> vector<32x200xf32>
    %le3A_104 = vector.broadcast %sub3A_90 : vector<32x1xf32> to vector<32x200xf32>
    %le3A_105 = arith.cmpf ole, %dot_general3A_103, %le3A_104 : vector<32x200xf32>
    %and3A = arith.andi %eq3A_81, %le3A_105 : vector<32x200xi1>
    %or3A = arith.ori %gt3A_80, %and3A : vector<32x200xi1>
    %reduce_max3A_106 = arith.constant dense<0xFF800000> : vector<32xf32>
    %reduce_max3A_107 = vector.multi_reduction <maximumf>, %div3A_71, %reduce_max3A_106 [1] : vector<32x200xf32> to vector<32xf32>
    %broadcast_in_dim3A_108 = vector.shape_cast %reduce_max3A_107 : vector<32xf32> to vector<32x1xf32>
    %sub3A_109 = vector.broadcast %broadcast_in_dim3A_108 : vector<32x1xf32> to vector<32x200xf32>
    %sub3A_110 = arith.subf %div3A_71, %sub3A_109 : vector<32x200xf32>
    %exp3A_111 = math.exp %sub3A_110 : vector<32x200xf32>
    %jit3A_112 = arith.constant 0.000000e+00 : f32
    %broadcast_in_dim3A_113 = vector.broadcast %jit3A_112 : f32 to vector<32x200xf32>
    %select_n3A_114 = arith.select %or3A, %exp3A_111, %broadcast_in_dim3A_113 : vector<32x200xi1>, vector<32x200xf32>
    %reduce_sum3A_115 = arith.constant dense<0.000000e+00> : vector<32xf32>
    %reduce_sum3A_116 = vector.multi_reduction <add>, %select_n3A_114, %reduce_sum3A_115 [1] : vector<32x200xf32> to vector<32xf32>
    %broadcast_in_dim3A_117 = vector.shape_cast %reduce_sum3A_116 : vector<32xf32> to vector<32x1xf32>
    %div3A_118 = vector.broadcast %broadcast_in_dim3A_117 : vector<32x1xf32> to vector<32x200xf32>
    %div3A_119 = arith.divf %select_n3A_114, %div3A_118 : vector<32x200xf32>
    %broadcast_in_dim3A_120 = vector.shape_cast %div3A_119 : vector<32x200xf32> to vector<32x200x1xf32>
    %mul3A_121 = vector.broadcast %broadcast_in_dim3A_120 : vector<32x200x1xf32> to vector<32x200x64xf32>
    %mul3A_122 = arith.mulf %mul3A_121, %get3A_5 : vector<32x200x64xf32>
    %reduce_sum3A_123 = arith.constant dense<0.000000e+00> : vector<32x64xf32>
    %reduce_sum3A_124 = vector.multi_reduction <add>, %mul3A_122, %reduce_sum3A_123 [1] : vector<32x200x64xf32> to vector<32x64xf32>
    %reduce_sum3A_125 = arith.constant dense<0.000000e+00> : vector<32x64xf32>
    %reduce_sum3A_126 = vector.multi_reduction <add>, %get3A_5, %reduce_sum3A_125 [1] : vector<32x200x64xf32> to vector<32x64xf32>
    %div3A_127 = arith.constant 2.000000e+02 : f32
    %div3A_128 = vector.broadcast %div3A_127 : f32 to vector<32x64xf32>
    %div3A_129 = arith.divf %reduce_sum3A_126, %div3A_128 : vector<32x64xf32>
    %iota3A_130 = tpu.iota {dimensions = array<i32: 2>} : vector<32x200x1024xi16>
    %convert_element_type3A = arith.trunci %get3A_15 : vector<32x200xi32> to vector<32x200xi16>
    %broadcast_in_dim3A_131 = vector.shape_cast %convert_element_type3A : vector<32x200xi16> to vector<32x200x1xi16>
    %eq3A_132 = vector.broadcast %broadcast_in_dim3A_131 : vector<32x200x1xi16> to vector<32x200x1024xi16>
    %eq3A_133 = arith.cmpi eq, %eq3A_132, %iota3A_130 : vector<32x200x1024xi16>
    %jit3A_134 = arith.constant 1.000000e+00 : bf16
    %jit3A_135 = arith.constant 0.000000e+00 : bf16
    %broadcast_in_dim3A_136 = vector.broadcast %jit3A_134 : bf16 to vector<32x200x1024xbf16>
    %broadcast_in_dim3A_137 = vector.broadcast %jit3A_135 : bf16 to vector<32x200x1024xbf16>
    %select_n3A_138 = arith.select %eq3A_133, %broadcast_in_dim3A_136, %broadcast_in_dim3A_137 : vector<32x200x1024xi1>, vector<32x200x1024xbf16>
    %iota3A_139 = tpu.iota {dimensions = array<i32: 0>} : vector<32x6400xi32>
    %iota3A_140 = tpu.iota {dimensions = array<i32: 1>} : vector<32x6400xi32>
    %jit3A_141 = arith.constant 200 : i32
    %div3A_142 = vector.broadcast %jit3A_141 : i32 to vector<32x6400xi32>
    %div3A_143 = arith.divsi %iota3A_140, %div3A_142 : vector<32x6400xi32>
    %sign3A = arith.constant 0 : i32
    %sign3A_144 = vector.broadcast %sign3A : i32 to vector<32x6400xi32>
    %sign3A_145 = arith.cmpi sgt, %iota3A_140, %sign3A_144 : vector<32x6400xi32>
    %sign3A_146 = arith.extui %sign3A_145 : vector<32x6400xi1> to vector<32x6400xi32>
    %sign3A_147 = arith.constant 0 : i32
    %sign3A_148 = vector.broadcast %sign3A_147 : i32 to vector<32x6400xi32>
    %sign3A_149 = arith.cmpi slt, %iota3A_140, %sign3A_148 : vector<32x6400xi32>
    %sign3A_150 = arith.extui %sign3A_149 : vector<32x6400xi1> to vector<32x6400xi32>
    %sign3A_151 = arith.subi %sign3A_146, %sign3A_150 : vector<32x6400xi32>
    %sign3A_152 = arith.constant 0 : i32
    %sign3A_153 = arith.cmpi sgt, %jit3A_141, %sign3A_152 : i32
    %sign3A_154 = arith.extui %sign3A_153 : i1 to i32
    %sign3A_155 = arith.constant 0 : i32
    %sign3A_156 = arith.cmpi slt, %jit3A_141, %sign3A_155 : i32
    %sign3A_157 = arith.extui %sign3A_156 : i1 to i32
    %sign3A_158 = arith.subi %sign3A_154, %sign3A_157 : i32
    %ne3A = vector.broadcast %sign3A_158 : i32 to vector<32x6400xi32>
    %ne3A_159 = arith.cmpi ne, %sign3A_151, %ne3A : vector<32x6400xi32>
    %rem3A = vector.broadcast %jit3A_141 : i32 to vector<32x6400xi32>
    %rem3A_160 = arith.remsi %iota3A_140, %rem3A : vector<32x6400xi32>
    %ne3A_161 = arith.constant 0 : i32
    %ne3A_162 = vector.broadcast %ne3A_161 : i32 to vector<32x6400xi32>
    %ne3A_163 = arith.cmpi ne, %rem3A_160, %ne3A_162 : vector<32x6400xi32>
    %and3A_164 = arith.andi %ne3A_159, %ne3A_163 : vector<32x6400xi1>
    %sub3A_165 = arith.constant 1 : i32
    %sub3A_166 = vector.broadcast %sub3A_165 : i32 to vector<32x6400xi32>
    %sub3A_167 = arith.subi %div3A_143, %sub3A_166 : vector<32x6400xi32>
    %select_n3A_168 = arith.select %and3A_164, %sub3A_167, %div3A_143 : vector<32x6400xi1>, vector<32x6400xi32>
    %eq3A_169 = arith.cmpi eq, %iota3A_139, %select_n3A_168 : vector<32x6400xi32>
    %jit3A_170 = arith.constant 1.000000e+00 : f32
    %jit3A_171 = arith.constant 0.000000e+00 : f32
    %broadcast_in_dim3A_172 = vector.broadcast %jit3A_170 : f32 to vector<32x6400xf32>
    %broadcast_in_dim3A_173 = vector.broadcast %jit3A_171 : f32 to vector<32x6400xf32>
    %select_n3A_174 = arith.select %eq3A_169, %broadcast_in_dim3A_172, %broadcast_in_dim3A_173 : vector<32x6400xi1>, vector<32x6400xf32>
    %convert_element_type3A_175 = arith.truncf %select_n3A_174 : vector<32x6400xf32> to vector<32x6400xbf16>
    %reshape3A_176 = vector.shape_cast %select_n3A_138 : vector<32x200x1024xbf16> to vector<6400x1024xbf16>
    %dot_general3A_177 = arith.constant dense<0.000000e+00> : vector<32x1024xf32>
    %dot_general3A_178 = tpu.matmul %convert_element_type3A_175, %reshape3A_176, %dot_general3A_177 {dimension_numbers = #tpu.dot_dimension_numbers<[1], [0], [0], [1], [0, 0, 1, 1], [], []>, transpose_lhs_hint = false} : vector<32x6400xbf16>, vector<6400x1024xbf16>, vector<32x1024xf32> -> vector<32x1024xf32>
    %mul3A_179 = arith.constant 5.000000e-03 : f32
    %mul3A_180 = vector.broadcast %mul3A_179 : f32 to vector<32x1024xf32>
    %mul3A_181 = arith.mulf %dot_general3A_178, %mul3A_180 : vector<32x1024xf32>
    %get3A_182 = arith.constant 0 : index
    %get3A_183 = arith.constant 0 : index
    %get3A_184 = vector.load %arg14[%get3A_182, %get3A_183] : memref<1024x64xf32, #tpu.memory_space<vmem>>, vector<1024x64xf32>
    %dot_general3A_185 = arith.constant dense<0.000000e+00> : vector<32x64xf32>
    %dot_general3A_186 = tpu.matmul %mul3A_181, %get3A_184, %dot_general3A_185 {dimension_numbers = #tpu.dot_dimension_numbers<[1], [0], [0], [1], [0, 0, 1, 1], [], []>, transpose_lhs_hint = false} : vector<32x1024xf32>, vector<1024x64xf32>, vector<32x64xf32> -> vector<32x64xf32>
    %add3A_187 = arith.addf %dot_general3A_186, %div3A_129 : vector<32x64xf32>
    %get3A_188 = arith.constant 0 : index
    %get3A_189 = arith.constant 0 : index
    %get3A_190 = vector.load %arg15[%get3A_188, %get3A_189] : memref<64x64xf32, #tpu.memory_space<vmem>>, vector<64x64xf32>
    %dot_general3A_191 = arith.constant dense<0.000000e+00> : vector<32x64xf32>
    %dot_general3A_192 = tpu.matmul %add3A_187, %get3A_190, %dot_general3A_191 {dimension_numbers = #tpu.dot_dimension_numbers<[1], [0], [0], [1], [0, 0, 1, 1], [], []>, transpose_lhs_hint = false} : vector<32x64xf32>, vector<64x64xf32>, vector<32x64xf32> -> vector<32x64xf32>
    %get3A_193 = arith.constant 0 : index
    %get3A_194 = arith.constant 0 : index
    %get3A_195 = vector.load %arg16[%get3A_193, %get3A_194] : memref<1x64xf32, #tpu.memory_space<vmem>>, vector<1x64xf32>
    %add3A_196 = vector.broadcast %get3A_195 : vector<1x64xf32> to vector<32x64xf32>
    %add3A_197 = arith.addf %dot_general3A_192, %add3A_196 : vector<32x64xf32>
    %reshape3A_198 = vector.shape_cast %get3A_9 : vector<32x50x64xf32> to vector<1600x64xf32>
    %convert_element_type3A_199 = arith.truncf %reshape3A_198 : vector<1600x64xf32> to vector<1600x64xbf16>
    %iota3A_200 = tpu.iota {dimensions = array<i32: 0>} : vector<200x64xi32>
    %jit3A_201 = arith.constant 50 : i32
    %div3A_202 = vector.broadcast %jit3A_201 : i32 to vector<200x64xi32>
    %div3A_203 = arith.divsi %iota3A_200, %div3A_202 : vector<200x64xi32>
    %sign3A_204 = arith.constant 0 : i32
    %sign3A_205 = vector.broadcast %sign3A_204 : i32 to vector<200x64xi32>
    %sign3A_206 = arith.cmpi sgt, %iota3A_200, %sign3A_205 : vector<200x64xi32>
    %sign3A_207 = arith.extui %sign3A_206 : vector<200x64xi1> to vector<200x64xi32>
    %sign3A_208 = arith.constant 0 : i32
    %sign3A_209 = vector.broadcast %sign3A_208 : i32 to vector<200x64xi32>
    %sign3A_210 = arith.cmpi slt, %iota3A_200, %sign3A_209 : vector<200x64xi32>
    %sign3A_211 = arith.extui %sign3A_210 : vector<200x64xi1> to vector<200x64xi32>
    %sign3A_212 = arith.subi %sign3A_207, %sign3A_211 : vector<200x64xi32>
    %sign3A_213 = arith.constant 0 : i32
    %sign3A_214 = arith.cmpi sgt, %jit3A_201, %sign3A_213 : i32
    %sign3A_215 = arith.extui %sign3A_214 : i1 to i32
    %sign3A_216 = arith.constant 0 : i32
    %sign3A_217 = arith.cmpi slt, %jit3A_201, %sign3A_216 : i32
    %sign3A_218 = arith.extui %sign3A_217 : i1 to i32
    %sign3A_219 = arith.subi %sign3A_215, %sign3A_218 : i32
    %ne3A_220 = vector.broadcast %sign3A_219 : i32 to vector<200x64xi32>
    %ne3A_221 = arith.cmpi ne, %sign3A_212, %ne3A_220 : vector<200x64xi32>
    %rem3A_222 = vector.broadcast %jit3A_201 : i32 to vector<200x64xi32>
    %rem3A_223 = arith.remsi %iota3A_200, %rem3A_222 : vector<200x64xi32>
    %ne3A_224 = arith.constant 0 : i32
    %ne3A_225 = vector.broadcast %ne3A_224 : i32 to vector<200x64xi32>
    %ne3A_226 = arith.cmpi ne, %rem3A_223, %ne3A_225 : vector<200x64xi32>
    %and3A_227 = arith.andi %ne3A_221, %ne3A_226 : vector<200x64xi1>
    %sub3A_228 = arith.constant 1 : i32
    %sub3A_229 = vector.broadcast %sub3A_228 : i32 to vector<200x64xi32>
    %sub3A_230 = arith.subi %div3A_203, %sub3A_229 : vector<200x64xi32>
    %select_n3A_231 = arith.select %and3A_227, %sub3A_230, %div3A_203 : vector<200x64xi1>, vector<200x64xi32>
    %iota3A_232 = tpu.iota {dimensions = array<i32: 1>} : vector<200x64xi32>
    %jit3A_233 = arith.constant 16 : i32
    %div3A_234 = vector.broadcast %jit3A_233 : i32 to vector<200x64xi32>
    %div3A_235 = arith.divsi %iota3A_232, %div3A_234 : vector<200x64xi32>
    %sign3A_236 = arith.constant 0 : i32
    %sign3A_237 = vector.broadcast %sign3A_236 : i32 to vector<200x64xi32>
    %sign3A_238 = arith.cmpi sgt, %iota3A_232, %sign3A_237 : vector<200x64xi32>
    %sign3A_239 = arith.extui %sign3A_238 : vector<200x64xi1> to vector<200x64xi32>
    %sign3A_240 = arith.constant 0 : i32
    %sign3A_241 = vector.broadcast %sign3A_240 : i32 to vector<200x64xi32>
    %sign3A_242 = arith.cmpi slt, %iota3A_232, %sign3A_241 : vector<200x64xi32>
    %sign3A_243 = arith.extui %sign3A_242 : vector<200x64xi1> to vector<200x64xi32>
    %sign3A_244 = arith.subi %sign3A_239, %sign3A_243 : vector<200x64xi32>
    %sign3A_245 = arith.constant 0 : i32
    %sign3A_246 = arith.cmpi sgt, %jit3A_233, %sign3A_245 : i32
    %sign3A_247 = arith.extui %sign3A_246 : i1 to i32
    %sign3A_248 = arith.constant 0 : i32
    %sign3A_249 = arith.cmpi slt, %jit3A_233, %sign3A_248 : i32
    %sign3A_250 = arith.extui %sign3A_249 : i1 to i32
    %sign3A_251 = arith.subi %sign3A_247, %sign3A_250 : i32
    %ne3A_252 = vector.broadcast %sign3A_251 : i32 to vector<200x64xi32>
    %ne3A_253 = arith.cmpi ne, %sign3A_244, %ne3A_252 : vector<200x64xi32>
    %rem3A_254 = vector.broadcast %jit3A_233 : i32 to vector<200x64xi32>
    %rem3A_255 = arith.remsi %iota3A_232, %rem3A_254 : vector<200x64xi32>
    %ne3A_256 = arith.constant 0 : i32
    %ne3A_257 = vector.broadcast %ne3A_256 : i32 to vector<200x64xi32>
    %ne3A_258 = arith.cmpi ne, %rem3A_255, %ne3A_257 : vector<200x64xi32>
    %and3A_259 = arith.andi %ne3A_253, %ne3A_258 : vector<200x64xi1>
    %sub3A_260 = arith.constant 1 : i32
    %sub3A_261 = vector.broadcast %sub3A_260 : i32 to vector<200x64xi32>
    %sub3A_262 = arith.subi %div3A_235, %sub3A_261 : vector<200x64xi32>
    %select_n3A_263 = arith.select %and3A_259, %sub3A_262, %div3A_235 : vector<200x64xi1>, vector<200x64xi32>
    %eq3A_264 = arith.cmpi eq, %select_n3A_231, %select_n3A_263 : vector<200x64xi32>
    %jit3A_265 = arith.constant 1.000000e+00 : f32
    %jit3A_266 = arith.constant 0.000000e+00 : f32
    %broadcast_in_dim3A_267 = vector.broadcast %jit3A_265 : f32 to vector<200x64xf32>
    %broadcast_in_dim3A_268 = vector.broadcast %jit3A_266 : f32 to vector<200x64xf32>
    %select_n3A_269 = arith.select %eq3A_264, %broadcast_in_dim3A_267, %broadcast_in_dim3A_268 : vector<200x64xi1>, vector<200x64xf32>
    %convert_element_type3A_270 = arith.truncf %select_n3A_269 : vector<200x64xf32> to vector<200x64xbf16>
    %get3A_271 = arith.constant 0 : index
    %get3A_272 = arith.constant 0 : index
    %get3A_273 = vector.load %arg17[%get3A_271, %get3A_272] : memref<64x192xf32, #tpu.memory_space<vmem>>, vector<64x192xf32>
    %convert_element_type3A_274 = arith.truncf %get3A_273 : vector<64x192xf32> to vector<64x192xbf16>
    %dot_general3A_275 = arith.constant dense<0.000000e+00> : vector<1600x192xf32>
    %dot_general3A_276 = tpu.matmul %convert_element_type3A_199, %convert_element_type3A_274, %dot_general3A_275 {dimension_numbers = #tpu.dot_dimension_numbers<[1], [0], [0], [1], [0, 0, 1, 1], [], []>, transpose_lhs_hint = false} : vector<1600x64xbf16>, vector<64x192xbf16>, vector<1600x192xf32> -> vector<1600x192xf32>
    %get3A_277 = arith.constant 0 : index
    %get3A_278 = arith.constant 0 : index
    %get3A_279 = vector.load %arg18[%get3A_277, %get3A_278] : memref<1x192xf32, #tpu.memory_space<vmem>>, vector<1x192xf32>
    %add3A_280 = vector.broadcast %get3A_279 : vector<1x192xf32> to vector<1600x192xf32>
    %add3A_281 = arith.addf %dot_general3A_276, %add3A_280 : vector<1600x192xf32>
    %convert_element_type3A_282 = arith.truncf %add3A_281 : vector<1600x192xf32> to vector<1600x192xbf16>
    %slice3A = vector.extract_strided_slice %convert_element_type3A_282 {offsets = [0, 0], sizes = [50, 64], strides = [1, 1]} : vector<1600x192xbf16> to vector<50x64xbf16>
    %slice3A_283 = vector.extract_strided_slice %convert_element_type3A_282 {offsets = [0, 64], sizes = [50, 64], strides = [1, 1]} : vector<1600x192xbf16> to vector<50x64xbf16>
    %slice3A_284 = vector.extract_strided_slice %convert_element_type3A_282 {offsets = [0, 128], sizes = [50, 64], strides = [1, 1]} : vector<1600x192xbf16> to vector<50x64xbf16>
    %concatenate3A = tpu.concatenate %slice3A_283, %slice3A_283, %slice3A_283, %slice3A_283 in 0 : vector<50x64xbf16>, vector<50x64xbf16>, vector<50x64xbf16>, vector<50x64xbf16> -> vector<200x64xbf16>
    %mul3A_285 = arith.mulf %concatenate3A, %convert_element_type3A_270 : vector<200x64xbf16>
    %concatenate3A_286 = tpu.concatenate %slice3A_284, %slice3A_284, %slice3A_284, %slice3A_284 in 0 : vector<50x64xbf16>, vector<50x64xbf16>, vector<50x64xbf16>, vector<50x64xbf16> -> vector<200x64xbf16>
    %mul3A_287 = arith.mulf %concatenate3A_286, %convert_element_type3A_270 : vector<200x64xbf16>
    %dot_general3A_288 = arith.constant dense<0.000000e+00> : vector<50x200xf32>
    %dot_general3A_289 = tpu.matmul %slice3A, %mul3A_285, %dot_general3A_288 {dimension_numbers = #tpu.dot_dimension_numbers<[1], [1], [0], [0], [0, 0, 1, 0], [], []>, transpose_lhs_hint = false} : vector<50x64xbf16>, vector<200x64xbf16>, vector<50x200xf32> -> vector<50x200xf32>
    %convert_element_type3A_290 = arith.truncf %dot_general3A_289 : vector<50x200xf32> to vector<50x200xbf16>
    %slice3A_291 = vector.extract_strided_slice %convert_element_type3A_282 {offsets = [50, 0], sizes = [50, 64], strides = [1, 1]} : vector<1600x192xbf16> to vector<50x64xbf16>
    %slice3A_292 = vector.extract_strided_slice %convert_element_type3A_282 {offsets = [50, 64], sizes = [50, 64], strides = [1, 1]} : vector<1600x192xbf16> to vector<50x64xbf16>
    %slice3A_293 = vector.extract_strided_slice %convert_element_type3A_282 {offsets = [50, 128], sizes = [50, 64], strides = [1, 1]} : vector<1600x192xbf16> to vector<50x64xbf16>
    %concatenate3A_294 = tpu.concatenate %slice3A_292, %slice3A_292, %slice3A_292, %slice3A_292 in 0 : vector<50x64xbf16>, vector<50x64xbf16>, vector<50x64xbf16>, vector<50x64xbf16> -> vector<200x64xbf16>
    %mul3A_295 = arith.mulf %concatenate3A_294, %convert_element_type3A_270 : vector<200x64xbf16>
    %concatenate3A_296 = tpu.concatenate %slice3A_293, %slice3A_293, %slice3A_293, %slice3A_293 in 0 : vector<50x64xbf16>, vector<50x64xbf16>, vector<50x64xbf16>, vector<50x64xbf16> -> vector<200x64xbf16>
    %mul3A_297 = arith.mulf %concatenate3A_296, %convert_element_type3A_270 : vector<200x64xbf16>
    %dot_general3A_298 = arith.constant dense<0.000000e+00> : vector<50x200xf32>
    %dot_general3A_299 = tpu.matmul %slice3A_291, %mul3A_295, %dot_general3A_298 {dimension_numbers = #tpu.dot_dimension_numbers<[1], [1], [0], [0], [0, 0, 1, 0], [], []>, transpose_lhs_hint = false} : vector<50x64xbf16>, vector<200x64xbf16>, vector<50x200xf32> -> vector<50x200xf32>
    %convert_element_type3A_300 = arith.truncf %dot_general3A_299 : vector<50x200xf32> to vector<50x200xbf16>
    %slice3A_301 = vector.extract_strided_slice %convert_element_type3A_282 {offsets = [100, 0], sizes = [50, 64], strides = [1, 1]} : vector<1600x192xbf16> to vector<50x64xbf16>
    %slice3A_302 = vector.extract_strided_slice %convert_element_type3A_282 {offsets = [100, 64], sizes = [50, 64], strides = [1, 1]} : vector<1600x192xbf16> to vector<50x64xbf16>
    %slice3A_303 = vector.extract_strided_slice %convert_element_type3A_282 {offsets = [100, 128], sizes = [50, 64], strides = [1, 1]} : vector<1600x192xbf16> to vector<50x64xbf16>
    %concatenate3A_304 = tpu.concatenate %slice3A_302, %slice3A_302, %slice3A_302, %slice3A_302 in 0 : vector<50x64xbf16>, vector<50x64xbf16>, vector<50x64xbf16>, vector<50x64xbf16> -> vector<200x64xbf16>
    %mul3A_305 = arith.mulf %concatenate3A_304, %convert_element_type3A_270 : vector<200x64xbf16>
    %concatenate3A_306 = tpu.concatenate %slice3A_303, %slice3A_303, %slice3A_303, %slice3A_303 in 0 : vector<50x64xbf16>, vector<50x64xbf16>, vector<50x64xbf16>, vector<50x64xbf16> -> vector<200x64xbf16>
    %mul3A_307 = arith.mulf %concatenate3A_306, %convert_element_type3A_270 : vector<200x64xbf16>
    %dot_general3A_308 = arith.constant dense<0.000000e+00> : vector<50x200xf32>
    %dot_general3A_309 = tpu.matmul %slice3A_301, %mul3A_305, %dot_general3A_308 {dimension_numbers = #tpu.dot_dimension_numbers<[1], [1], [0], [0], [0, 0, 1, 0], [], []>, transpose_lhs_hint = false} : vector<50x64xbf16>, vector<200x64xbf16>, vector<50x200xf32> -> vector<50x200xf32>
    %convert_element_type3A_310 = arith.truncf %dot_general3A_309 : vector<50x200xf32> to vector<50x200xbf16>
    %slice3A_311 = vector.extract_strided_slice %convert_element_type3A_282 {offsets = [150, 0], sizes = [50, 64], strides = [1, 1]} : vector<1600x192xbf16> to vector<50x64xbf16>
    %slice3A_312 = vector.extract_strided_slice %convert_element_type3A_282 {offsets = [150, 64], sizes = [50, 64], strides = [1, 1]} : vector<1600x192xbf16> to vector<50x64xbf16>
    %slice3A_313 = vector.extract_strided_slice %convert_element_type3A_282 {offsets = [150, 128], sizes = [50, 64], strides = [1, 1]} : vector<1600x192xbf16> to vector<50x64xbf16>
    %concatenate3A_314 = tpu.concatenate %slice3A_312, %slice3A_312, %slice3A_312, %slice3A_312 in 0 : vector<50x64xbf16>, vector<50x64xbf16>, vector<50x64xbf16>, vector<50x64xbf16> -> vector<200x64xbf16>
    %mul3A_315 = arith.mulf %concatenate3A_314, %convert_element_type3A_270 : vector<200x64xbf16>
    %concatenate3A_316 = tpu.concatenate %slice3A_313, %slice3A_313, %slice3A_313, %slice3A_313 in 0 : vector<50x64xbf16>, vector<50x64xbf16>, vector<50x64xbf16>, vector<50x64xbf16> -> vector<200x64xbf16>
    %mul3A_317 = arith.mulf %concatenate3A_316, %convert_element_type3A_270 : vector<200x64xbf16>
    %dot_general3A_318 = arith.constant dense<0.000000e+00> : vector<50x200xf32>
    %dot_general3A_319 = tpu.matmul %slice3A_311, %mul3A_315, %dot_general3A_318 {dimension_numbers = #tpu.dot_dimension_numbers<[1], [1], [0], [0], [0, 0, 1, 0], [], []>, transpose_lhs_hint = false} : vector<50x64xbf16>, vector<200x64xbf16>, vector<50x200xf32> -> vector<50x200xf32>
    %convert_element_type3A_320 = arith.truncf %dot_general3A_319 : vector<50x200xf32> to vector<50x200xbf16>
    %slice3A_321 = vector.extract_strided_slice %convert_element_type3A_282 {offsets = [200, 0], sizes = [50, 64], strides = [1, 1]} : vector<1600x192xbf16> to vector<50x64xbf16>
    %slice3A_322 = vector.extract_strided_slice %convert_element_type3A_282 {offsets = [200, 64], sizes = [50, 64], strides = [1, 1]} : vector<1600x192xbf16> to vector<50x64xbf16>
    %slice3A_323 = vector.extract_strided_slice %convert_element_type3A_282 {offsets = [200, 128], sizes = [50, 64], strides = [1, 1]} : vector<1600x192xbf16> to vector<50x64xbf16>
    %concatenate3A_324 = tpu.concatenate %slice3A_322, %slice3A_322, %slice3A_322, %slice3A_322 in 0 : vector<50x64xbf16>, vector<50x64xbf16>, vector<50x64xbf16>, vector<50x64xbf16> -> vector<200x64xbf16>
    %mul3A_325 = arith.mulf %concatenate3A_324, %convert_element_type3A_270 : vector<200x64xbf16>
    %concatenate3A_326 = tpu.concatenate %slice3A_323, %slice3A_323, %slice3A_323, %slice3A_323 in 0 : vector<50x64xbf16>, vector<50x64xbf16>, vector<50x64xbf16>, vector<50x64xbf16> -> vector<200x64xbf16>
    %mul3A_327 = arith.mulf %concatenate3A_326, %convert_element_type3A_270 : vector<200x64xbf16>
    %dot_general3A_328 = arith.constant dense<0.000000e+00> : vector<50x200xf32>
    %dot_general3A_329 = tpu.matmul %slice3A_321, %mul3A_325, %dot_general3A_328 {dimension_numbers = #tpu.dot_dimension_numbers<[1], [1], [0], [0], [0, 0, 1, 0], [], []>, transpose_lhs_hint = false} : vector<50x64xbf16>, vector<200x64xbf16>, vector<50x200xf32> -> vector<50x200xf32>
    %convert_element_type3A_330 = arith.truncf %dot_general3A_329 : vector<50x200xf32> to vector<50x200xbf16>
    %slice3A_331 = vector.extract_strided_slice %convert_element_type3A_282 {offsets = [250, 0], sizes = [50, 64], strides = [1, 1]} : vector<1600x192xbf16> to vector<50x64xbf16>
    %slice3A_332 = vector.extract_strided_slice %convert_element_type3A_282 {offsets = [250, 64], sizes = [50, 64], strides = [1, 1]} : vector<1600x192xbf16> to vector<50x64xbf16>
    %slice3A_333 = vector.extract_strided_slice %convert_element_type3A_282 {offsets = [250, 128], sizes = [50, 64], strides = [1, 1]} : vector<1600x192xbf16> to vector<50x64xbf16>
    %concatenate3A_334 = tpu.concatenate %slice3A_332, %slice3A_332, %slice3A_332, %slice3A_332 in 0 : vector<50x64xbf16>, vector<50x64xbf16>, vector<50x64xbf16>, vector<50x64xbf16> -> vector<200x64xbf16>
    %mul3A_335 = arith.mulf %concatenate3A_334, %convert_element_type3A_270 : vector<200x64xbf16>
    %concatenate3A_336 = tpu.concatenate %slice3A_333, %slice3A_333, %slice3A_333, %slice3A_333 in 0 : vector<50x64xbf16>, vector<50x64xbf16>, vector<50x64xbf16>, vector<50x64xbf16> -> vector<200x64xbf16>
    %mul3A_337 = arith.mulf %concatenate3A_336, %convert_element_type3A_270 : vector<200x64xbf16>
    %dot_general3A_338 = arith.constant dense<0.000000e+00> : vector<50x200xf32>
    %dot_general3A_339 = tpu.matmul %slice3A_331, %mul3A_335, %dot_general3A_338 {dimension_numbers = #tpu.dot_dimension_numbers<[1], [1], [0], [0], [0, 0, 1, 0], [], []>, transpose_lhs_hint = false} : vector<50x64xbf16>, vector<200x64xbf16>, vector<50x200xf32> -> vector<50x200xf32>
    %convert_element_type3A_340 = arith.truncf %dot_general3A_339 : vector<50x200xf32> to vector<50x200xbf16>
    %slice3A_341 = vector.extract_strided_slice %convert_element_type3A_282 {offsets = [300, 0], sizes = [50, 64], strides = [1, 1]} : vector<1600x192xbf16> to vector<50x64xbf16>
    %slice3A_342 = vector.extract_strided_slice %convert_element_type3A_282 {offsets = [300, 64], sizes = [50, 64], strides = [1, 1]} : vector<1600x192xbf16> to vector<50x64xbf16>
    %slice3A_343 = vector.extract_strided_slice %convert_element_type3A_282 {offsets = [300, 128], sizes = [50, 64], strides = [1, 1]} : vector<1600x192xbf16> to vector<50x64xbf16>
    %concatenate3A_344 = tpu.concatenate %slice3A_342, %slice3A_342, %slice3A_342, %slice3A_342 in 0 : vector<50x64xbf16>, vector<50x64xbf16>, vector<50x64xbf16>, vector<50x64xbf16> -> vector<200x64xbf16>
    %mul3A_345 = arith.mulf %concatenate3A_344, %convert_element_type3A_270 : vector<200x64xbf16>
    %concatenate3A_346 = tpu.concatenate %slice3A_343, %slice3A_343, %slice3A_343, %slice3A_343 in 0 : vector<50x64xbf16>, vector<50x64xbf16>, vector<50x64xbf16>, vector<50x64xbf16> -> vector<200x64xbf16>
    %mul3A_347 = arith.mulf %concatenate3A_346, %convert_element_type3A_270 : vector<200x64xbf16>
    %dot_general3A_348 = arith.constant dense<0.000000e+00> : vector<50x200xf32>
    %dot_general3A_349 = tpu.matmul %slice3A_341, %mul3A_345, %dot_general3A_348 {dimension_numbers = #tpu.dot_dimension_numbers<[1], [1], [0], [0], [0, 0, 1, 0], [], []>, transpose_lhs_hint = false} : vector<50x64xbf16>, vector<200x64xbf16>, vector<50x200xf32> -> vector<50x200xf32>
    %convert_element_type3A_350 = arith.truncf %dot_general3A_349 : vector<50x200xf32> to vector<50x200xbf16>
    %slice3A_351 = vector.extract_strided_slice %convert_element_type3A_282 {offsets = [350, 0], sizes = [50, 64], strides = [1, 1]} : vector<1600x192xbf16> to vector<50x64xbf16>
    %slice3A_352 = vector.extract_strided_slice %convert_element_type3A_282 {offsets = [350, 64], sizes = [50, 64], strides = [1, 1]} : vector<1600x192xbf16> to vector<50x64xbf16>
    %slice3A_353 = vector.extract_strided_slice %convert_element_type3A_282 {offsets = [350, 128], sizes = [50, 64], strides = [1, 1]} : vector<1600x192xbf16> to vector<50x64xbf16>
    %concatenate3A_354 = tpu.concatenate %slice3A_352, %slice3A_352, %slice3A_352, %slice3A_352 in 0 : vector<50x64xbf16>, vector<50x64xbf16>, vector<50x64xbf16>, vector<50x64xbf16> -> vector<200x64xbf16>
    %mul3A_355 = arith.mulf %concatenate3A_354, %convert_element_type3A_270 : vector<200x64xbf16>
    %concatenate3A_356 = tpu.concatenate %slice3A_353, %slice3A_353, %slice3A_353, %slice3A_353 in 0 : vector<50x64xbf16>, vector<50x64xbf16>, vector<50x64xbf16>, vector<50x64xbf16> -> vector<200x64xbf16>
    %mul3A_357 = arith.mulf %concatenate3A_356, %convert_element_type3A_270 : vector<200x64xbf16>
    %dot_general3A_358 = arith.constant dense<0.000000e+00> : vector<50x200xf32>
    %dot_general3A_359 = tpu.matmul %slice3A_351, %mul3A_355, %dot_general3A_358 {dimension_numbers = #tpu.dot_dimension_numbers<[1], [1], [0], [0], [0, 0, 1, 0], [], []>, transpose_lhs_hint = false} : vector<50x64xbf16>, vector<200x64xbf16>, vector<50x200xf32> -> vector<50x200xf32>
    %convert_element_type3A_360 = arith.truncf %dot_general3A_359 : vector<50x200xf32> to vector<50x200xbf16>
    %slice3A_361 = vector.extract_strided_slice %convert_element_type3A_282 {offsets = [400, 0], sizes = [50, 64], strides = [1, 1]} : vector<1600x192xbf16> to vector<50x64xbf16>
    %slice3A_362 = vector.extract_strided_slice %convert_element_type3A_282 {offsets = [400, 64], sizes = [50, 64], strides = [1, 1]} : vector<1600x192xbf16> to vector<50x64xbf16>
    %slice3A_363 = vector.extract_strided_slice %convert_element_type3A_282 {offsets = [400, 128], sizes = [50, 64], strides = [1, 1]} : vector<1600x192xbf16> to vector<50x64xbf16>
    %concatenate3A_364 = tpu.concatenate %slice3A_362, %slice3A_362, %slice3A_362, %slice3A_362 in 0 : vector<50x64xbf16>, vector<50x64xbf16>, vector<50x64xbf16>, vector<50x64xbf16> -> vector<200x64xbf16>
    %mul3A_365 = arith.mulf %concatenate3A_364, %convert_element_type3A_270 : vector<200x64xbf16>
    %concatenate3A_366 = tpu.concatenate %slice3A_363, %slice3A_363, %slice3A_363, %slice3A_363 in 0 : vector<50x64xbf16>, vector<50x64xbf16>, vector<50x64xbf16>, vector<50x64xbf16> -> vector<200x64xbf16>
    %mul3A_367 = arith.mulf %concatenate3A_366, %convert_element_type3A_270 : vector<200x64xbf16>
    %dot_general3A_368 = arith.constant dense<0.000000e+00> : vector<50x200xf32>
    %dot_general3A_369 = tpu.matmul %slice3A_361, %mul3A_365, %dot_general3A_368 {dimension_numbers = #tpu.dot_dimension_numbers<[1], [1], [0], [0], [0, 0, 1, 0], [], []>, transpose_lhs_hint = false} : vector<50x64xbf16>, vector<200x64xbf16>, vector<50x200xf32> -> vector<50x200xf32>
    %convert_element_type3A_370 = arith.truncf %dot_general3A_369 : vector<50x200xf32> to vector<50x200xbf16>
    %slice3A_371 = vector.extract_strided_slice %convert_element_type3A_282 {offsets = [450, 0], sizes = [50, 64], strides = [1, 1]} : vector<1600x192xbf16> to vector<50x64xbf16>
    %slice3A_372 = vector.extract_strided_slice %convert_element_type3A_282 {offsets = [450, 64], sizes = [50, 64], strides = [1, 1]} : vector<1600x192xbf16> to vector<50x64xbf16>
    %slice3A_373 = vector.extract_strided_slice %convert_element_type3A_282 {offsets = [450, 128], sizes = [50, 64], strides = [1, 1]} : vector<1600x192xbf16> to vector<50x64xbf16>
    %concatenate3A_374 = tpu.concatenate %slice3A_372, %slice3A_372, %slice3A_372, %slice3A_372 in 0 : vector<50x64xbf16>, vector<50x64xbf16>, vector<50x64xbf16>, vector<50x64xbf16> -> vector<200x64xbf16>
    %mul3A_375 = arith.mulf %concatenate3A_374, %convert_element_type3A_270 : vector<200x64xbf16>
    %concatenate3A_376 = tpu.concatenate %slice3A_373, %slice3A_373, %slice3A_373, %slice3A_373 in 0 : vector<50x64xbf16>, vector<50x64xbf16>, vector<50x64xbf16>, vector<50x64xbf16> -> vector<200x64xbf16>
    %mul3A_377 = arith.mulf %concatenate3A_376, %convert_element_type3A_270 : vector<200x64xbf16>
    %dot_general3A_378 = arith.constant dense<0.000000e+00> : vector<50x200xf32>
    %dot_general3A_379 = tpu.matmul %slice3A_371, %mul3A_375, %dot_general3A_378 {dimension_numbers = #tpu.dot_dimension_numbers<[1], [1], [0], [0], [0, 0, 1, 0], [], []>, transpose_lhs_hint = false} : vector<50x64xbf16>, vector<200x64xbf16>, vector<50x200xf32> -> vector<50x200xf32>
    %convert_element_type3A_380 = arith.truncf %dot_general3A_379 : vector<50x200xf32> to vector<50x200xbf16>
    %slice3A_381 = vector.extract_strided_slice %convert_element_type3A_282 {offsets = [500, 0], sizes = [50, 64], strides = [1, 1]} : vector<1600x192xbf16> to vector<50x64xbf16>
    %slice3A_382 = vector.extract_strided_slice %convert_element_type3A_282 {offsets = [500, 64], sizes = [50, 64], strides = [1, 1]} : vector<1600x192xbf16> to vector<50x64xbf16>
    %slice3A_383 = vector.extract_strided_slice %convert_element_type3A_282 {offsets = [500, 128], sizes = [50, 64], strides = [1, 1]} : vector<1600x192xbf16> to vector<50x64xbf16>
    %concatenate3A_384 = tpu.concatenate %slice3A_382, %slice3A_382, %slice3A_382, %slice3A_382 in 0 : vector<50x64xbf16>, vector<50x64xbf16>, vector<50x64xbf16>, vector<50x64xbf16> -> vector<200x64xbf16>
    %mul3A_385 = arith.mulf %concatenate3A_384, %convert_element_type3A_270 : vector<200x64xbf16>
    %concatenate3A_386 = tpu.concatenate %slice3A_383, %slice3A_383, %slice3A_383, %slice3A_383 in 0 : vector<50x64xbf16>, vector<50x64xbf16>, vector<50x64xbf16>, vector<50x64xbf16> -> vector<200x64xbf16>
    %mul3A_387 = arith.mulf %concatenate3A_386, %convert_element_type3A_270 : vector<200x64xbf16>
    %dot_general3A_388 = arith.constant dense<0.000000e+00> : vector<50x200xf32>
    %dot_general3A_389 = tpu.matmul %slice3A_381, %mul3A_385, %dot_general3A_388 {dimension_numbers = #tpu.dot_dimension_numbers<[1], [1], [0], [0], [0, 0, 1, 0], [], []>, transpose_lhs_hint = false} : vector<50x64xbf16>, vector<200x64xbf16>, vector<50x200xf32> -> vector<50x200xf32>
    %convert_element_type3A_390 = arith.truncf %dot_general3A_389 : vector<50x200xf32> to vector<50x200xbf16>
    %slice3A_391 = vector.extract_strided_slice %convert_element_type3A_282 {offsets = [550, 0], sizes = [50, 64], strides = [1, 1]} : vector<1600x192xbf16> to vector<50x64xbf16>
    %slice3A_392 = vector.extract_strided_slice %convert_element_type3A_282 {offsets = [550, 64], sizes = [50, 64], strides = [1, 1]} : vector<1600x192xbf16> to vector<50x64xbf16>
    %slice3A_393 = vector.extract_strided_slice %convert_element_type3A_282 {offsets = [550, 128], sizes = [50, 64], strides = [1, 1]} : vector<1600x192xbf16> to vector<50x64xbf16>
    %concatenate3A_394 = tpu.concatenate %slice3A_392, %slice3A_392, %slice3A_392, %slice3A_392 in 0 : vector<50x64xbf16>, vector<50x64xbf16>, vector<50x64xbf16>, vector<50x64xbf16> -> vector<200x64xbf16>
    %mul3A_395 = arith.mulf %concatenate3A_394, %convert_element_type3A_270 : vector<200x64xbf16>
    %concatenate3A_396 = tpu.concatenate %slice3A_393, %slice3A_393, %slice3A_393, %slice3A_393 in 0 : vector<50x64xbf16>, vector<50x64xbf16>, vector<50x64xbf16>, vector<50x64xbf16> -> vector<200x64xbf16>
    %mul3A_397 = arith.mulf %concatenate3A_396, %convert_element_type3A_270 : vector<200x64xbf16>
    %dot_general3A_398 = arith.constant dense<0.000000e+00> : vector<50x200xf32>
    %dot_general3A_399 = tpu.matmul %slice3A_391, %mul3A_395, %dot_general3A_398 {dimension_numbers = #tpu.dot_dimension_numbers<[1], [1], [0], [0], [0, 0, 1, 0], [], []>, transpose_lhs_hint = false} : vector<50x64xbf16>, vector<200x64xbf16>, vector<50x200xf32> -> vector<50x200xf32>
    %convert_element_type3A_400 = arith.truncf %dot_general3A_399 : vector<50x200xf32> to vector<50x200xbf16>
    %slice3A_401 = vector.extract_strided_slice %convert_element_type3A_282 {offsets = [600, 0], sizes = [50, 64], strides = [1, 1]} : vector<1600x192xbf16> to vector<50x64xbf16>
    %slice3A_402 = vector.extract_strided_slice %convert_element_type3A_282 {offsets = [600, 64], sizes = [50, 64], strides = [1, 1]} : vector<1600x192xbf16> to vector<50x64xbf16>
    %slice3A_403 = vector.extract_strided_slice %convert_element_type3A_282 {offsets = [600, 128], sizes = [50, 64], strides = [1, 1]} : vector<1600x192xbf16> to vector<50x64xbf16>
    %concatenate3A_404 = tpu.concatenate %slice3A_402, %slice3A_402, %slice3A_402, %slice3A_402 in 0 : vector<50x64xbf16>, vector<50x64xbf16>, vector<50x64xbf16>, vector<50x64xbf16> -> vector<200x64xbf16>
    %mul3A_405 = arith.mulf %concatenate3A_404, %convert_element_type3A_270 : vector<200x64xbf16>
    %concatenate3A_406 = tpu.concatenate %slice3A_403, %slice3A_403, %slice3A_403, %slice3A_403 in 0 : vector<50x64xbf16>, vector<50x64xbf16>, vector<50x64xbf16>, vector<50x64xbf16> -> vector<200x64xbf16>
    %mul3A_407 = arith.mulf %concatenate3A_406, %convert_element_type3A_270 : vector<200x64xbf16>
    %dot_general3A_408 = arith.constant dense<0.000000e+00> : vector<50x200xf32>
    %dot_general3A_409 = tpu.matmul %slice3A_401, %mul3A_405, %dot_general3A_408 {dimension_numbers = #tpu.dot_dimension_numbers<[1], [1], [0], [0], [0, 0, 1, 0], [], []>, transpose_lhs_hint = false} : vector<50x64xbf16>, vector<200x64xbf16>, vector<50x200xf32> -> vector<50x200xf32>
    %convert_element_type3A_410 = arith.truncf %dot_general3A_409 : vector<50x200xf32> to vector<50x200xbf16>
    %slice3A_411 = vector.extract_strided_slice %convert_element_type3A_282 {offsets = [650, 0], sizes = [50, 64], strides = [1, 1]} : vector<1600x192xbf16> to vector<50x64xbf16>
    %slice3A_412 = vector.extract_strided_slice %convert_element_type3A_282 {offsets = [650, 64], sizes = [50, 64], strides = [1, 1]} : vector<1600x192xbf16> to vector<50x64xbf16>
    %slice3A_413 = vector.extract_strided_slice %convert_element_type3A_282 {offsets = [650, 128], sizes = [50, 64], strides = [1, 1]} : vector<1600x192xbf16> to vector<50x64xbf16>
    %concatenate3A_414 = tpu.concatenate %slice3A_412, %slice3A_412, %slice3A_412, %slice3A_412 in 0 : vector<50x64xbf16>, vector<50x64xbf16>, vector<50x64xbf16>, vector<50x64xbf16> -> vector<200x64xbf16>
    %mul3A_415 = arith.mulf %concatenate3A_414, %convert_element_type3A_270 : vector<200x64xbf16>
    %concatenate3A_416 = tpu.concatenate %slice3A_413, %slice3A_413, %slice3A_413, %slice3A_413 in 0 : vector<50x64xbf16>, vector<50x64xbf16>, vector<50x64xbf16>, vector<50x64xbf16> -> vector<200x64xbf16>
    %mul3A_417 = arith.mulf %concatenate3A_416, %convert_element_type3A_270 : vector<200x64xbf16>
    %dot_general3A_418 = arith.constant dense<0.000000e+00> : vector<50x200xf32>
    %dot_general3A_419 = tpu.matmul %slice3A_411, %mul3A_415, %dot_general3A_418 {dimension_numbers = #tpu.dot_dimension_numbers<[1], [1], [0], [0], [0, 0, 1, 0], [], []>, transpose_lhs_hint = false} : vector<50x64xbf16>, vector<200x64xbf16>, vector<50x200xf32> -> vector<50x200xf32>
    %convert_element_type3A_420 = arith.truncf %dot_general3A_419 : vector<50x200xf32> to vector<50x200xbf16>
    %slice3A_421 = vector.extract_strided_slice %convert_element_type3A_282 {offsets = [700, 0], sizes = [50, 64], strides = [1, 1]} : vector<1600x192xbf16> to vector<50x64xbf16>
    %slice3A_422 = vector.extract_strided_slice %convert_element_type3A_282 {offsets = [700, 64], sizes = [50, 64], strides = [1, 1]} : vector<1600x192xbf16> to vector<50x64xbf16>
    %slice3A_423 = vector.extract_strided_slice %convert_element_type3A_282 {offsets = [700, 128], sizes = [50, 64], strides = [1, 1]} : vector<1600x192xbf16> to vector<50x64xbf16>
    %concatenate3A_424 = tpu.concatenate %slice3A_422, %slice3A_422, %slice3A_422, %slice3A_422 in 0 : vector<50x64xbf16>, vector<50x64xbf16>, vector<50x64xbf16>, vector<50x64xbf16> -> vector<200x64xbf16>
    %mul3A_425 = arith.mulf %concatenate3A_424, %convert_element_type3A_270 : vector<200x64xbf16>
    %concatenate3A_426 = tpu.concatenate %slice3A_423, %slice3A_423, %slice3A_423, %slice3A_423 in 0 : vector<50x64xbf16>, vector<50x64xbf16>, vector<50x64xbf16>, vector<50x64xbf16> -> vector<200x64xbf16>
    %mul3A_427 = arith.mulf %concatenate3A_426, %convert_element_type3A_270 : vector<200x64xbf16>
    %dot_general3A_428 = arith.constant dense<0.000000e+00> : vector<50x200xf32>
    %dot_general3A_429 = tpu.matmul %slice3A_421, %mul3A_425, %dot_general3A_428 {dimension_numbers = #tpu.dot_dimension_numbers<[1], [1], [0], [0], [0, 0, 1, 0], [], []>, transpose_lhs_hint = false} : vector<50x64xbf16>, vector<200x64xbf16>, vector<50x200xf32> -> vector<50x200xf32>
    %convert_element_type3A_430 = arith.truncf %dot_general3A_429 : vector<50x200xf32> to vector<50x200xbf16>
    %slice3A_431 = vector.extract_strided_slice %convert_element_type3A_282 {offsets = [750, 0], sizes = [50, 64], strides = [1, 1]} : vector<1600x192xbf16> to vector<50x64xbf16>
    %slice3A_432 = vector.extract_strided_slice %convert_element_type3A_282 {offsets = [750, 64], sizes = [50, 64], strides = [1, 1]} : vector<1600x192xbf16> to vector<50x64xbf16>
    %slice3A_433 = vector.extract_strided_slice %convert_element_type3A_282 {offsets = [750, 128], sizes = [50, 64], strides = [1, 1]} : vector<1600x192xbf16> to vector<50x64xbf16>
    %concatenate3A_434 = tpu.concatenate %slice3A_432, %slice3A_432, %slice3A_432, %slice3A_432 in 0 : vector<50x64xbf16>, vector<50x64xbf16>, vector<50x64xbf16>, vector<50x64xbf16> -> vector<200x64xbf16>
    %mul3A_435 = arith.mulf %concatenate3A_434, %convert_element_type3A_270 : vector<200x64xbf16>
    %concatenate3A_436 = tpu.concatenate %slice3A_433, %slice3A_433, %slice3A_433, %slice3A_433 in 0 : vector<50x64xbf16>, vector<50x64xbf16>, vector<50x64xbf16>, vector<50x64xbf16> -> vector<200x64xbf16>
    %mul3A_437 = arith.mulf %concatenate3A_436, %convert_element_type3A_270 : vector<200x64xbf16>
    %dot_general3A_438 = arith.constant dense<0.000000e+00> : vector<50x200xf32>
    %dot_general3A_439 = tpu.matmul %slice3A_431, %mul3A_435, %dot_general3A_438 {dimension_numbers = #tpu.dot_dimension_numbers<[1], [1], [0], [0], [0, 0, 1, 0], [], []>, transpose_lhs_hint = false} : vector<50x64xbf16>, vector<200x64xbf16>, vector<50x200xf32> -> vector<50x200xf32>
    %convert_element_type3A_440 = arith.truncf %dot_general3A_439 : vector<50x200xf32> to vector<50x200xbf16>
    %slice3A_441 = vector.extract_strided_slice %convert_element_type3A_282 {offsets = [800, 0], sizes = [50, 64], strides = [1, 1]} : vector<1600x192xbf16> to vector<50x64xbf16>
    %slice3A_442 = vector.extract_strided_slice %convert_element_type3A_282 {offsets = [800, 64], sizes = [50, 64], strides = [1, 1]} : vector<1600x192xbf16> to vector<50x64xbf16>
    %slice3A_443 = vector.extract_strided_slice %convert_element_type3A_282 {offsets = [800, 128], sizes = [50, 64], strides = [1, 1]} : vector<1600x192xbf16> to vector<50x64xbf16>
    %concatenate3A_444 = tpu.concatenate %slice3A_442, %slice3A_442, %slice3A_442, %slice3A_442 in 0 : vector<50x64xbf16>, vector<50x64xbf16>, vector<50x64xbf16>, vector<50x64xbf16> -> vector<200x64xbf16>
    %mul3A_445 = arith.mulf %concatenate3A_444, %convert_element_type3A_270 : vector<200x64xbf16>
    %concatenate3A_446 = tpu.concatenate %slice3A_443, %slice3A_443, %slice3A_443, %slice3A_443 in 0 : vector<50x64xbf16>, vector<50x64xbf16>, vector<50x64xbf16>, vector<50x64xbf16> -> vector<200x64xbf16>
    %mul3A_447 = arith.mulf %concatenate3A_446, %convert_element_type3A_270 : vector<200x64xbf16>
    %dot_general3A_448 = arith.constant dense<0.000000e+00> : vector<50x200xf32>
    %dot_general3A_449 = tpu.matmul %slice3A_441, %mul3A_445, %dot_general3A_448 {dimension_numbers = #tpu.dot_dimension_numbers<[1], [1], [0], [0], [0, 0, 1, 0], [], []>, transpose_lhs_hint = false} : vector<50x64xbf16>, vector<200x64xbf16>, vector<50x200xf32> -> vector<50x200xf32>
    %convert_element_type3A_450 = arith.truncf %dot_general3A_449 : vector<50x200xf32> to vector<50x200xbf16>
    %slice3A_451 = vector.extract_strided_slice %convert_element_type3A_282 {offsets = [850, 0], sizes = [50, 64], strides = [1, 1]} : vector<1600x192xbf16> to vector<50x64xbf16>
    %slice3A_452 = vector.extract_strided_slice %convert_element_type3A_282 {offsets = [850, 64], sizes = [50, 64], strides = [1, 1]} : vector<1600x192xbf16> to vector<50x64xbf16>
    %slice3A_453 = vector.extract_strided_slice %convert_element_type3A_282 {offsets = [850, 128], sizes = [50, 64], strides = [1, 1]} : vector<1600x192xbf16> to vector<50x64xbf16>
    %concatenate3A_454 = tpu.concatenate %slice3A_452, %slice3A_452, %slice3A_452, %slice3A_452 in 0 : vector<50x64xbf16>, vector<50x64xbf16>, vector<50x64xbf16>, vector<50x64xbf16> -> vector<200x64xbf16>
    %mul3A_455 = arith.mulf %concatenate3A_454, %convert_element_type3A_270 : vector<200x64xbf16>
    %concatenate3A_456 = tpu.concatenate %slice3A_453, %slice3A_453, %slice3A_453, %slice3A_453 in 0 : vector<50x64xbf16>, vector<50x64xbf16>, vector<50x64xbf16>, vector<50x64xbf16> -> vector<200x64xbf16>
    %mul3A_457 = arith.mulf %concatenate3A_456, %convert_element_type3A_270 : vector<200x64xbf16>
    %dot_general3A_458 = arith.constant dense<0.000000e+00> : vector<50x200xf32>
    %dot_general3A_459 = tpu.matmul %slice3A_451, %mul3A_455, %dot_general3A_458 {dimension_numbers = #tpu.dot_dimension_numbers<[1], [1], [0], [0], [0, 0, 1, 0], [], []>, transpose_lhs_hint = false} : vector<50x64xbf16>, vector<200x64xbf16>, vector<50x200xf32> -> vector<50x200xf32>
    %convert_element_type3A_460 = arith.truncf %dot_general3A_459 : vector<50x200xf32> to vector<50x200xbf16>
    %slice3A_461 = vector.extract_strided_slice %convert_element_type3A_282 {offsets = [900, 0], sizes = [50, 64], strides = [1, 1]} : vector<1600x192xbf16> to vector<50x64xbf16>
    %slice3A_462 = vector.extract_strided_slice %convert_element_type3A_282 {offsets = [900, 64], sizes = [50, 64], strides = [1, 1]} : vector<1600x192xbf16> to vector<50x64xbf16>
    %slice3A_463 = vector.extract_strided_slice %convert_element_type3A_282 {offsets = [900, 128], sizes = [50, 64], strides = [1, 1]} : vector<1600x192xbf16> to vector<50x64xbf16>
    %concatenate3A_464 = tpu.concatenate %slice3A_462, %slice3A_462, %slice3A_462, %slice3A_462 in 0 : vector<50x64xbf16>, vector<50x64xbf16>, vector<50x64xbf16>, vector<50x64xbf16> -> vector<200x64xbf16>
    %mul3A_465 = arith.mulf %concatenate3A_464, %convert_element_type3A_270 : vector<200x64xbf16>
    %concatenate3A_466 = tpu.concatenate %slice3A_463, %slice3A_463, %slice3A_463, %slice3A_463 in 0 : vector<50x64xbf16>, vector<50x64xbf16>, vector<50x64xbf16>, vector<50x64xbf16> -> vector<200x64xbf16>
    %mul3A_467 = arith.mulf %concatenate3A_466, %convert_element_type3A_270 : vector<200x64xbf16>
    %dot_general3A_468 = arith.constant dense<0.000000e+00> : vector<50x200xf32>
    %dot_general3A_469 = tpu.matmul %slice3A_461, %mul3A_465, %dot_general3A_468 {dimension_numbers = #tpu.dot_dimension_numbers<[1], [1], [0], [0], [0, 0, 1, 0], [], []>, transpose_lhs_hint = false} : vector<50x64xbf16>, vector<200x64xbf16>, vector<50x200xf32> -> vector<50x200xf32>
    %convert_element_type3A_470 = arith.truncf %dot_general3A_469 : vector<50x200xf32> to vector<50x200xbf16>
    %slice3A_471 = vector.extract_strided_slice %convert_element_type3A_282 {offsets = [950, 0], sizes = [50, 64], strides = [1, 1]} : vector<1600x192xbf16> to vector<50x64xbf16>
    %slice3A_472 = vector.extract_strided_slice %convert_element_type3A_282 {offsets = [950, 64], sizes = [50, 64], strides = [1, 1]} : vector<1600x192xbf16> to vector<50x64xbf16>
    %slice3A_473 = vector.extract_strided_slice %convert_element_type3A_282 {offsets = [950, 128], sizes = [50, 64], strides = [1, 1]} : vector<1600x192xbf16> to vector<50x64xbf16>
    %concatenate3A_474 = tpu.concatenate %slice3A_472, %slice3A_472, %slice3A_472, %slice3A_472 in 0 : vector<50x64xbf16>, vector<50x64xbf16>, vector<50x64xbf16>, vector<50x64xbf16> -> vector<200x64xbf16>
    %mul3A_475 = arith.mulf %concatenate3A_474, %convert_element_type3A_270 : vector<200x64xbf16>
    %concatenate3A_476 = tpu.concatenate %slice3A_473, %slice3A_473, %slice3A_473, %slice3A_473 in 0 : vector<50x64xbf16>, vector<50x64xbf16>, vector<50x64xbf16>, vector<50x64xbf16> -> vector<200x64xbf16>
    %mul3A_477 = arith.mulf %concatenate3A_476, %convert_element_type3A_270 : vector<200x64xbf16>
    %dot_general3A_478 = arith.constant dense<0.000000e+00> : vector<50x200xf32>
    %dot_general3A_479 = tpu.matmul %slice3A_471, %mul3A_475, %dot_general3A_478 {dimension_numbers = #tpu.dot_dimension_numbers<[1], [1], [0], [0], [0, 0, 1, 0], [], []>, transpose_lhs_hint = false} : vector<50x64xbf16>, vector<200x64xbf16>, vector<50x200xf32> -> vector<50x200xf32>
    %convert_element_type3A_480 = arith.truncf %dot_general3A_479 : vector<50x200xf32> to vector<50x200xbf16>
    %slice3A_481 = vector.extract_strided_slice %convert_element_type3A_282 {offsets = [1000, 0], sizes = [50, 64], strides = [1, 1]} : vector<1600x192xbf16> to vector<50x64xbf16>
    %slice3A_482 = vector.extract_strided_slice %convert_element_type3A_282 {offsets = [1000, 64], sizes = [50, 64], strides = [1, 1]} : vector<1600x192xbf16> to vector<50x64xbf16>
    %slice3A_483 = vector.extract_strided_slice %convert_element_type3A_282 {offsets = [1000, 128], sizes = [50, 64], strides = [1, 1]} : vector<1600x192xbf16> to vector<50x64xbf16>
    %concatenate3A_484 = tpu.concatenate %slice3A_482, %slice3A_482, %slice3A_482, %slice3A_482 in 0 : vector<50x64xbf16>, vector<50x64xbf16>, vector<50x64xbf16>, vector<50x64xbf16> -> vector<200x64xbf16>
    %mul3A_485 = arith.mulf %concatenate3A_484, %convert_element_type3A_270 : vector<200x64xbf16>
    %concatenate3A_486 = tpu.concatenate %slice3A_483, %slice3A_483, %slice3A_483, %slice3A_483 in 0 : vector<50x64xbf16>, vector<50x64xbf16>, vector<50x64xbf16>, vector<50x64xbf16> -> vector<200x64xbf16>
    %mul3A_487 = arith.mulf %concatenate3A_486, %convert_element_type3A_270 : vector<200x64xbf16>
    %dot_general3A_488 = arith.constant dense<0.000000e+00> : vector<50x200xf32>
    %dot_general3A_489 = tpu.matmul %slice3A_481, %mul3A_485, %dot_general3A_488 {dimension_numbers = #tpu.dot_dimension_numbers<[1], [1], [0], [0], [0, 0, 1, 0], [], []>, transpose_lhs_hint = false} : vector<50x64xbf16>, vector<200x64xbf16>, vector<50x200xf32> -> vector<50x200xf32>
    %convert_element_type3A_490 = arith.truncf %dot_general3A_489 : vector<50x200xf32> to vector<50x200xbf16>
    %slice3A_491 = vector.extract_strided_slice %convert_element_type3A_282 {offsets = [1050, 0], sizes = [50, 64], strides = [1, 1]} : vector<1600x192xbf16> to vector<50x64xbf16>
    %slice3A_492 = vector.extract_strided_slice %convert_element_type3A_282 {offsets = [1050, 64], sizes = [50, 64], strides = [1, 1]} : vector<1600x192xbf16> to vector<50x64xbf16>
    %slice3A_493 = vector.extract_strided_slice %convert_element_type3A_282 {offsets = [1050, 128], sizes = [50, 64], strides = [1, 1]} : vector<1600x192xbf16> to vector<50x64xbf16>
    %concatenate3A_494 = tpu.concatenate %slice3A_492, %slice3A_492, %slice3A_492, %slice3A_492 in 0 : vector<50x64xbf16>, vector<50x64xbf16>, vector<50x64xbf16>, vector<50x64xbf16> -> vector<200x64xbf16>
    %mul3A_495 = arith.mulf %concatenate3A_494, %convert_element_type3A_270 : vector<200x64xbf16>
    %concatenate3A_496 = tpu.concatenate %slice3A_493, %slice3A_493, %slice3A_493, %slice3A_493 in 0 : vector<50x64xbf16>, vector<50x64xbf16>, vector<50x64xbf16>, vector<50x64xbf16> -> vector<200x64xbf16>
    %mul3A_497 = arith.mulf %concatenate3A_496, %convert_element_type3A_270 : vector<200x64xbf16>
    %dot_general3A_498 = arith.constant dense<0.000000e+00> : vector<50x200xf32>
    %dot_general3A_499 = tpu.matmul %slice3A_491, %mul3A_495, %dot_general3A_498 {dimension_numbers = #tpu.dot_dimension_numbers<[1], [1], [0], [0], [0, 0, 1, 0], [], []>, transpose_lhs_hint = false} : vector<50x64xbf16>, vector<200x64xbf16>, vector<50x200xf32> -> vector<50x200xf32>
    %convert_element_type3A_500 = arith.truncf %dot_general3A_499 : vector<50x200xf32> to vector<50x200xbf16>
    %slice3A_501 = vector.extract_strided_slice %convert_element_type3A_282 {offsets = [1100, 0], sizes = [50, 64], strides = [1, 1]} : vector<1600x192xbf16> to vector<50x64xbf16>
    %slice3A_502 = vector.extract_strided_slice %convert_element_type3A_282 {offsets = [1100, 64], sizes = [50, 64], strides = [1, 1]} : vector<1600x192xbf16> to vector<50x64xbf16>
    %slice3A_503 = vector.extract_strided_slice %convert_element_type3A_282 {offsets = [1100, 128], sizes = [50, 64], strides = [1, 1]} : vector<1600x192xbf16> to vector<50x64xbf16>
    %concatenate3A_504 = tpu.concatenate %slice3A_502, %slice3A_502, %slice3A_502, %slice3A_502 in 0 : vector<50x64xbf16>, vector<50x64xbf16>, vector<50x64xbf16>, vector<50x64xbf16> -> vector<200x64xbf16>
    %mul3A_505 = arith.mulf %concatenate3A_504, %convert_element_type3A_270 : vector<200x64xbf16>
    %concatenate3A_506 = tpu.concatenate %slice3A_503, %slice3A_503, %slice3A_503, %slice3A_503 in 0 : vector<50x64xbf16>, vector<50x64xbf16>, vector<50x64xbf16>, vector<50x64xbf16> -> vector<200x64xbf16>
    %mul3A_507 = arith.mulf %concatenate3A_506, %convert_element_type3A_270 : vector<200x64xbf16>
    %dot_general3A_508 = arith.constant dense<0.000000e+00> : vector<50x200xf32>
    %dot_general3A_509 = tpu.matmul %slice3A_501, %mul3A_505, %dot_general3A_508 {dimension_numbers = #tpu.dot_dimension_numbers<[1], [1], [0], [0], [0, 0, 1, 0], [], []>, transpose_lhs_hint = false} : vector<50x64xbf16>, vector<200x64xbf16>, vector<50x200xf32> -> vector<50x200xf32>
    %convert_element_type3A_510 = arith.truncf %dot_general3A_509 : vector<50x200xf32> to vector<50x200xbf16>
    %slice3A_511 = vector.extract_strided_slice %convert_element_type3A_282 {offsets = [1150, 0], sizes = [50, 64], strides = [1, 1]} : vector<1600x192xbf16> to vector<50x64xbf16>
    %slice3A_512 = vector.extract_strided_slice %convert_element_type3A_282 {offsets = [1150, 64], sizes = [50, 64], strides = [1, 1]} : vector<1600x192xbf16> to vector<50x64xbf16>
    %slice3A_513 = vector.extract_strided_slice %convert_element_type3A_282 {offsets = [1150, 128], sizes = [50, 64], strides = [1, 1]} : vector<1600x192xbf16> to vector<50x64xbf16>
    %concatenate3A_514 = tpu.concatenate %slice3A_512, %slice3A_512, %slice3A_512, %slice3A_512 in 0 : vector<50x64xbf16>, vector<50x64xbf16>, vector<50x64xbf16>, vector<50x64xbf16> -> vector<200x64xbf16>
    %mul3A_515 = arith.mulf %concatenate3A_514, %convert_element_type3A_270 : vector<200x64xbf16>
    %concatenate3A_516 = tpu.concatenate %slice3A_513, %slice3A_513, %slice3A_513, %slice3A_513 in 0 : vector<50x64xbf16>, vector<50x64xbf16>, vector<50x64xbf16>, vector<50x64xbf16> -> vector<200x64xbf16>
    %mul3A_517 = arith.mulf %concatenate3A_516, %convert_element_type3A_270 : vector<200x64xbf16>
    %dot_general3A_518 = arith.constant dense<0.000000e+00> : vector<50x200xf32>
    %dot_general3A_519 = tpu.matmul %slice3A_511, %mul3A_515, %dot_general3A_518 {dimension_numbers = #tpu.dot_dimension_numbers<[1], [1], [0], [0], [0, 0, 1, 0], [], []>, transpose_lhs_hint = false} : vector<50x64xbf16>, vector<200x64xbf16>, vector<50x200xf32> -> vector<50x200xf32>
    %convert_element_type3A_520 = arith.truncf %dot_general3A_519 : vector<50x200xf32> to vector<50x200xbf16>
    %slice3A_521 = vector.extract_strided_slice %convert_element_type3A_282 {offsets = [1200, 0], sizes = [50, 64], strides = [1, 1]} : vector<1600x192xbf16> to vector<50x64xbf16>
    %slice3A_522 = vector.extract_strided_slice %convert_element_type3A_282 {offsets = [1200, 64], sizes = [50, 64], strides = [1, 1]} : vector<1600x192xbf16> to vector<50x64xbf16>
    %slice3A_523 = vector.extract_strided_slice %convert_element_type3A_282 {offsets = [1200, 128], sizes = [50, 64], strides = [1, 1]} : vector<1600x192xbf16> to vector<50x64xbf16>
    %concatenate3A_524 = tpu.concatenate %slice3A_522, %slice3A_522, %slice3A_522, %slice3A_522 in 0 : vector<50x64xbf16>, vector<50x64xbf16>, vector<50x64xbf16>, vector<50x64xbf16> -> vector<200x64xbf16>
    %mul3A_525 = arith.mulf %concatenate3A_524, %convert_element_type3A_270 : vector<200x64xbf16>
    %concatenate3A_526 = tpu.concatenate %slice3A_523, %slice3A_523, %slice3A_523, %slice3A_523 in 0 : vector<50x64xbf16>, vector<50x64xbf16>, vector<50x64xbf16>, vector<50x64xbf16> -> vector<200x64xbf16>
    %mul3A_527 = arith.mulf %concatenate3A_526, %convert_element_type3A_270 : vector<200x64xbf16>
    %dot_general3A_528 = arith.constant dense<0.000000e+00> : vector<50x200xf32>
    %dot_general3A_529 = tpu.matmul %slice3A_521, %mul3A_525, %dot_general3A_528 {dimension_numbers = #tpu.dot_dimension_numbers<[1], [1], [0], [0], [0, 0, 1, 0], [], []>, transpose_lhs_hint = false} : vector<50x64xbf16>, vector<200x64xbf16>, vector<50x200xf32> -> vector<50x200xf32>
    %convert_element_type3A_530 = arith.truncf %dot_general3A_529 : vector<50x200xf32> to vector<50x200xbf16>
    %slice3A_531 = vector.extract_strided_slice %convert_element_type3A_282 {offsets = [1250, 0], sizes = [50, 64], strides = [1, 1]} : vector<1600x192xbf16> to vector<50x64xbf16>
    %slice3A_532 = vector.extract_strided_slice %convert_element_type3A_282 {offsets = [1250, 64], sizes = [50, 64], strides = [1, 1]} : vector<1600x192xbf16> to vector<50x64xbf16>
    %slice3A_533 = vector.extract_strided_slice %convert_element_type3A_282 {offsets = [1250, 128], sizes = [50, 64], strides = [1, 1]} : vector<1600x192xbf16> to vector<50x64xbf16>
    %concatenate3A_534 = tpu.concatenate %slice3A_532, %slice3A_532, %slice3A_532, %slice3A_532 in 0 : vector<50x64xbf16>, vector<50x64xbf16>, vector<50x64xbf16>, vector<50x64xbf16> -> vector<200x64xbf16>
    %mul3A_535 = arith.mulf %concatenate3A_534, %convert_element_type3A_270 : vector<200x64xbf16>
    %concatenate3A_536 = tpu.concatenate %slice3A_533, %slice3A_533, %slice3A_533, %slice3A_533 in 0 : vector<50x64xbf16>, vector<50x64xbf16>, vector<50x64xbf16>, vector<50x64xbf16> -> vector<200x64xbf16>
    %mul3A_537 = arith.mulf %concatenate3A_536, %convert_element_type3A_270 : vector<200x64xbf16>
    %dot_general3A_538 = arith.constant dense<0.000000e+00> : vector<50x200xf32>
    %dot_general3A_539 = tpu.matmul %slice3A_531, %mul3A_535, %dot_general3A_538 {dimension_numbers = #tpu.dot_dimension_numbers<[1], [1], [0], [0], [0, 0, 1, 0], [], []>, transpose_lhs_hint = false} : vector<50x64xbf16>, vector<200x64xbf16>, vector<50x200xf32> -> vector<50x200xf32>
    %convert_element_type3A_540 = arith.truncf %dot_general3A_539 : vector<50x200xf32> to vector<50x200xbf16>
    %slice3A_541 = vector.extract_strided_slice %convert_element_type3A_282 {offsets = [1300, 0], sizes = [50, 64], strides = [1, 1]} : vector<1600x192xbf16> to vector<50x64xbf16>
    %slice3A_542 = vector.extract_strided_slice %convert_element_type3A_282 {offsets = [1300, 64], sizes = [50, 64], strides = [1, 1]} : vector<1600x192xbf16> to vector<50x64xbf16>
    %slice3A_543 = vector.extract_strided_slice %convert_element_type3A_282 {offsets = [1300, 128], sizes = [50, 64], strides = [1, 1]} : vector<1600x192xbf16> to vector<50x64xbf16>
    %concatenate3A_544 = tpu.concatenate %slice3A_542, %slice3A_542, %slice3A_542, %slice3A_542 in 0 : vector<50x64xbf16>, vector<50x64xbf16>, vector<50x64xbf16>, vector<50x64xbf16> -> vector<200x64xbf16>
    %mul3A_545 = arith.mulf %concatenate3A_544, %convert_element_type3A_270 : vector<200x64xbf16>
    %concatenate3A_546 = tpu.concatenate %slice3A_543, %slice3A_543, %slice3A_543, %slice3A_543 in 0 : vector<50x64xbf16>, vector<50x64xbf16>, vector<50x64xbf16>, vector<50x64xbf16> -> vector<200x64xbf16>
    %mul3A_547 = arith.mulf %concatenate3A_546, %convert_element_type3A_270 : vector<200x64xbf16>
    %dot_general3A_548 = arith.constant dense<0.000000e+00> : vector<50x200xf32>
    %dot_general3A_549 = tpu.matmul %slice3A_541, %mul3A_545, %dot_general3A_548 {dimension_numbers = #tpu.dot_dimension_numbers<[1], [1], [0], [0], [0, 0, 1, 0], [], []>, transpose_lhs_hint = false} : vector<50x64xbf16>, vector<200x64xbf16>, vector<50x200xf32> -> vector<50x200xf32>
    %convert_element_type3A_550 = arith.truncf %dot_general3A_549 : vector<50x200xf32> to vector<50x200xbf16>
    %slice3A_551 = vector.extract_strided_slice %convert_element_type3A_282 {offsets = [1350, 0], sizes = [50, 64], strides = [1, 1]} : vector<1600x192xbf16> to vector<50x64xbf16>
    %slice3A_552 = vector.extract_strided_slice %convert_element_type3A_282 {offsets = [1350, 64], sizes = [50, 64], strides = [1, 1]} : vector<1600x192xbf16> to vector<50x64xbf16>
    %slice3A_553 = vector.extract_strided_slice %convert_element_type3A_282 {offsets = [1350, 128], sizes = [50, 64], strides = [1, 1]} : vector<1600x192xbf16> to vector<50x64xbf16>
    %concatenate3A_554 = tpu.concatenate %slice3A_552, %slice3A_552, %slice3A_552, %slice3A_552 in 0 : vector<50x64xbf16>, vector<50x64xbf16>, vector<50x64xbf16>, vector<50x64xbf16> -> vector<200x64xbf16>
    %mul3A_555 = arith.mulf %concatenate3A_554, %convert_element_type3A_270 : vector<200x64xbf16>
    %concatenate3A_556 = tpu.concatenate %slice3A_553, %slice3A_553, %slice3A_553, %slice3A_553 in 0 : vector<50x64xbf16>, vector<50x64xbf16>, vector<50x64xbf16>, vector<50x64xbf16> -> vector<200x64xbf16>
    %mul3A_557 = arith.mulf %concatenate3A_556, %convert_element_type3A_270 : vector<200x64xbf16>
    %dot_general3A_558 = arith.constant dense<0.000000e+00> : vector<50x200xf32>
    %dot_general3A_559 = tpu.matmul %slice3A_551, %mul3A_555, %dot_general3A_558 {dimension_numbers = #tpu.dot_dimension_numbers<[1], [1], [0], [0], [0, 0, 1, 0], [], []>, transpose_lhs_hint = false} : vector<50x64xbf16>, vector<200x64xbf16>, vector<50x200xf32> -> vector<50x200xf32>
    %convert_element_type3A_560 = arith.truncf %dot_general3A_559 : vector<50x200xf32> to vector<50x200xbf16>
    %slice3A_561 = vector.extract_strided_slice %convert_element_type3A_282 {offsets = [1400, 0], sizes = [50, 64], strides = [1, 1]} : vector<1600x192xbf16> to vector<50x64xbf16>
    %slice3A_562 = vector.extract_strided_slice %convert_element_type3A_282 {offsets = [1400, 64], sizes = [50, 64], strides = [1, 1]} : vector<1600x192xbf16> to vector<50x64xbf16>
    %slice3A_563 = vector.extract_strided_slice %convert_element_type3A_282 {offsets = [1400, 128], sizes = [50, 64], strides = [1, 1]} : vector<1600x192xbf16> to vector<50x64xbf16>
    %concatenate3A_564 = tpu.concatenate %slice3A_562, %slice3A_562, %slice3A_562, %slice3A_562 in 0 : vector<50x64xbf16>, vector<50x64xbf16>, vector<50x64xbf16>, vector<50x64xbf16> -> vector<200x64xbf16>
    %mul3A_565 = arith.mulf %concatenate3A_564, %convert_element_type3A_270 : vector<200x64xbf16>
    %concatenate3A_566 = tpu.concatenate %slice3A_563, %slice3A_563, %slice3A_563, %slice3A_563 in 0 : vector<50x64xbf16>, vector<50x64xbf16>, vector<50x64xbf16>, vector<50x64xbf16> -> vector<200x64xbf16>
    %mul3A_567 = arith.mulf %concatenate3A_566, %convert_element_type3A_270 : vector<200x64xbf16>
    %dot_general3A_568 = arith.constant dense<0.000000e+00> : vector<50x200xf32>
    %dot_general3A_569 = tpu.matmul %slice3A_561, %mul3A_565, %dot_general3A_568 {dimension_numbers = #tpu.dot_dimension_numbers<[1], [1], [0], [0], [0, 0, 1, 0], [], []>, transpose_lhs_hint = false} : vector<50x64xbf16>, vector<200x64xbf16>, vector<50x200xf32> -> vector<50x200xf32>
    %convert_element_type3A_570 = arith.truncf %dot_general3A_569 : vector<50x200xf32> to vector<50x200xbf16>
    %slice3A_571 = vector.extract_strided_slice %convert_element_type3A_282 {offsets = [1450, 0], sizes = [50, 64], strides = [1, 1]} : vector<1600x192xbf16> to vector<50x64xbf16>
    %slice3A_572 = vector.extract_strided_slice %convert_element_type3A_282 {offsets = [1450, 64], sizes = [50, 64], strides = [1, 1]} : vector<1600x192xbf16> to vector<50x64xbf16>
    %slice3A_573 = vector.extract_strided_slice %convert_element_type3A_282 {offsets = [1450, 128], sizes = [50, 64], strides = [1, 1]} : vector<1600x192xbf16> to vector<50x64xbf16>
    %concatenate3A_574 = tpu.concatenate %slice3A_572, %slice3A_572, %slice3A_572, %slice3A_572 in 0 : vector<50x64xbf16>, vector<50x64xbf16>, vector<50x64xbf16>, vector<50x64xbf16> -> vector<200x64xbf16>
    %mul3A_575 = arith.mulf %concatenate3A_574, %convert_element_type3A_270 : vector<200x64xbf16>
    %concatenate3A_576 = tpu.concatenate %slice3A_573, %slice3A_573, %slice3A_573, %slice3A_573 in 0 : vector<50x64xbf16>, vector<50x64xbf16>, vector<50x64xbf16>, vector<50x64xbf16> -> vector<200x64xbf16>
    %mul3A_577 = arith.mulf %concatenate3A_576, %convert_element_type3A_270 : vector<200x64xbf16>
    %dot_general3A_578 = arith.constant dense<0.000000e+00> : vector<50x200xf32>
    %dot_general3A_579 = tpu.matmul %slice3A_571, %mul3A_575, %dot_general3A_578 {dimension_numbers = #tpu.dot_dimension_numbers<[1], [1], [0], [0], [0, 0, 1, 0], [], []>, transpose_lhs_hint = false} : vector<50x64xbf16>, vector<200x64xbf16>, vector<50x200xf32> -> vector<50x200xf32>
    %convert_element_type3A_580 = arith.truncf %dot_general3A_579 : vector<50x200xf32> to vector<50x200xbf16>
    %slice3A_581 = vector.extract_strided_slice %convert_element_type3A_282 {offsets = [1500, 0], sizes = [50, 64], strides = [1, 1]} : vector<1600x192xbf16> to vector<50x64xbf16>
    %slice3A_582 = vector.extract_strided_slice %convert_element_type3A_282 {offsets = [1500, 64], sizes = [50, 64], strides = [1, 1]} : vector<1600x192xbf16> to vector<50x64xbf16>
    %slice3A_583 = vector.extract_strided_slice %convert_element_type3A_282 {offsets = [1500, 128], sizes = [50, 64], strides = [1, 1]} : vector<1600x192xbf16> to vector<50x64xbf16>
    %concatenate3A_584 = tpu.concatenate %slice3A_582, %slice3A_582, %slice3A_582, %slice3A_582 in 0 : vector<50x64xbf16>, vector<50x64xbf16>, vector<50x64xbf16>, vector<50x64xbf16> -> vector<200x64xbf16>
    %mul3A_585 = arith.mulf %concatenate3A_584, %convert_element_type3A_270 : vector<200x64xbf16>
    %concatenate3A_586 = tpu.concatenate %slice3A_583, %slice3A_583, %slice3A_583, %slice3A_583 in 0 : vector<50x64xbf16>, vector<50x64xbf16>, vector<50x64xbf16>, vector<50x64xbf16> -> vector<200x64xbf16>
    %mul3A_587 = arith.mulf %concatenate3A_586, %convert_element_type3A_270 : vector<200x64xbf16>
    %dot_general3A_588 = arith.constant dense<0.000000e+00> : vector<50x200xf32>
    %dot_general3A_589 = tpu.matmul %slice3A_581, %mul3A_585, %dot_general3A_588 {dimension_numbers = #tpu.dot_dimension_numbers<[1], [1], [0], [0], [0, 0, 1, 0], [], []>, transpose_lhs_hint = false} : vector<50x64xbf16>, vector<200x64xbf16>, vector<50x200xf32> -> vector<50x200xf32>
    %convert_element_type3A_590 = arith.truncf %dot_general3A_589 : vector<50x200xf32> to vector<50x200xbf16>
    %slice3A_591 = vector.extract_strided_slice %convert_element_type3A_282 {offsets = [1550, 0], sizes = [50, 64], strides = [1, 1]} : vector<1600x192xbf16> to vector<50x64xbf16>
    %slice3A_592 = vector.extract_strided_slice %convert_element_type3A_282 {offsets = [1550, 64], sizes = [50, 64], strides = [1, 1]} : vector<1600x192xbf16> to vector<50x64xbf16>
    %slice3A_593 = vector.extract_strided_slice %convert_element_type3A_282 {offsets = [1550, 128], sizes = [50, 64], strides = [1, 1]} : vector<1600x192xbf16> to vector<50x64xbf16>
    %concatenate3A_594 = tpu.concatenate %slice3A_592, %slice3A_592, %slice3A_592, %slice3A_592 in 0 : vector<50x64xbf16>, vector<50x64xbf16>, vector<50x64xbf16>, vector<50x64xbf16> -> vector<200x64xbf16>
    %mul3A_595 = arith.mulf %concatenate3A_594, %convert_element_type3A_270 : vector<200x64xbf16>
    %concatenate3A_596 = tpu.concatenate %slice3A_593, %slice3A_593, %slice3A_593, %slice3A_593 in 0 : vector<50x64xbf16>, vector<50x64xbf16>, vector<50x64xbf16>, vector<50x64xbf16> -> vector<200x64xbf16>
    %mul3A_597 = arith.mulf %concatenate3A_596, %convert_element_type3A_270 : vector<200x64xbf16>
    %dot_general3A_598 = arith.constant dense<0.000000e+00> : vector<50x200xf32>
    %dot_general3A_599 = tpu.matmul %slice3A_591, %mul3A_595, %dot_general3A_598 {dimension_numbers = #tpu.dot_dimension_numbers<[1], [1], [0], [0], [0, 0, 1, 0], [], []>, transpose_lhs_hint = false} : vector<50x64xbf16>, vector<200x64xbf16>, vector<50x200xf32> -> vector<50x200xf32>
    %convert_element_type3A_600 = arith.truncf %dot_general3A_599 : vector<50x200xf32> to vector<50x200xbf16>
    %concatenate3A_601 = tpu.concatenate %convert_element_type3A_290, %convert_element_type3A_300, %convert_element_type3A_310, %convert_element_type3A_320, %convert_element_type3A_330, %convert_element_type3A_340, %convert_element_type3A_350, %convert_element_type3A_360, %convert_element_type3A_370, %convert_element_type3A_380, %convert_element_type3A_390, %convert_element_type3A_400, %convert_element_type3A_410, %convert_element_type3A_420, %convert_element_type3A_430, %convert_element_type3A_440, %convert_element_type3A_450, %convert_element_type3A_460, %convert_element_type3A_470, %convert_element_type3A_480, %convert_element_type3A_490, %convert_element_type3A_500, %convert_element_type3A_510, %convert_element_type3A_520, %convert_element_type3A_530, %convert_element_type3A_540, %convert_element_type3A_550, %convert_element_type3A_560, %convert_element_type3A_570, %convert_element_type3A_580, %convert_element_type3A_590, %convert_element_type3A_600 in 0 : vector<50x200xbf16>, vector<50x200xbf16>, vector<50x200xbf16>, vector<50x200xbf16>, vector<50x200xbf16>, vector<50x200xbf16>, vector<50x200xbf16>, vector<50x200xbf16>, vector<50x200xbf16>, vector<50x200xbf16>, vector<50x200xbf16>, vector<50x200xbf16>, vector<50x200xbf16>, vector<50x200xbf16>, vector<50x200xbf16>, vector<50x200xbf16>, vector<50x200xbf16>, vector<50x200xbf16>, vector<50x200xbf16>, vector<50x200xbf16>, vector<50x200xbf16>, vector<50x200xbf16>, vector<50x200xbf16>, vector<50x200xbf16>, vector<50x200xbf16>, vector<50x200xbf16>, vector<50x200xbf16>, vector<50x200xbf16>, vector<50x200xbf16>, vector<50x200xbf16>, vector<50x200xbf16>, vector<50x200xbf16> -> vector<1600x200xbf16>
    %mul3A_602 = arith.constant 2.500000e-01 : bf16
    %mul3A_603 = vector.broadcast %mul3A_602 : bf16 to vector<1600x200xbf16>
    %mul3A_604 = arith.mulf %concatenate3A_601, %mul3A_603 : vector<1600x200xbf16>
    %slice3A_605 = vector.extract_strided_slice %mul3A_604 {offsets = [0, 0], sizes = [1600, 50], strides = [1, 1]} : vector<1600x200xbf16> to vector<1600x50xbf16>
    %reduce_max3A_606 = arith.constant dense<0xFF80> : vector<1600xbf16>
    %reduce_max3A_607 = vector.multi_reduction <maximumf>, %slice3A_605, %reduce_max3A_606 [1] : vector<1600x50xbf16> to vector<1600xbf16>
    %broadcast_in_dim3A_608 = vector.shape_cast %reduce_max3A_607 : vector<1600xbf16> to vector<1600x1xbf16>
    %sub3A_609 = vector.broadcast %broadcast_in_dim3A_608 : vector<1600x1xbf16> to vector<1600x50xbf16>
    %sub3A_610 = arith.subf %slice3A_605, %sub3A_609 : vector<1600x50xbf16>
    %exp3A_611 = math.exp %sub3A_610 : vector<1600x50xbf16>
    %convert_element_type3A_612 = arith.extf %exp3A_611 : vector<1600x50xbf16> to vector<1600x50xf32>
    %reduce_sum3A_613 = arith.constant dense<0.000000e+00> : vector<1600xf32>
    %reduce_sum3A_614 = vector.multi_reduction <add>, %convert_element_type3A_612, %reduce_sum3A_613 [1] : vector<1600x50xf32> to vector<1600xf32>
    %broadcast_in_dim3A_615 = vector.shape_cast %reduce_sum3A_614 : vector<1600xf32> to vector<1600x1xf32>
    %convert_element_type3A_616 = arith.truncf %broadcast_in_dim3A_615 : vector<1600x1xf32> to vector<1600x1xbf16>
    %div3A_617 = vector.broadcast %convert_element_type3A_616 : vector<1600x1xbf16> to vector<1600x50xbf16>
    %div3A_618 = arith.divf %exp3A_611, %div3A_617 : vector<1600x50xbf16>
    %slice3A_619 = vector.extract_strided_slice %mul3A_604 {offsets = [0, 50], sizes = [1600, 50], strides = [1, 1]} : vector<1600x200xbf16> to vector<1600x50xbf16>
    %reduce_max3A_620 = arith.constant dense<0xFF80> : vector<1600xbf16>
    %reduce_max3A_621 = vector.multi_reduction <maximumf>, %slice3A_619, %reduce_max3A_620 [1] : vector<1600x50xbf16> to vector<1600xbf16>
    %broadcast_in_dim3A_622 = vector.shape_cast %reduce_max3A_621 : vector<1600xbf16> to vector<1600x1xbf16>
    %sub3A_623 = vector.broadcast %broadcast_in_dim3A_622 : vector<1600x1xbf16> to vector<1600x50xbf16>
    %sub3A_624 = arith.subf %slice3A_619, %sub3A_623 : vector<1600x50xbf16>
    %exp3A_625 = math.exp %sub3A_624 : vector<1600x50xbf16>
    %convert_element_type3A_626 = arith.extf %exp3A_625 : vector<1600x50xbf16> to vector<1600x50xf32>
    %reduce_sum3A_627 = arith.constant dense<0.000000e+00> : vector<1600xf32>
    %reduce_sum3A_628 = vector.multi_reduction <add>, %convert_element_type3A_626, %reduce_sum3A_627 [1] : vector<1600x50xf32> to vector<1600xf32>
    %broadcast_in_dim3A_629 = vector.shape_cast %reduce_sum3A_628 : vector<1600xf32> to vector<1600x1xf32>
    %convert_element_type3A_630 = arith.truncf %broadcast_in_dim3A_629 : vector<1600x1xf32> to vector<1600x1xbf16>
    %div3A_631 = vector.broadcast %convert_element_type3A_630 : vector<1600x1xbf16> to vector<1600x50xbf16>
    %div3A_632 = arith.divf %exp3A_625, %div3A_631 : vector<1600x50xbf16>
    %slice3A_633 = vector.extract_strided_slice %mul3A_604 {offsets = [0, 100], sizes = [1600, 50], strides = [1, 1]} : vector<1600x200xbf16> to vector<1600x50xbf16>
    %reduce_max3A_634 = arith.constant dense<0xFF80> : vector<1600xbf16>
    %reduce_max3A_635 = vector.multi_reduction <maximumf>, %slice3A_633, %reduce_max3A_634 [1] : vector<1600x50xbf16> to vector<1600xbf16>
    %broadcast_in_dim3A_636 = vector.shape_cast %reduce_max3A_635 : vector<1600xbf16> to vector<1600x1xbf16>
    %sub3A_637 = vector.broadcast %broadcast_in_dim3A_636 : vector<1600x1xbf16> to vector<1600x50xbf16>
    %sub3A_638 = arith.subf %slice3A_633, %sub3A_637 : vector<1600x50xbf16>
    %exp3A_639 = math.exp %sub3A_638 : vector<1600x50xbf16>
    %convert_element_type3A_640 = arith.extf %exp3A_639 : vector<1600x50xbf16> to vector<1600x50xf32>
    %reduce_sum3A_641 = arith.constant dense<0.000000e+00> : vector<1600xf32>
    %reduce_sum3A_642 = vector.multi_reduction <add>, %convert_element_type3A_640, %reduce_sum3A_641 [1] : vector<1600x50xf32> to vector<1600xf32>
    %broadcast_in_dim3A_643 = vector.shape_cast %reduce_sum3A_642 : vector<1600xf32> to vector<1600x1xf32>
    %convert_element_type3A_644 = arith.truncf %broadcast_in_dim3A_643 : vector<1600x1xf32> to vector<1600x1xbf16>
    %div3A_645 = vector.broadcast %convert_element_type3A_644 : vector<1600x1xbf16> to vector<1600x50xbf16>
    %div3A_646 = arith.divf %exp3A_639, %div3A_645 : vector<1600x50xbf16>
    %slice3A_647 = vector.extract_strided_slice %mul3A_604 {offsets = [0, 150], sizes = [1600, 50], strides = [1, 1]} : vector<1600x200xbf16> to vector<1600x50xbf16>
    %reduce_max3A_648 = arith.constant dense<0xFF80> : vector<1600xbf16>
    %reduce_max3A_649 = vector.multi_reduction <maximumf>, %slice3A_647, %reduce_max3A_648 [1] : vector<1600x50xbf16> to vector<1600xbf16>
    %broadcast_in_dim3A_650 = vector.shape_cast %reduce_max3A_649 : vector<1600xbf16> to vector<1600x1xbf16>
    %sub3A_651 = vector.broadcast %broadcast_in_dim3A_650 : vector<1600x1xbf16> to vector<1600x50xbf16>
    %sub3A_652 = arith.subf %slice3A_647, %sub3A_651 : vector<1600x50xbf16>
    %exp3A_653 = math.exp %sub3A_652 : vector<1600x50xbf16>
    %convert_element_type3A_654 = arith.extf %exp3A_653 : vector<1600x50xbf16> to vector<1600x50xf32>
    %reduce_sum3A_655 = arith.constant dense<0.000000e+00> : vector<1600xf32>
    %reduce_sum3A_656 = vector.multi_reduction <add>, %convert_element_type3A_654, %reduce_sum3A_655 [1] : vector<1600x50xf32> to vector<1600xf32>
    %broadcast_in_dim3A_657 = vector.shape_cast %reduce_sum3A_656 : vector<1600xf32> to vector<1600x1xf32>
    %convert_element_type3A_658 = arith.truncf %broadcast_in_dim3A_657 : vector<1600x1xf32> to vector<1600x1xbf16>
    %div3A_659 = vector.broadcast %convert_element_type3A_658 : vector<1600x1xbf16> to vector<1600x50xbf16>
    %div3A_660 = arith.divf %exp3A_653, %div3A_659 : vector<1600x50xbf16>
    %concatenate3A_661 = tpu.concatenate %div3A_618, %div3A_632, %div3A_646, %div3A_660 in 1 : vector<1600x50xbf16>, vector<1600x50xbf16>, vector<1600x50xbf16>, vector<1600x50xbf16> -> vector<1600x200xbf16>
    %slice3A_662 = vector.extract_strided_slice %concatenate3A_661 {offsets = [0, 0], sizes = [50, 200], strides = [1, 1]} : vector<1600x200xbf16> to vector<50x200xbf16>
    %dot_general3A_663 = arith.constant dense<0.000000e+00> : vector<50x64xf32>
    %dot_general3A_664 = tpu.matmul %slice3A_662, %mul3A_287, %dot_general3A_663 {dimension_numbers = #tpu.dot_dimension_numbers<[1], [0], [0], [1], [0, 0, 1, 1], [], []>, transpose_lhs_hint = false} : vector<50x200xbf16>, vector<200x64xbf16>, vector<50x64xf32> -> vector<50x64xf32>
    %convert_element_type3A_665 = arith.truncf %dot_general3A_664 : vector<50x64xf32> to vector<50x64xbf16>
    %slice3A_666 = vector.extract_strided_slice %concatenate3A_661 {offsets = [50, 0], sizes = [50, 200], strides = [1, 1]} : vector<1600x200xbf16> to vector<50x200xbf16>
    %dot_general3A_667 = arith.constant dense<0.000000e+00> : vector<50x64xf32>
    %dot_general3A_668 = tpu.matmul %slice3A_666, %mul3A_297, %dot_general3A_667 {dimension_numbers = #tpu.dot_dimension_numbers<[1], [0], [0], [1], [0, 0, 1, 1], [], []>, transpose_lhs_hint = false} : vector<50x200xbf16>, vector<200x64xbf16>, vector<50x64xf32> -> vector<50x64xf32>
    %convert_element_type3A_669 = arith.truncf %dot_general3A_668 : vector<50x64xf32> to vector<50x64xbf16>
    %slice3A_670 = vector.extract_strided_slice %concatenate3A_661 {offsets = [100, 0], sizes = [50, 200], strides = [1, 1]} : vector<1600x200xbf16> to vector<50x200xbf16>
    %dot_general3A_671 = arith.constant dense<0.000000e+00> : vector<50x64xf32>
    %dot_general3A_672 = tpu.matmul %slice3A_670, %mul3A_307, %dot_general3A_671 {dimension_numbers = #tpu.dot_dimension_numbers<[1], [0], [0], [1], [0, 0, 1, 1], [], []>, transpose_lhs_hint = false} : vector<50x200xbf16>, vector<200x64xbf16>, vector<50x64xf32> -> vector<50x64xf32>
    %convert_element_type3A_673 = arith.truncf %dot_general3A_672 : vector<50x64xf32> to vector<50x64xbf16>
    %slice3A_674 = vector.extract_strided_slice %concatenate3A_661 {offsets = [150, 0], sizes = [50, 200], strides = [1, 1]} : vector<1600x200xbf16> to vector<50x200xbf16>
    %dot_general3A_675 = arith.constant dense<0.000000e+00> : vector<50x64xf32>
    %dot_general3A_676 = tpu.matmul %slice3A_674, %mul3A_317, %dot_general3A_675 {dimension_numbers = #tpu.dot_dimension_numbers<[1], [0], [0], [1], [0, 0, 1, 1], [], []>, transpose_lhs_hint = false} : vector<50x200xbf16>, vector<200x64xbf16>, vector<50x64xf32> -> vector<50x64xf32>
    %convert_element_type3A_677 = arith.truncf %dot_general3A_676 : vector<50x64xf32> to vector<50x64xbf16>
    %slice3A_678 = vector.extract_strided_slice %concatenate3A_661 {offsets = [200, 0], sizes = [50, 200], strides = [1, 1]} : vector<1600x200xbf16> to vector<50x200xbf16>
    %dot_general3A_679 = arith.constant dense<0.000000e+00> : vector<50x64xf32>
    %dot_general3A_680 = tpu.matmul %slice3A_678, %mul3A_327, %dot_general3A_679 {dimension_numbers = #tpu.dot_dimension_numbers<[1], [0], [0], [1], [0, 0, 1, 1], [], []>, transpose_lhs_hint = false} : vector<50x200xbf16>, vector<200x64xbf16>, vector<50x64xf32> -> vector<50x64xf32>
    %convert_element_type3A_681 = arith.truncf %dot_general3A_680 : vector<50x64xf32> to vector<50x64xbf16>
    %slice3A_682 = vector.extract_strided_slice %concatenate3A_661 {offsets = [250, 0], sizes = [50, 200], strides = [1, 1]} : vector<1600x200xbf16> to vector<50x200xbf16>
    %dot_general3A_683 = arith.constant dense<0.000000e+00> : vector<50x64xf32>
    %dot_general3A_684 = tpu.matmul %slice3A_682, %mul3A_337, %dot_general3A_683 {dimension_numbers = #tpu.dot_dimension_numbers<[1], [0], [0], [1], [0, 0, 1, 1], [], []>, transpose_lhs_hint = false} : vector<50x200xbf16>, vector<200x64xbf16>, vector<50x64xf32> -> vector<50x64xf32>
    %convert_element_type3A_685 = arith.truncf %dot_general3A_684 : vector<50x64xf32> to vector<50x64xbf16>
    %slice3A_686 = vector.extract_strided_slice %concatenate3A_661 {offsets = [300, 0], sizes = [50, 200], strides = [1, 1]} : vector<1600x200xbf16> to vector<50x200xbf16>
    %dot_general3A_687 = arith.constant dense<0.000000e+00> : vector<50x64xf32>
    %dot_general3A_688 = tpu.matmul %slice3A_686, %mul3A_347, %dot_general3A_687 {dimension_numbers = #tpu.dot_dimension_numbers<[1], [0], [0], [1], [0, 0, 1, 1], [], []>, transpose_lhs_hint = false} : vector<50x200xbf16>, vector<200x64xbf16>, vector<50x64xf32> -> vector<50x64xf32>
    %convert_element_type3A_689 = arith.truncf %dot_general3A_688 : vector<50x64xf32> to vector<50x64xbf16>
    %slice3A_690 = vector.extract_strided_slice %concatenate3A_661 {offsets = [350, 0], sizes = [50, 200], strides = [1, 1]} : vector<1600x200xbf16> to vector<50x200xbf16>
    %dot_general3A_691 = arith.constant dense<0.000000e+00> : vector<50x64xf32>
    %dot_general3A_692 = tpu.matmul %slice3A_690, %mul3A_357, %dot_general3A_691 {dimension_numbers = #tpu.dot_dimension_numbers<[1], [0], [0], [1], [0, 0, 1, 1], [], []>, transpose_lhs_hint = false} : vector<50x200xbf16>, vector<200x64xbf16>, vector<50x64xf32> -> vector<50x64xf32>
    %convert_element_type3A_693 = arith.truncf %dot_general3A_692 : vector<50x64xf32> to vector<50x64xbf16>
    %slice3A_694 = vector.extract_strided_slice %concatenate3A_661 {offsets = [400, 0], sizes = [50, 200], strides = [1, 1]} : vector<1600x200xbf16> to vector<50x200xbf16>
    %dot_general3A_695 = arith.constant dense<0.000000e+00> : vector<50x64xf32>
    %dot_general3A_696 = tpu.matmul %slice3A_694, %mul3A_367, %dot_general3A_695 {dimension_numbers = #tpu.dot_dimension_numbers<[1], [0], [0], [1], [0, 0, 1, 1], [], []>, transpose_lhs_hint = false} : vector<50x200xbf16>, vector<200x64xbf16>, vector<50x64xf32> -> vector<50x64xf32>
    %convert_element_type3A_697 = arith.truncf %dot_general3A_696 : vector<50x64xf32> to vector<50x64xbf16>
    %slice3A_698 = vector.extract_strided_slice %concatenate3A_661 {offsets = [450, 0], sizes = [50, 200], strides = [1, 1]} : vector<1600x200xbf16> to vector<50x200xbf16>
    %dot_general3A_699 = arith.constant dense<0.000000e+00> : vector<50x64xf32>
    %dot_general3A_700 = tpu.matmul %slice3A_698, %mul3A_377, %dot_general3A_699 {dimension_numbers = #tpu.dot_dimension_numbers<[1], [0], [0], [1], [0, 0, 1, 1], [], []>, transpose_lhs_hint = false} : vector<50x200xbf16>, vector<200x64xbf16>, vector<50x64xf32> -> vector<50x64xf32>
    %convert_element_type3A_701 = arith.truncf %dot_general3A_700 : vector<50x64xf32> to vector<50x64xbf16>
    %slice3A_702 = vector.extract_strided_slice %concatenate3A_661 {offsets = [500, 0], sizes = [50, 200], strides = [1, 1]} : vector<1600x200xbf16> to vector<50x200xbf16>
    %dot_general3A_703 = arith.constant dense<0.000000e+00> : vector<50x64xf32>
    %dot_general3A_704 = tpu.matmul %slice3A_702, %mul3A_387, %dot_general3A_703 {dimension_numbers = #tpu.dot_dimension_numbers<[1], [0], [0], [1], [0, 0, 1, 1], [], []>, transpose_lhs_hint = false} : vector<50x200xbf16>, vector<200x64xbf16>, vector<50x64xf32> -> vector<50x64xf32>
    %convert_element_type3A_705 = arith.truncf %dot_general3A_704 : vector<50x64xf32> to vector<50x64xbf16>
    %slice3A_706 = vector.extract_strided_slice %concatenate3A_661 {offsets = [550, 0], sizes = [50, 200], strides = [1, 1]} : vector<1600x200xbf16> to vector<50x200xbf16>
    %dot_general3A_707 = arith.constant dense<0.000000e+00> : vector<50x64xf32>
    %dot_general3A_708 = tpu.matmul %slice3A_706, %mul3A_397, %dot_general3A_707 {dimension_numbers = #tpu.dot_dimension_numbers<[1], [0], [0], [1], [0, 0, 1, 1], [], []>, transpose_lhs_hint = false} : vector<50x200xbf16>, vector<200x64xbf16>, vector<50x64xf32> -> vector<50x64xf32>
    %convert_element_type3A_709 = arith.truncf %dot_general3A_708 : vector<50x64xf32> to vector<50x64xbf16>
    %slice3A_710 = vector.extract_strided_slice %concatenate3A_661 {offsets = [600, 0], sizes = [50, 200], strides = [1, 1]} : vector<1600x200xbf16> to vector<50x200xbf16>
    %dot_general3A_711 = arith.constant dense<0.000000e+00> : vector<50x64xf32>
    %dot_general3A_712 = tpu.matmul %slice3A_710, %mul3A_407, %dot_general3A_711 {dimension_numbers = #tpu.dot_dimension_numbers<[1], [0], [0], [1], [0, 0, 1, 1], [], []>, transpose_lhs_hint = false} : vector<50x200xbf16>, vector<200x64xbf16>, vector<50x64xf32> -> vector<50x64xf32>
    %convert_element_type3A_713 = arith.truncf %dot_general3A_712 : vector<50x64xf32> to vector<50x64xbf16>
    %slice3A_714 = vector.extract_strided_slice %concatenate3A_661 {offsets = [650, 0], sizes = [50, 200], strides = [1, 1]} : vector<1600x200xbf16> to vector<50x200xbf16>
    %dot_general3A_715 = arith.constant dense<0.000000e+00> : vector<50x64xf32>
    %dot_general3A_716 = tpu.matmul %slice3A_714, %mul3A_417, %dot_general3A_715 {dimension_numbers = #tpu.dot_dimension_numbers<[1], [0], [0], [1], [0, 0, 1, 1], [], []>, transpose_lhs_hint = false} : vector<50x200xbf16>, vector<200x64xbf16>, vector<50x64xf32> -> vector<50x64xf32>
    %convert_element_type3A_717 = arith.truncf %dot_general3A_716 : vector<50x64xf32> to vector<50x64xbf16>
    %slice3A_718 = vector.extract_strided_slice %concatenate3A_661 {offsets = [700, 0], sizes = [50, 200], strides = [1, 1]} : vector<1600x200xbf16> to vector<50x200xbf16>
    %dot_general3A_719 = arith.constant dense<0.000000e+00> : vector<50x64xf32>
    %dot_general3A_720 = tpu.matmul %slice3A_718, %mul3A_427, %dot_general3A_719 {dimension_numbers = #tpu.dot_dimension_numbers<[1], [0], [0], [1], [0, 0, 1, 1], [], []>, transpose_lhs_hint = false} : vector<50x200xbf16>, vector<200x64xbf16>, vector<50x64xf32> -> vector<50x64xf32>
    %convert_element_type3A_721 = arith.truncf %dot_general3A_720 : vector<50x64xf32> to vector<50x64xbf16>
    %slice3A_722 = vector.extract_strided_slice %concatenate3A_661 {offsets = [750, 0], sizes = [50, 200], strides = [1, 1]} : vector<1600x200xbf16> to vector<50x200xbf16>
    %dot_general3A_723 = arith.constant dense<0.000000e+00> : vector<50x64xf32>
    %dot_general3A_724 = tpu.matmul %slice3A_722, %mul3A_437, %dot_general3A_723 {dimension_numbers = #tpu.dot_dimension_numbers<[1], [0], [0], [1], [0, 0, 1, 1], [], []>, transpose_lhs_hint = false} : vector<50x200xbf16>, vector<200x64xbf16>, vector<50x64xf32> -> vector<50x64xf32>
    %convert_element_type3A_725 = arith.truncf %dot_general3A_724 : vector<50x64xf32> to vector<50x64xbf16>
    %slice3A_726 = vector.extract_strided_slice %concatenate3A_661 {offsets = [800, 0], sizes = [50, 200], strides = [1, 1]} : vector<1600x200xbf16> to vector<50x200xbf16>
    %dot_general3A_727 = arith.constant dense<0.000000e+00> : vector<50x64xf32>
    %dot_general3A_728 = tpu.matmul %slice3A_726, %mul3A_447, %dot_general3A_727 {dimension_numbers = #tpu.dot_dimension_numbers<[1], [0], [0], [1], [0, 0, 1, 1], [], []>, transpose_lhs_hint = false} : vector<50x200xbf16>, vector<200x64xbf16>, vector<50x64xf32> -> vector<50x64xf32>
    %convert_element_type3A_729 = arith.truncf %dot_general3A_728 : vector<50x64xf32> to vector<50x64xbf16>
    %slice3A_730 = vector.extract_strided_slice %concatenate3A_661 {offsets = [850, 0], sizes = [50, 200], strides = [1, 1]} : vector<1600x200xbf16> to vector<50x200xbf16>
    %dot_general3A_731 = arith.constant dense<0.000000e+00> : vector<50x64xf32>
    %dot_general3A_732 = tpu.matmul %slice3A_730, %mul3A_457, %dot_general3A_731 {dimension_numbers = #tpu.dot_dimension_numbers<[1], [0], [0], [1], [0, 0, 1, 1], [], []>, transpose_lhs_hint = false} : vector<50x200xbf16>, vector<200x64xbf16>, vector<50x64xf32> -> vector<50x64xf32>
    %convert_element_type3A_733 = arith.truncf %dot_general3A_732 : vector<50x64xf32> to vector<50x64xbf16>
    %slice3A_734 = vector.extract_strided_slice %concatenate3A_661 {offsets = [900, 0], sizes = [50, 200], strides = [1, 1]} : vector<1600x200xbf16> to vector<50x200xbf16>
    %dot_general3A_735 = arith.constant dense<0.000000e+00> : vector<50x64xf32>
    %dot_general3A_736 = tpu.matmul %slice3A_734, %mul3A_467, %dot_general3A_735 {dimension_numbers = #tpu.dot_dimension_numbers<[1], [0], [0], [1], [0, 0, 1, 1], [], []>, transpose_lhs_hint = false} : vector<50x200xbf16>, vector<200x64xbf16>, vector<50x64xf32> -> vector<50x64xf32>
    %convert_element_type3A_737 = arith.truncf %dot_general3A_736 : vector<50x64xf32> to vector<50x64xbf16>
    %slice3A_738 = vector.extract_strided_slice %concatenate3A_661 {offsets = [950, 0], sizes = [50, 200], strides = [1, 1]} : vector<1600x200xbf16> to vector<50x200xbf16>
    %dot_general3A_739 = arith.constant dense<0.000000e+00> : vector<50x64xf32>
    %dot_general3A_740 = tpu.matmul %slice3A_738, %mul3A_477, %dot_general3A_739 {dimension_numbers = #tpu.dot_dimension_numbers<[1], [0], [0], [1], [0, 0, 1, 1], [], []>, transpose_lhs_hint = false} : vector<50x200xbf16>, vector<200x64xbf16>, vector<50x64xf32> -> vector<50x64xf32>
    %convert_element_type3A_741 = arith.truncf %dot_general3A_740 : vector<50x64xf32> to vector<50x64xbf16>
    %slice3A_742 = vector.extract_strided_slice %concatenate3A_661 {offsets = [1000, 0], sizes = [50, 200], strides = [1, 1]} : vector<1600x200xbf16> to vector<50x200xbf16>
    %dot_general3A_743 = arith.constant dense<0.000000e+00> : vector<50x64xf32>
    %dot_general3A_744 = tpu.matmul %slice3A_742, %mul3A_487, %dot_general3A_743 {dimension_numbers = #tpu.dot_dimension_numbers<[1], [0], [0], [1], [0, 0, 1, 1], [], []>, transpose_lhs_hint = false} : vector<50x200xbf16>, vector<200x64xbf16>, vector<50x64xf32> -> vector<50x64xf32>
    %convert_element_type3A_745 = arith.truncf %dot_general3A_744 : vector<50x64xf32> to vector<50x64xbf16>
    %slice3A_746 = vector.extract_strided_slice %concatenate3A_661 {offsets = [1050, 0], sizes = [50, 200], strides = [1, 1]} : vector<1600x200xbf16> to vector<50x200xbf16>
    %dot_general3A_747 = arith.constant dense<0.000000e+00> : vector<50x64xf32>
    %dot_general3A_748 = tpu.matmul %slice3A_746, %mul3A_497, %dot_general3A_747 {dimension_numbers = #tpu.dot_dimension_numbers<[1], [0], [0], [1], [0, 0, 1, 1], [], []>, transpose_lhs_hint = false} : vector<50x200xbf16>, vector<200x64xbf16>, vector<50x64xf32> -> vector<50x64xf32>
    %convert_element_type3A_749 = arith.truncf %dot_general3A_748 : vector<50x64xf32> to vector<50x64xbf16>
    %slice3A_750 = vector.extract_strided_slice %concatenate3A_661 {offsets = [1100, 0], sizes = [50, 200], strides = [1, 1]} : vector<1600x200xbf16> to vector<50x200xbf16>
    %dot_general3A_751 = arith.constant dense<0.000000e+00> : vector<50x64xf32>
    %dot_general3A_752 = tpu.matmul %slice3A_750, %mul3A_507, %dot_general3A_751 {dimension_numbers = #tpu.dot_dimension_numbers<[1], [0], [0], [1], [0, 0, 1, 1], [], []>, transpose_lhs_hint = false} : vector<50x200xbf16>, vector<200x64xbf16>, vector<50x64xf32> -> vector<50x64xf32>
    %convert_element_type3A_753 = arith.truncf %dot_general3A_752 : vector<50x64xf32> to vector<50x64xbf16>
    %slice3A_754 = vector.extract_strided_slice %concatenate3A_661 {offsets = [1150, 0], sizes = [50, 200], strides = [1, 1]} : vector<1600x200xbf16> to vector<50x200xbf16>
    %dot_general3A_755 = arith.constant dense<0.000000e+00> : vector<50x64xf32>
    %dot_general3A_756 = tpu.matmul %slice3A_754, %mul3A_517, %dot_general3A_755 {dimension_numbers = #tpu.dot_dimension_numbers<[1], [0], [0], [1], [0, 0, 1, 1], [], []>, transpose_lhs_hint = false} : vector<50x200xbf16>, vector<200x64xbf16>, vector<50x64xf32> -> vector<50x64xf32>
    %convert_element_type3A_757 = arith.truncf %dot_general3A_756 : vector<50x64xf32> to vector<50x64xbf16>
    %slice3A_758 = vector.extract_strided_slice %concatenate3A_661 {offsets = [1200, 0], sizes = [50, 200], strides = [1, 1]} : vector<1600x200xbf16> to vector<50x200xbf16>
    %dot_general3A_759 = arith.constant dense<0.000000e+00> : vector<50x64xf32>
    %dot_general3A_760 = tpu.matmul %slice3A_758, %mul3A_527, %dot_general3A_759 {dimension_numbers = #tpu.dot_dimension_numbers<[1], [0], [0], [1], [0, 0, 1, 1], [], []>, transpose_lhs_hint = false} : vector<50x200xbf16>, vector<200x64xbf16>, vector<50x64xf32> -> vector<50x64xf32>
    %convert_element_type3A_761 = arith.truncf %dot_general3A_760 : vector<50x64xf32> to vector<50x64xbf16>
    %slice3A_762 = vector.extract_strided_slice %concatenate3A_661 {offsets = [1250, 0], sizes = [50, 200], strides = [1, 1]} : vector<1600x200xbf16> to vector<50x200xbf16>
    %dot_general3A_763 = arith.constant dense<0.000000e+00> : vector<50x64xf32>
    %dot_general3A_764 = tpu.matmul %slice3A_762, %mul3A_537, %dot_general3A_763 {dimension_numbers = #tpu.dot_dimension_numbers<[1], [0], [0], [1], [0, 0, 1, 1], [], []>, transpose_lhs_hint = false} : vector<50x200xbf16>, vector<200x64xbf16>, vector<50x64xf32> -> vector<50x64xf32>
    %convert_element_type3A_765 = arith.truncf %dot_general3A_764 : vector<50x64xf32> to vector<50x64xbf16>
    %slice3A_766 = vector.extract_strided_slice %concatenate3A_661 {offsets = [1300, 0], sizes = [50, 200], strides = [1, 1]} : vector<1600x200xbf16> to vector<50x200xbf16>
    %dot_general3A_767 = arith.constant dense<0.000000e+00> : vector<50x64xf32>
    %dot_general3A_768 = tpu.matmul %slice3A_766, %mul3A_547, %dot_general3A_767 {dimension_numbers = #tpu.dot_dimension_numbers<[1], [0], [0], [1], [0, 0, 1, 1], [], []>, transpose_lhs_hint = false} : vector<50x200xbf16>, vector<200x64xbf16>, vector<50x64xf32> -> vector<50x64xf32>
    %convert_element_type3A_769 = arith.truncf %dot_general3A_768 : vector<50x64xf32> to vector<50x64xbf16>
    %slice3A_770 = vector.extract_strided_slice %concatenate3A_661 {offsets = [1350, 0], sizes = [50, 200], strides = [1, 1]} : vector<1600x200xbf16> to vector<50x200xbf16>
    %dot_general3A_771 = arith.constant dense<0.000000e+00> : vector<50x64xf32>
    %dot_general3A_772 = tpu.matmul %slice3A_770, %mul3A_557, %dot_general3A_771 {dimension_numbers = #tpu.dot_dimension_numbers<[1], [0], [0], [1], [0, 0, 1, 1], [], []>, transpose_lhs_hint = false} : vector<50x200xbf16>, vector<200x64xbf16>, vector<50x64xf32> -> vector<50x64xf32>
    %convert_element_type3A_773 = arith.truncf %dot_general3A_772 : vector<50x64xf32> to vector<50x64xbf16>
    %slice3A_774 = vector.extract_strided_slice %concatenate3A_661 {offsets = [1400, 0], sizes = [50, 200], strides = [1, 1]} : vector<1600x200xbf16> to vector<50x200xbf16>
    %dot_general3A_775 = arith.constant dense<0.000000e+00> : vector<50x64xf32>
    %dot_general3A_776 = tpu.matmul %slice3A_774, %mul3A_567, %dot_general3A_775 {dimension_numbers = #tpu.dot_dimension_numbers<[1], [0], [0], [1], [0, 0, 1, 1], [], []>, transpose_lhs_hint = false} : vector<50x200xbf16>, vector<200x64xbf16>, vector<50x64xf32> -> vector<50x64xf32>
    %convert_element_type3A_777 = arith.truncf %dot_general3A_776 : vector<50x64xf32> to vector<50x64xbf16>
    %slice3A_778 = vector.extract_strided_slice %concatenate3A_661 {offsets = [1450, 0], sizes = [50, 200], strides = [1, 1]} : vector<1600x200xbf16> to vector<50x200xbf16>
    %dot_general3A_779 = arith.constant dense<0.000000e+00> : vector<50x64xf32>
    %dot_general3A_780 = tpu.matmul %slice3A_778, %mul3A_577, %dot_general3A_779 {dimension_numbers = #tpu.dot_dimension_numbers<[1], [0], [0], [1], [0, 0, 1, 1], [], []>, transpose_lhs_hint = false} : vector<50x200xbf16>, vector<200x64xbf16>, vector<50x64xf32> -> vector<50x64xf32>
    %convert_element_type3A_781 = arith.truncf %dot_general3A_780 : vector<50x64xf32> to vector<50x64xbf16>
    %slice3A_782 = vector.extract_strided_slice %concatenate3A_661 {offsets = [1500, 0], sizes = [50, 200], strides = [1, 1]} : vector<1600x200xbf16> to vector<50x200xbf16>
    %dot_general3A_783 = arith.constant dense<0.000000e+00> : vector<50x64xf32>
    %dot_general3A_784 = tpu.matmul %slice3A_782, %mul3A_587, %dot_general3A_783 {dimension_numbers = #tpu.dot_dimension_numbers<[1], [0], [0], [1], [0, 0, 1, 1], [], []>, transpose_lhs_hint = false} : vector<50x200xbf16>, vector<200x64xbf16>, vector<50x64xf32> -> vector<50x64xf32>
    %convert_element_type3A_785 = arith.truncf %dot_general3A_784 : vector<50x64xf32> to vector<50x64xbf16>
    %slice3A_786 = vector.extract_strided_slice %concatenate3A_661 {offsets = [1550, 0], sizes = [50, 200], strides = [1, 1]} : vector<1600x200xbf16> to vector<50x200xbf16>
    %dot_general3A_787 = arith.constant dense<0.000000e+00> : vector<50x64xf32>
    %dot_general3A_788 = tpu.matmul %slice3A_786, %mul3A_597, %dot_general3A_787 {dimension_numbers = #tpu.dot_dimension_numbers<[1], [0], [0], [1], [0, 0, 1, 1], [], []>, transpose_lhs_hint = false} : vector<50x200xbf16>, vector<200x64xbf16>, vector<50x64xf32> -> vector<50x64xf32>
    %convert_element_type3A_789 = arith.truncf %dot_general3A_788 : vector<50x64xf32> to vector<50x64xbf16>
    %concatenate3A_790 = tpu.concatenate %convert_element_type3A_665, %convert_element_type3A_669, %convert_element_type3A_673, %convert_element_type3A_677, %convert_element_type3A_681, %convert_element_type3A_685, %convert_element_type3A_689, %convert_element_type3A_693, %convert_element_type3A_697, %convert_element_type3A_701, %convert_element_type3A_705, %convert_element_type3A_709, %convert_element_type3A_713, %convert_element_type3A_717, %convert_element_type3A_721, %convert_element_type3A_725, %convert_element_type3A_729, %convert_element_type3A_733, %convert_element_type3A_737, %convert_element_type3A_741, %convert_element_type3A_745, %convert_element_type3A_749, %convert_element_type3A_753, %convert_element_type3A_757, %convert_element_type3A_761, %convert_element_type3A_765, %convert_element_type3A_769, %convert_element_type3A_773, %convert_element_type3A_777, %convert_element_type3A_781, %convert_element_type3A_785, %convert_element_type3A_789 in 0 : vector<50x64xbf16>, vector<50x64xbf16>, vector<50x64xbf16>, vector<50x64xbf16>, vector<50x64xbf16>, vector<50x64xbf16>, vector<50x64xbf16>, vector<50x64xbf16>, vector<50x64xbf16>, vector<50x64xbf16>, vector<50x64xbf16>, vector<50x64xbf16>, vector<50x64xbf16>, vector<50x64xbf16>, vector<50x64xbf16>, vector<50x64xbf16>, vector<50x64xbf16>, vector<50x64xbf16>, vector<50x64xbf16>, vector<50x64xbf16>, vector<50x64xbf16>, vector<50x64xbf16>, vector<50x64xbf16>, vector<50x64xbf16>, vector<50x64xbf16>, vector<50x64xbf16>, vector<50x64xbf16>, vector<50x64xbf16>, vector<50x64xbf16>, vector<50x64xbf16>, vector<50x64xbf16>, vector<50x64xbf16> -> vector<1600x64xbf16>
    %get3A_791 = arith.constant 0 : index
    %get3A_792 = arith.constant 0 : index
    %get3A_793 = vector.load %arg19[%get3A_791, %get3A_792] : memref<64x64xf32, #tpu.memory_space<vmem>>, vector<64x64xf32>
    %convert_element_type3A_794 = arith.truncf %get3A_793 : vector<64x64xf32> to vector<64x64xbf16>
    %dot_general3A_795 = arith.constant dense<0.000000e+00> : vector<1600x64xf32>
    %dot_general3A_796 = tpu.matmul %concatenate3A_790, %convert_element_type3A_794, %dot_general3A_795 {dimension_numbers = #tpu.dot_dimension_numbers<[1], [0], [0], [1], [0, 0, 1, 1], [], []>, transpose_lhs_hint = false} : vector<1600x64xbf16>, vector<64x64xbf16>, vector<1600x64xf32> -> vector<1600x64xf32>
    %convert_element_type3A_797 = arith.truncf %dot_general3A_796 : vector<1600x64xf32> to vector<1600x64xbf16>
    %get3A_798 = arith.constant 0 : index
    %get3A_799 = arith.constant 0 : index
    %get3A_800 = vector.load %arg20[%get3A_798, %get3A_799] : memref<1x64xf32, #tpu.memory_space<vmem>>, vector<1x64xf32>
    %convert_element_type3A_801 = arith.truncf %get3A_800 : vector<1x64xf32> to vector<1x64xbf16>
    %add3A_802 = vector.broadcast %convert_element_type3A_801 : vector<1x64xbf16> to vector<1600x64xbf16>
    %add3A_803 = arith.addf %convert_element_type3A_797, %add3A_802 : vector<1600x64xbf16>
    %add3A_804 = arith.addf %convert_element_type3A_199, %add3A_803 : vector<1600x64xbf16>
    %get3A_805 = arith.constant 0 : index
    %get3A_806 = arith.constant 0 : index
    %get3A_807 = vector.load %arg21[%get3A_805, %get3A_806] : memref<1x64xf32, #tpu.memory_space<vmem>>, vector<1x64xf32>
    %convert_element_type3A_808 = arith.truncf %get3A_807 : vector<1x64xf32> to vector<1x64xbf16>
    %get3A_809 = arith.constant 0 : index
    %get3A_810 = arith.constant 0 : index
    %get3A_811 = vector.load %arg22[%get3A_809, %get3A_810] : memref<1x64xf32, #tpu.memory_space<vmem>>, vector<1x64xf32>
    %convert_element_type3A_812 = arith.truncf %get3A_811 : vector<1x64xf32> to vector<1x64xbf16>
    %convert_element_type3A_813 = arith.extf %add3A_804 : vector<1600x64xbf16> to vector<1600x64xf32>
    %reduce_sum3A_814 = arith.constant dense<0.000000e+00> : vector<1600xf32>
    %reduce_sum3A_815 = vector.multi_reduction <add>, %convert_element_type3A_813, %reduce_sum3A_814 [1] : vector<1600x64xf32> to vector<1600xf32>
    %broadcast_in_dim3A_816 = vector.shape_cast %reduce_sum3A_815 : vector<1600xf32> to vector<1600x1xf32>
    %div3A_817 = arith.constant 6.400000e+01 : f32
    %div3A_818 = vector.broadcast %div3A_817 : f32 to vector<1600x1xf32>
    %div3A_819 = arith.divf %broadcast_in_dim3A_816, %div3A_818 : vector<1600x1xf32>
    %convert_element_type3A_820 = arith.truncf %div3A_819 : vector<1600x1xf32> to vector<1600x1xbf16>
    %sub3A_821 = vector.broadcast %convert_element_type3A_820 : vector<1600x1xbf16> to vector<1600x64xbf16>
    %sub3A_822 = arith.subf %add3A_804, %sub3A_821 : vector<1600x64xbf16>
    %integer_pow3A = arith.mulf %sub3A_822, %sub3A_822 : vector<1600x64xbf16>
    %convert_element_type3A_823 = arith.extf %integer_pow3A : vector<1600x64xbf16> to vector<1600x64xf32>
    %reduce_sum3A_824 = arith.constant dense<0.000000e+00> : vector<1600xf32>
    %reduce_sum3A_825 = vector.multi_reduction <add>, %convert_element_type3A_823, %reduce_sum3A_824 [1] : vector<1600x64xf32> to vector<1600xf32>
    %broadcast_in_dim3A_826 = vector.shape_cast %reduce_sum3A_825 : vector<1600xf32> to vector<1600x1xf32>
    %div3A_827 = arith.constant 6.400000e+01 : f32
    %div3A_828 = vector.broadcast %div3A_827 : f32 to vector<1600x1xf32>
    %div3A_829 = arith.divf %broadcast_in_dim3A_826, %div3A_828 : vector<1600x1xf32>
    %convert_element_type3A_830 = arith.truncf %div3A_829 : vector<1600x1xf32> to vector<1600x1xbf16>
    %sub3A_831 = vector.broadcast %convert_element_type3A_820 : vector<1600x1xbf16> to vector<1600x64xbf16>
    %sub3A_832 = arith.subf %add3A_804, %sub3A_831 : vector<1600x64xbf16>
    %add3A_833 = arith.constant 1.001360e-05 : bf16
    %add3A_834 = vector.broadcast %add3A_833 : bf16 to vector<1600x1xbf16>
    %add3A_835 = arith.addf %convert_element_type3A_830, %add3A_834 : vector<1600x1xbf16>
    %sqrt3A = math.sqrt %add3A_835 : vector<1600x1xbf16>
    %div3A_836 = vector.broadcast %sqrt3A : vector<1600x1xbf16> to vector<1600x64xbf16>
    %div3A_837 = arith.divf %sub3A_832, %div3A_836 : vector<1600x64xbf16>
    %mul3A_838 = vector.broadcast %convert_element_type3A_808 : vector<1x64xbf16> to vector<1600x64xbf16>
    %mul3A_839 = arith.mulf %div3A_837, %mul3A_838 : vector<1600x64xbf16>
    %add3A_840 = vector.broadcast %convert_element_type3A_812 : vector<1x64xbf16> to vector<1600x64xbf16>
    %add3A_841 = arith.addf %mul3A_839, %add3A_840 : vector<1600x64xbf16>
    %get3A_842 = arith.constant 0 : index
    %get3A_843 = arith.constant 0 : index
    %get3A_844 = vector.load %arg23[%get3A_842, %get3A_843] : memref<64x128xf32, #tpu.memory_space<vmem>>, vector<64x128xf32>
    %convert_element_type3A_845 = arith.truncf %get3A_844 : vector<64x128xf32> to vector<64x128xbf16>
    %dot_general3A_846 = arith.constant dense<0.000000e+00> : vector<1600x128xf32>
    %dot_general3A_847 = tpu.matmul %add3A_841, %convert_element_type3A_845, %dot_general3A_846 {dimension_numbers = #tpu.dot_dimension_numbers<[1], [0], [0], [1], [0, 0, 1, 1], [], []>, transpose_lhs_hint = false} : vector<1600x64xbf16>, vector<64x128xbf16>, vector<1600x128xf32> -> vector<1600x128xf32>
    %convert_element_type3A_848 = arith.truncf %dot_general3A_847 : vector<1600x128xf32> to vector<1600x128xbf16>
    %get3A_849 = arith.constant 0 : index
    %get3A_850 = arith.constant 0 : index
    %get3A_851 = vector.load %arg24[%get3A_849, %get3A_850] : memref<1x128xf32, #tpu.memory_space<vmem>>, vector<1x128xf32>
    %convert_element_type3A_852 = arith.truncf %get3A_851 : vector<1x128xf32> to vector<1x128xbf16>
    %add3A_853 = vector.broadcast %convert_element_type3A_852 : vector<1x128xbf16> to vector<1600x128xbf16>
    %add3A_854 = arith.addf %convert_element_type3A_848, %add3A_853 : vector<1600x128xbf16>
    %max3A_855 = arith.constant 0.000000e+00 : bf16
    %max3A_856 = vector.broadcast %max3A_855 : bf16 to vector<1600x128xbf16>
    %max3A_857 = arith.maximumf %add3A_854, %max3A_856 : vector<1600x128xbf16>
    %get3A_858 = arith.constant 0 : index
    %get3A_859 = arith.constant 0 : index
    %get3A_860 = vector.load %arg25[%get3A_858, %get3A_859] : memref<128x64xf32, #tpu.memory_space<vmem>>, vector<128x64xf32>
    %convert_element_type3A_861 = arith.truncf %get3A_860 : vector<128x64xf32> to vector<128x64xbf16>
    %dot_general3A_862 = arith.constant dense<0.000000e+00> : vector<1600x64xf32>
    %dot_general3A_863 = tpu.matmul %max3A_857, %convert_element_type3A_861, %dot_general3A_862 {dimension_numbers = #tpu.dot_dimension_numbers<[1], [0], [0], [1], [0, 0, 1, 1], [], []>, transpose_lhs_hint = false} : vector<1600x128xbf16>, vector<128x64xbf16>, vector<1600x64xf32> -> vector<1600x64xf32>
    %convert_element_type3A_864 = arith.truncf %dot_general3A_863 : vector<1600x64xf32> to vector<1600x64xbf16>
    %get3A_865 = arith.constant 0 : index
    %get3A_866 = arith.constant 0 : index
    %get3A_867 = vector.load %arg26[%get3A_865, %get3A_866] : memref<1x64xf32, #tpu.memory_space<vmem>>, vector<1x64xf32>
    %convert_element_type3A_868 = arith.truncf %get3A_867 : vector<1x64xf32> to vector<1x64xbf16>
    %add3A_869 = vector.broadcast %convert_element_type3A_868 : vector<1x64xbf16> to vector<1600x64xbf16>
    %add3A_870 = arith.addf %convert_element_type3A_864, %add3A_869 : vector<1600x64xbf16>
    %add3A_871 = arith.addf %add3A_841, %add3A_870 : vector<1600x64xbf16>
    %get3A_872 = arith.constant 0 : index
    %get3A_873 = arith.constant 0 : index
    %get3A_874 = vector.load %arg27[%get3A_872, %get3A_873] : memref<1x64xf32, #tpu.memory_space<vmem>>, vector<1x64xf32>
    %convert_element_type3A_875 = arith.truncf %get3A_874 : vector<1x64xf32> to vector<1x64xbf16>
    %get3A_876 = arith.constant 0 : index
    %get3A_877 = arith.constant 0 : index
    %get3A_878 = vector.load %arg28[%get3A_876, %get3A_877] : memref<1x64xf32, #tpu.memory_space<vmem>>, vector<1x64xf32>
    %convert_element_type3A_879 = arith.truncf %get3A_878 : vector<1x64xf32> to vector<1x64xbf16>
    %convert_element_type3A_880 = arith.extf %add3A_871 : vector<1600x64xbf16> to vector<1600x64xf32>
    %reduce_sum3A_881 = arith.constant dense<0.000000e+00> : vector<1600xf32>
    %reduce_sum3A_882 = vector.multi_reduction <add>, %convert_element_type3A_880, %reduce_sum3A_881 [1] : vector<1600x64xf32> to vector<1600xf32>
    %broadcast_in_dim3A_883 = vector.shape_cast %reduce_sum3A_882 : vector<1600xf32> to vector<1600x1xf32>
    %div3A_884 = arith.constant 6.400000e+01 : f32
    %div3A_885 = vector.broadcast %div3A_884 : f32 to vector<1600x1xf32>
    %div3A_886 = arith.divf %broadcast_in_dim3A_883, %div3A_885 : vector<1600x1xf32>
    %convert_element_type3A_887 = arith.truncf %div3A_886 : vector<1600x1xf32> to vector<1600x1xbf16>
    %sub3A_888 = vector.broadcast %convert_element_type3A_887 : vector<1600x1xbf16> to vector<1600x64xbf16>
    %sub3A_889 = arith.subf %add3A_871, %sub3A_888 : vector<1600x64xbf16>
    %integer_pow3A_890 = arith.mulf %sub3A_889, %sub3A_889 : vector<1600x64xbf16>
    %convert_element_type3A_891 = arith.extf %integer_pow3A_890 : vector<1600x64xbf16> to vector<1600x64xf32>
    %reduce_sum3A_892 = arith.constant dense<0.000000e+00> : vector<1600xf32>
    %reduce_sum3A_893 = vector.multi_reduction <add>, %convert_element_type3A_891, %reduce_sum3A_892 [1] : vector<1600x64xf32> to vector<1600xf32>
    %broadcast_in_dim3A_894 = vector.shape_cast %reduce_sum3A_893 : vector<1600xf32> to vector<1600x1xf32>
    %div3A_895 = arith.constant 6.400000e+01 : f32
    %div3A_896 = vector.broadcast %div3A_895 : f32 to vector<1600x1xf32>
    %div3A_897 = arith.divf %broadcast_in_dim3A_894, %div3A_896 : vector<1600x1xf32>
    %convert_element_type3A_898 = arith.truncf %div3A_897 : vector<1600x1xf32> to vector<1600x1xbf16>
    %sub3A_899 = vector.broadcast %convert_element_type3A_887 : vector<1600x1xbf16> to vector<1600x64xbf16>
    %sub3A_900 = arith.subf %add3A_871, %sub3A_899 : vector<1600x64xbf16>
    %add3A_901 = arith.constant 1.001360e-05 : bf16
    %add3A_902 = vector.broadcast %add3A_901 : bf16 to vector<1600x1xbf16>
    %add3A_903 = arith.addf %convert_element_type3A_898, %add3A_902 : vector<1600x1xbf16>
    %sqrt3A_904 = math.sqrt %add3A_903 : vector<1600x1xbf16>
    %div3A_905 = vector.broadcast %sqrt3A_904 : vector<1600x1xbf16> to vector<1600x64xbf16>
    %div3A_906 = arith.divf %sub3A_900, %div3A_905 : vector<1600x64xbf16>
    %mul3A_907 = vector.broadcast %convert_element_type3A_875 : vector<1x64xbf16> to vector<1600x64xbf16>
    %mul3A_908 = arith.mulf %div3A_906, %mul3A_907 : vector<1600x64xbf16>
    %add3A_909 = vector.broadcast %convert_element_type3A_879 : vector<1x64xbf16> to vector<1600x64xbf16>
    %add3A_910 = arith.addf %mul3A_908, %add3A_909 : vector<1600x64xbf16>
    %get3A_911 = arith.constant 0 : index
    %get3A_912 = arith.constant 0 : index
    %get3A_913 = vector.load %arg29[%get3A_911, %get3A_912] : memref<64x192xf32, #tpu.memory_space<vmem>>, vector<64x192xf32>
    %convert_element_type3A_914 = arith.truncf %get3A_913 : vector<64x192xf32> to vector<64x192xbf16>
    %dot_general3A_915 = arith.constant dense<0.000000e+00> : vector<1600x192xf32>
    %dot_general3A_916 = tpu.matmul %add3A_910, %convert_element_type3A_914, %dot_general3A_915 {dimension_numbers = #tpu.dot_dimension_numbers<[1], [0], [0], [1], [0, 0, 1, 1], [], []>, transpose_lhs_hint = false} : vector<1600x64xbf16>, vector<64x192xbf16>, vector<1600x192xf32> -> vector<1600x192xf32>
    %get3A_917 = arith.constant 0 : index
    %get3A_918 = arith.constant 0 : index
    %get3A_919 = vector.load %arg30[%get3A_917, %get3A_918] : memref<1x192xf32, #tpu.memory_space<vmem>>, vector<1x192xf32>
    %add3A_920 = vector.broadcast %get3A_919 : vector<1x192xf32> to vector<1600x192xf32>
    %add3A_921 = arith.addf %dot_general3A_916, %add3A_920 : vector<1600x192xf32>
    %convert_element_type3A_922 = arith.truncf %add3A_921 : vector<1600x192xf32> to vector<1600x192xbf16>
    %slice3A_923 = vector.extract_strided_slice %convert_element_type3A_922 {offsets = [0, 0], sizes = [50, 64], strides = [1, 1]} : vector<1600x192xbf16> to vector<50x64xbf16>
    %slice3A_924 = vector.extract_strided_slice %convert_element_type3A_922 {offsets = [0, 64], sizes = [50, 64], strides = [1, 1]} : vector<1600x192xbf16> to vector<50x64xbf16>
    %slice3A_925 = vector.extract_strided_slice %convert_element_type3A_922 {offsets = [0, 128], sizes = [50, 64], strides = [1, 1]} : vector<1600x192xbf16> to vector<50x64xbf16>
    %concatenate3A_926 = tpu.concatenate %slice3A_924, %slice3A_924, %slice3A_924, %slice3A_924 in 0 : vector<50x64xbf16>, vector<50x64xbf16>, vector<50x64xbf16>, vector<50x64xbf16> -> vector<200x64xbf16>
    %mul3A_927 = arith.mulf %concatenate3A_926, %convert_element_type3A_270 : vector<200x64xbf16>
    %concatenate3A_928 = tpu.concatenate %slice3A_925, %slice3A_925, %slice3A_925, %slice3A_925 in 0 : vector<50x64xbf16>, vector<50x64xbf16>, vector<50x64xbf16>, vector<50x64xbf16> -> vector<200x64xbf16>
    %mul3A_929 = arith.mulf %concatenate3A_928, %convert_element_type3A_270 : vector<200x64xbf16>
    %dot_general3A_930 = arith.constant dense<0.000000e+00> : vector<50x200xf32>
    %dot_general3A_931 = tpu.matmul %slice3A_923, %mul3A_927, %dot_general3A_930 {dimension_numbers = #tpu.dot_dimension_numbers<[1], [1], [0], [0], [0, 0, 1, 0], [], []>, transpose_lhs_hint = false} : vector<50x64xbf16>, vector<200x64xbf16>, vector<50x200xf32> -> vector<50x200xf32>
    %convert_element_type3A_932 = arith.truncf %dot_general3A_931 : vector<50x200xf32> to vector<50x200xbf16>
    %slice3A_933 = vector.extract_strided_slice %convert_element_type3A_922 {offsets = [50, 0], sizes = [50, 64], strides = [1, 1]} : vector<1600x192xbf16> to vector<50x64xbf16>
    %slice3A_934 = vector.extract_strided_slice %convert_element_type3A_922 {offsets = [50, 64], sizes = [50, 64], strides = [1, 1]} : vector<1600x192xbf16> to vector<50x64xbf16>
    %slice3A_935 = vector.extract_strided_slice %convert_element_type3A_922 {offsets = [50, 128], sizes = [50, 64], strides = [1, 1]} : vector<1600x192xbf16> to vector<50x64xbf16>
    %concatenate3A_936 = tpu.concatenate %slice3A_934, %slice3A_934, %slice3A_934, %slice3A_934 in 0 : vector<50x64xbf16>, vector<50x64xbf16>, vector<50x64xbf16>, vector<50x64xbf16> -> vector<200x64xbf16>
    %mul3A_937 = arith.mulf %concatenate3A_936, %convert_element_type3A_270 : vector<200x64xbf16>
    %concatenate3A_938 = tpu.concatenate %slice3A_935, %slice3A_935, %slice3A_935, %slice3A_935 in 0 : vector<50x64xbf16>, vector<50x64xbf16>, vector<50x64xbf16>, vector<50x64xbf16> -> vector<200x64xbf16>
    %mul3A_939 = arith.mulf %concatenate3A_938, %convert_element_type3A_270 : vector<200x64xbf16>
    %dot_general3A_940 = arith.constant dense<0.000000e+00> : vector<50x200xf32>
    %dot_general3A_941 = tpu.matmul %slice3A_933, %mul3A_937, %dot_general3A_940 {dimension_numbers = #tpu.dot_dimension_numbers<[1], [1], [0], [0], [0, 0, 1, 0], [], []>, transpose_lhs_hint = false} : vector<50x64xbf16>, vector<200x64xbf16>, vector<50x200xf32> -> vector<50x200xf32>
    %convert_element_type3A_942 = arith.truncf %dot_general3A_941 : vector<50x200xf32> to vector<50x200xbf16>
    %slice3A_943 = vector.extract_strided_slice %convert_element_type3A_922 {offsets = [100, 0], sizes = [50, 64], strides = [1, 1]} : vector<1600x192xbf16> to vector<50x64xbf16>
    %slice3A_944 = vector.extract_strided_slice %convert_element_type3A_922 {offsets = [100, 64], sizes = [50, 64], strides = [1, 1]} : vector<1600x192xbf16> to vector<50x64xbf16>
    %slice3A_945 = vector.extract_strided_slice %convert_element_type3A_922 {offsets = [100, 128], sizes = [50, 64], strides = [1, 1]} : vector<1600x192xbf16> to vector<50x64xbf16>
    %concatenate3A_946 = tpu.concatenate %slice3A_944, %slice3A_944, %slice3A_944, %slice3A_944 in 0 : vector<50x64xbf16>, vector<50x64xbf16>, vector<50x64xbf16>, vector<50x64xbf16> -> vector<200x64xbf16>
    %mul3A_947 = arith.mulf %concatenate3A_946, %convert_element_type3A_270 : vector<200x64xbf16>
    %concatenate3A_948 = tpu.concatenate %slice3A_945, %slice3A_945, %slice3A_945, %slice3A_945 in 0 : vector<50x64xbf16>, vector<50x64xbf16>, vector<50x64xbf16>, vector<50x64xbf16> -> vector<200x64xbf16>
    %mul3A_949 = arith.mulf %concatenate3A_948, %convert_element_type3A_270 : vector<200x64xbf16>
    %dot_general3A_950 = arith.constant dense<0.000000e+00> : vector<50x200xf32>
    %dot_general3A_951 = tpu.matmul %slice3A_943, %mul3A_947, %dot_general3A_950 {dimension_numbers = #tpu.dot_dimension_numbers<[1], [1], [0], [0], [0, 0, 1, 0], [], []>, transpose_lhs_hint = false} : vector<50x64xbf16>, vector<200x64xbf16>, vector<50x200xf32> -> vector<50x200xf32>
    %convert_element_type3A_952 = arith.truncf %dot_general3A_951 : vector<50x200xf32> to vector<50x200xbf16>
    %slice3A_953 = vector.extract_strided_slice %convert_element_type3A_922 {offsets = [150, 0], sizes = [50, 64], strides = [1, 1]} : vector<1600x192xbf16> to vector<50x64xbf16>
    %slice3A_954 = vector.extract_strided_slice %convert_element_type3A_922 {offsets = [150, 64], sizes = [50, 64], strides = [1, 1]} : vector<1600x192xbf16> to vector<50x64xbf16>
    %slice3A_955 = vector.extract_strided_slice %convert_element_type3A_922 {offsets = [150, 128], sizes = [50, 64], strides = [1, 1]} : vector<1600x192xbf16> to vector<50x64xbf16>
    %concatenate3A_956 = tpu.concatenate %slice3A_954, %slice3A_954, %slice3A_954, %slice3A_954 in 0 : vector<50x64xbf16>, vector<50x64xbf16>, vector<50x64xbf16>, vector<50x64xbf16> -> vector<200x64xbf16>
    %mul3A_957 = arith.mulf %concatenate3A_956, %convert_element_type3A_270 : vector<200x64xbf16>
    %concatenate3A_958 = tpu.concatenate %slice3A_955, %slice3A_955, %slice3A_955, %slice3A_955 in 0 : vector<50x64xbf16>, vector<50x64xbf16>, vector<50x64xbf16>, vector<50x64xbf16> -> vector<200x64xbf16>
    %mul3A_959 = arith.mulf %concatenate3A_958, %convert_element_type3A_270 : vector<200x64xbf16>
    %dot_general3A_960 = arith.constant dense<0.000000e+00> : vector<50x200xf32>
    %dot_general3A_961 = tpu.matmul %slice3A_953, %mul3A_957, %dot_general3A_960 {dimension_numbers = #tpu.dot_dimension_numbers<[1], [1], [0], [0], [0, 0, 1, 0], [], []>, transpose_lhs_hint = false} : vector<50x64xbf16>, vector<200x64xbf16>, vector<50x200xf32> -> vector<50x200xf32>
    %convert_element_type3A_962 = arith.truncf %dot_general3A_961 : vector<50x200xf32> to vector<50x200xbf16>
    %slice3A_963 = vector.extract_strided_slice %convert_element_type3A_922 {offsets = [200, 0], sizes = [50, 64], strides = [1, 1]} : vector<1600x192xbf16> to vector<50x64xbf16>
    %slice3A_964 = vector.extract_strided_slice %convert_element_type3A_922 {offsets = [200, 64], sizes = [50, 64], strides = [1, 1]} : vector<1600x192xbf16> to vector<50x64xbf16>
    %slice3A_965 = vector.extract_strided_slice %convert_element_type3A_922 {offsets = [200, 128], sizes = [50, 64], strides = [1, 1]} : vector<1600x192xbf16> to vector<50x64xbf16>
    %concatenate3A_966 = tpu.concatenate %slice3A_964, %slice3A_964, %slice3A_964, %slice3A_964 in 0 : vector<50x64xbf16>, vector<50x64xbf16>, vector<50x64xbf16>, vector<50x64xbf16> -> vector<200x64xbf16>
    %mul3A_967 = arith.mulf %concatenate3A_966, %convert_element_type3A_270 : vector<200x64xbf16>
    %concatenate3A_968 = tpu.concatenate %slice3A_965, %slice3A_965, %slice3A_965, %slice3A_965 in 0 : vector<50x64xbf16>, vector<50x64xbf16>, vector<50x64xbf16>, vector<50x64xbf16> -> vector<200x64xbf16>
    %mul3A_969 = arith.mulf %concatenate3A_968, %convert_element_type3A_270 : vector<200x64xbf16>
    %dot_general3A_970 = arith.constant dense<0.000000e+00> : vector<50x200xf32>
    %dot_general3A_971 = tpu.matmul %slice3A_963, %mul3A_967, %dot_general3A_970 {dimension_numbers = #tpu.dot_dimension_numbers<[1], [1], [0], [0], [0, 0, 1, 0], [], []>, transpose_lhs_hint = false} : vector<50x64xbf16>, vector<200x64xbf16>, vector<50x200xf32> -> vector<50x200xf32>
    %convert_element_type3A_972 = arith.truncf %dot_general3A_971 : vector<50x200xf32> to vector<50x200xbf16>
    %slice3A_973 = vector.extract_strided_slice %convert_element_type3A_922 {offsets = [250, 0], sizes = [50, 64], strides = [1, 1]} : vector<1600x192xbf16> to vector<50x64xbf16>
    %slice3A_974 = vector.extract_strided_slice %convert_element_type3A_922 {offsets = [250, 64], sizes = [50, 64], strides = [1, 1]} : vector<1600x192xbf16> to vector<50x64xbf16>
    %slice3A_975 = vector.extract_strided_slice %convert_element_type3A_922 {offsets = [250, 128], sizes = [50, 64], strides = [1, 1]} : vector<1600x192xbf16> to vector<50x64xbf16>
    %concatenate3A_976 = tpu.concatenate %slice3A_974, %slice3A_974, %slice3A_974, %slice3A_974 in 0 : vector<50x64xbf16>, vector<50x64xbf16>, vector<50x64xbf16>, vector<50x64xbf16> -> vector<200x64xbf16>
    %mul3A_977 = arith.mulf %concatenate3A_976, %convert_element_type3A_270 : vector<200x64xbf16>
    %concatenate3A_978 = tpu.concatenate %slice3A_975, %slice3A_975, %slice3A_975, %slice3A_975 in 0 : vector<50x64xbf16>, vector<50x64xbf16>, vector<50x64xbf16>, vector<50x64xbf16> -> vector<200x64xbf16>
    %mul3A_979 = arith.mulf %concatenate3A_978, %convert_element_type3A_270 : vector<200x64xbf16>
    %dot_general3A_980 = arith.constant dense<0.000000e+00> : vector<50x200xf32>
    %dot_general3A_981 = tpu.matmul %slice3A_973, %mul3A_977, %dot_general3A_980 {dimension_numbers = #tpu.dot_dimension_numbers<[1], [1], [0], [0], [0, 0, 1, 0], [], []>, transpose_lhs_hint = false} : vector<50x64xbf16>, vector<200x64xbf16>, vector<50x200xf32> -> vector<50x200xf32>
    %convert_element_type3A_982 = arith.truncf %dot_general3A_981 : vector<50x200xf32> to vector<50x200xbf16>
    %slice3A_983 = vector.extract_strided_slice %convert_element_type3A_922 {offsets = [300, 0], sizes = [50, 64], strides = [1, 1]} : vector<1600x192xbf16> to vector<50x64xbf16>
    %slice3A_984 = vector.extract_strided_slice %convert_element_type3A_922 {offsets = [300, 64], sizes = [50, 64], strides = [1, 1]} : vector<1600x192xbf16> to vector<50x64xbf16>
    %slice3A_985 = vector.extract_strided_slice %convert_element_type3A_922 {offsets = [300, 128], sizes = [50, 64], strides = [1, 1]} : vector<1600x192xbf16> to vector<50x64xbf16>
    %concatenate3A_986 = tpu.concatenate %slice3A_984, %slice3A_984, %slice3A_984, %slice3A_984 in 0 : vector<50x64xbf16>, vector<50x64xbf16>, vector<50x64xbf16>, vector<50x64xbf16> -> vector<200x64xbf16>
    %mul3A_987 = arith.mulf %concatenate3A_986, %convert_element_type3A_270 : vector<200x64xbf16>
    %concatenate3A_988 = tpu.concatenate %slice3A_985, %slice3A_985, %slice3A_985, %slice3A_985 in 0 : vector<50x64xbf16>, vector<50x64xbf16>, vector<50x64xbf16>, vector<50x64xbf16> -> vector<200x64xbf16>
    %mul3A_989 = arith.mulf %concatenate3A_988, %convert_element_type3A_270 : vector<200x64xbf16>
    %dot_general3A_990 = arith.constant dense<0.000000e+00> : vector<50x200xf32>
    %dot_general3A_991 = tpu.matmul %slice3A_983, %mul3A_987, %dot_general3A_990 {dimension_numbers = #tpu.dot_dimension_numbers<[1], [1], [0], [0], [0, 0, 1, 0], [], []>, transpose_lhs_hint = false} : vector<50x64xbf16>, vector<200x64xbf16>, vector<50x200xf32> -> vector<50x200xf32>
    %convert_element_type3A_992 = arith.truncf %dot_general3A_991 : vector<50x200xf32> to vector<50x200xbf16>
    %slice3A_993 = vector.extract_strided_slice %convert_element_type3A_922 {offsets = [350, 0], sizes = [50, 64], strides = [1, 1]} : vector<1600x192xbf16> to vector<50x64xbf16>
    %slice3A_994 = vector.extract_strided_slice %convert_element_type3A_922 {offsets = [350, 64], sizes = [50, 64], strides = [1, 1]} : vector<1600x192xbf16> to vector<50x64xbf16>
    %slice3A_995 = vector.extract_strided_slice %convert_element_type3A_922 {offsets = [350, 128], sizes = [50, 64], strides = [1, 1]} : vector<1600x192xbf16> to vector<50x64xbf16>
    %concatenate3A_996 = tpu.concatenate %slice3A_994, %slice3A_994, %slice3A_994, %slice3A_994 in 0 : vector<50x64xbf16>, vector<50x64xbf16>, vector<50x64xbf16>, vector<50x64xbf16> -> vector<200x64xbf16>
    %mul3A_997 = arith.mulf %concatenate3A_996, %convert_element_type3A_270 : vector<200x64xbf16>
    %concatenate3A_998 = tpu.concatenate %slice3A_995, %slice3A_995, %slice3A_995, %slice3A_995 in 0 : vector<50x64xbf16>, vector<50x64xbf16>, vector<50x64xbf16>, vector<50x64xbf16> -> vector<200x64xbf16>
    %mul3A_999 = arith.mulf %concatenate3A_998, %convert_element_type3A_270 : vector<200x64xbf16>
    %dot_general3A_1000 = arith.constant dense<0.000000e+00> : vector<50x200xf32>
    %dot_general3A_1001 = tpu.matmul %slice3A_993, %mul3A_997, %dot_general3A_1000 {dimension_numbers = #tpu.dot_dimension_numbers<[1], [1], [0], [0], [0, 0, 1, 0], [], []>, transpose_lhs_hint = false} : vector<50x64xbf16>, vector<200x64xbf16>, vector<50x200xf32> -> vector<50x200xf32>
    %convert_element_type3A_1002 = arith.truncf %dot_general3A_1001 : vector<50x200xf32> to vector<50x200xbf16>
    %slice3A_1003 = vector.extract_strided_slice %convert_element_type3A_922 {offsets = [400, 0], sizes = [50, 64], strides = [1, 1]} : vector<1600x192xbf16> to vector<50x64xbf16>
    %slice3A_1004 = vector.extract_strided_slice %convert_element_type3A_922 {offsets = [400, 64], sizes = [50, 64], strides = [1, 1]} : vector<1600x192xbf16> to vector<50x64xbf16>
    %slice3A_1005 = vector.extract_strided_slice %convert_element_type3A_922 {offsets = [400, 128], sizes = [50, 64], strides = [1, 1]} : vector<1600x192xbf16> to vector<50x64xbf16>
    %concatenate3A_1006 = tpu.concatenate %slice3A_1004, %slice3A_1004, %slice3A_1004, %slice3A_1004 in 0 : vector<50x64xbf16>, vector<50x64xbf16>, vector<50x64xbf16>, vector<50x64xbf16> -> vector<200x64xbf16>
    %mul3A_1007 = arith.mulf %concatenate3A_1006, %convert_element_type3A_270 : vector<200x64xbf16>
    %concatenate3A_1008 = tpu.concatenate %slice3A_1005, %slice3A_1005, %slice3A_1005, %slice3A_1005 in 0 : vector<50x64xbf16>, vector<50x64xbf16>, vector<50x64xbf16>, vector<50x64xbf16> -> vector<200x64xbf16>
    %mul3A_1009 = arith.mulf %concatenate3A_1008, %convert_element_type3A_270 : vector<200x64xbf16>
    %dot_general3A_1010 = arith.constant dense<0.000000e+00> : vector<50x200xf32>
    %dot_general3A_1011 = tpu.matmul %slice3A_1003, %mul3A_1007, %dot_general3A_1010 {dimension_numbers = #tpu.dot_dimension_numbers<[1], [1], [0], [0], [0, 0, 1, 0], [], []>, transpose_lhs_hint = false} : vector<50x64xbf16>, vector<200x64xbf16>, vector<50x200xf32> -> vector<50x200xf32>
    %convert_element_type3A_1012 = arith.truncf %dot_general3A_1011 : vector<50x200xf32> to vector<50x200xbf16>
    %slice3A_1013 = vector.extract_strided_slice %convert_element_type3A_922 {offsets = [450, 0], sizes = [50, 64], strides = [1, 1]} : vector<1600x192xbf16> to vector<50x64xbf16>
    %slice3A_1014 = vector.extract_strided_slice %convert_element_type3A_922 {offsets = [450, 64], sizes = [50, 64], strides = [1, 1]} : vector<1600x192xbf16> to vector<50x64xbf16>
    %slice3A_1015 = vector.extract_strided_slice %convert_element_type3A_922 {offsets = [450, 128], sizes = [50, 64], strides = [1, 1]} : vector<1600x192xbf16> to vector<50x64xbf16>
    %concatenate3A_1016 = tpu.concatenate %slice3A_1014, %slice3A_1014, %slice3A_1014, %slice3A_1014 in 0 : vector<50x64xbf16>, vector<50x64xbf16>, vector<50x64xbf16>, vector<50x64xbf16> -> vector<200x64xbf16>
    %mul3A_1017 = arith.mulf %concatenate3A_1016, %convert_element_type3A_270 : vector<200x64xbf16>
    %concatenate3A_1018 = tpu.concatenate %slice3A_1015, %slice3A_1015, %slice3A_1015, %slice3A_1015 in 0 : vector<50x64xbf16>, vector<50x64xbf16>, vector<50x64xbf16>, vector<50x64xbf16> -> vector<200x64xbf16>
    %mul3A_1019 = arith.mulf %concatenate3A_1018, %convert_element_type3A_270 : vector<200x64xbf16>
    %dot_general3A_1020 = arith.constant dense<0.000000e+00> : vector<50x200xf32>
    %dot_general3A_1021 = tpu.matmul %slice3A_1013, %mul3A_1017, %dot_general3A_1020 {dimension_numbers = #tpu.dot_dimension_numbers<[1], [1], [0], [0], [0, 0, 1, 0], [], []>, transpose_lhs_hint = false} : vector<50x64xbf16>, vector<200x64xbf16>, vector<50x200xf32> -> vector<50x200xf32>
    %convert_element_type3A_1022 = arith.truncf %dot_general3A_1021 : vector<50x200xf32> to vector<50x200xbf16>
    %slice3A_1023 = vector.extract_strided_slice %convert_element_type3A_922 {offsets = [500, 0], sizes = [50, 64], strides = [1, 1]} : vector<1600x192xbf16> to vector<50x64xbf16>
    %slice3A_1024 = vector.extract_strided_slice %convert_element_type3A_922 {offsets = [500, 64], sizes = [50, 64], strides = [1, 1]} : vector<1600x192xbf16> to vector<50x64xbf16>
    %slice3A_1025 = vector.extract_strided_slice %convert_element_type3A_922 {offsets = [500, 128], sizes = [50, 64], strides = [1, 1]} : vector<1600x192xbf16> to vector<50x64xbf16>
    %concatenate3A_1026 = tpu.concatenate %slice3A_1024, %slice3A_1024, %slice3A_1024, %slice3A_1024 in 0 : vector<50x64xbf16>, vector<50x64xbf16>, vector<50x64xbf16>, vector<50x64xbf16> -> vector<200x64xbf16>
    %mul3A_1027 = arith.mulf %concatenate3A_1026, %convert_element_type3A_270 : vector<200x64xbf16>
    %concatenate3A_1028 = tpu.concatenate %slice3A_1025, %slice3A_1025, %slice3A_1025, %slice3A_1025 in 0 : vector<50x64xbf16>, vector<50x64xbf16>, vector<50x64xbf16>, vector<50x64xbf16> -> vector<200x64xbf16>
    %mul3A_1029 = arith.mulf %concatenate3A_1028, %convert_element_type3A_270 : vector<200x64xbf16>
    %dot_general3A_1030 = arith.constant dense<0.000000e+00> : vector<50x200xf32>
    %dot_general3A_1031 = tpu.matmul %slice3A_1023, %mul3A_1027, %dot_general3A_1030 {dimension_numbers = #tpu.dot_dimension_numbers<[1], [1], [0], [0], [0, 0, 1, 0], [], []>, transpose_lhs_hint = false} : vector<50x64xbf16>, vector<200x64xbf16>, vector<50x200xf32> -> vector<50x200xf32>
    %convert_element_type3A_1032 = arith.truncf %dot_general3A_1031 : vector<50x200xf32> to vector<50x200xbf16>
    %slice3A_1033 = vector.extract_strided_slice %convert_element_type3A_922 {offsets = [550, 0], sizes = [50, 64], strides = [1, 1]} : vector<1600x192xbf16> to vector<50x64xbf16>
    %slice3A_1034 = vector.extract_strided_slice %convert_element_type3A_922 {offsets = [550, 64], sizes = [50, 64], strides = [1, 1]} : vector<1600x192xbf16> to vector<50x64xbf16>
    %slice3A_1035 = vector.extract_strided_slice %convert_element_type3A_922 {offsets = [550, 128], sizes = [50, 64], strides = [1, 1]} : vector<1600x192xbf16> to vector<50x64xbf16>
    %concatenate3A_1036 = tpu.concatenate %slice3A_1034, %slice3A_1034, %slice3A_1034, %slice3A_1034 in 0 : vector<50x64xbf16>, vector<50x64xbf16>, vector<50x64xbf16>, vector<50x64xbf16> -> vector<200x64xbf16>
    %mul3A_1037 = arith.mulf %concatenate3A_1036, %convert_element_type3A_270 : vector<200x64xbf16>
    %concatenate3A_1038 = tpu.concatenate %slice3A_1035, %slice3A_1035, %slice3A_1035, %slice3A_1035 in 0 : vector<50x64xbf16>, vector<50x64xbf16>, vector<50x64xbf16>, vector<50x64xbf16> -> vector<200x64xbf16>
    %mul3A_1039 = arith.mulf %concatenate3A_1038, %convert_element_type3A_270 : vector<200x64xbf16>
    %dot_general3A_1040 = arith.constant dense<0.000000e+00> : vector<50x200xf32>
    %dot_general3A_1041 = tpu.matmul %slice3A_1033, %mul3A_1037, %dot_general3A_1040 {dimension_numbers = #tpu.dot_dimension_numbers<[1], [1], [0], [0], [0, 0, 1, 0], [], []>, transpose_lhs_hint = false} : vector<50x64xbf16>, vector<200x64xbf16>, vector<50x200xf32> -> vector<50x200xf32>
    %convert_element_type3A_1042 = arith.truncf %dot_general3A_1041 : vector<50x200xf32> to vector<50x200xbf16>
    %slice3A_1043 = vector.extract_strided_slice %convert_element_type3A_922 {offsets = [600, 0], sizes = [50, 64], strides = [1, 1]} : vector<1600x192xbf16> to vector<50x64xbf16>
    %slice3A_1044 = vector.extract_strided_slice %convert_element_type3A_922 {offsets = [600, 64], sizes = [50, 64], strides = [1, 1]} : vector<1600x192xbf16> to vector<50x64xbf16>
    %slice3A_1045 = vector.extract_strided_slice %convert_element_type3A_922 {offsets = [600, 128], sizes = [50, 64], strides = [1, 1]} : vector<1600x192xbf16> to vector<50x64xbf16>
    %concatenate3A_1046 = tpu.concatenate %slice3A_1044, %slice3A_1044, %slice3A_1044, %slice3A_1044 in 0 : vector<50x64xbf16>, vector<50x64xbf16>, vector<50x64xbf16>, vector<50x64xbf16> -> vector<200x64xbf16>
    %mul3A_1047 = arith.mulf %concatenate3A_1046, %convert_element_type3A_270 : vector<200x64xbf16>
    %concatenate3A_1048 = tpu.concatenate %slice3A_1045, %slice3A_1045, %slice3A_1045, %slice3A_1045 in 0 : vector<50x64xbf16>, vector<50x64xbf16>, vector<50x64xbf16>, vector<50x64xbf16> -> vector<200x64xbf16>
    %mul3A_1049 = arith.mulf %concatenate3A_1048, %convert_element_type3A_270 : vector<200x64xbf16>
    %dot_general3A_1050 = arith.constant dense<0.000000e+00> : vector<50x200xf32>
    %dot_general3A_1051 = tpu.matmul %slice3A_1043, %mul3A_1047, %dot_general3A_1050 {dimension_numbers = #tpu.dot_dimension_numbers<[1], [1], [0], [0], [0, 0, 1, 0], [], []>, transpose_lhs_hint = false} : vector<50x64xbf16>, vector<200x64xbf16>, vector<50x200xf32> -> vector<50x200xf32>
    %convert_element_type3A_1052 = arith.truncf %dot_general3A_1051 : vector<50x200xf32> to vector<50x200xbf16>
    %slice3A_1053 = vector.extract_strided_slice %convert_element_type3A_922 {offsets = [650, 0], sizes = [50, 64], strides = [1, 1]} : vector<1600x192xbf16> to vector<50x64xbf16>
    %slice3A_1054 = vector.extract_strided_slice %convert_element_type3A_922 {offsets = [650, 64], sizes = [50, 64], strides = [1, 1]} : vector<1600x192xbf16> to vector<50x64xbf16>
    %slice3A_1055 = vector.extract_strided_slice %convert_element_type3A_922 {offsets = [650, 128], sizes = [50, 64], strides = [1, 1]} : vector<1600x192xbf16> to vector<50x64xbf16>
    %concatenate3A_1056 = tpu.concatenate %slice3A_1054, %slice3A_1054, %slice3A_1054, %slice3A_1054 in 0 : vector<50x64xbf16>, vector<50x64xbf16>, vector<50x64xbf16>, vector<50x64xbf16> -> vector<200x64xbf16>
    %mul3A_1057 = arith.mulf %concatenate3A_1056, %convert_element_type3A_270 : vector<200x64xbf16>
    %concatenate3A_1058 = tpu.concatenate %slice3A_1055, %slice3A_1055, %slice3A_1055, %slice3A_1055 in 0 : vector<50x64xbf16>, vector<50x64xbf16>, vector<50x64xbf16>, vector<50x64xbf16> -> vector<200x64xbf16>
    %mul3A_1059 = arith.mulf %concatenate3A_1058, %convert_element_type3A_270 : vector<200x64xbf16>
    %dot_general3A_1060 = arith.constant dense<0.000000e+00> : vector<50x200xf32>
    %dot_general3A_1061 = tpu.matmul %slice3A_1053, %mul3A_1057, %dot_general3A_1060 {dimension_numbers = #tpu.dot_dimension_numbers<[1], [1], [0], [0], [0, 0, 1, 0], [], []>, transpose_lhs_hint = false} : vector<50x64xbf16>, vector<200x64xbf16>, vector<50x200xf32> -> vector<50x200xf32>
    %convert_element_type3A_1062 = arith.truncf %dot_general3A_1061 : vector<50x200xf32> to vector<50x200xbf16>
    %slice3A_1063 = vector.extract_strided_slice %convert_element_type3A_922 {offsets = [700, 0], sizes = [50, 64], strides = [1, 1]} : vector<1600x192xbf16> to vector<50x64xbf16>
    %slice3A_1064 = vector.extract_strided_slice %convert_element_type3A_922 {offsets = [700, 64], sizes = [50, 64], strides = [1, 1]} : vector<1600x192xbf16> to vector<50x64xbf16>
    %slice3A_1065 = vector.extract_strided_slice %convert_element_type3A_922 {offsets = [700, 128], sizes = [50, 64], strides = [1, 1]} : vector<1600x192xbf16> to vector<50x64xbf16>
    %concatenate3A_1066 = tpu.concatenate %slice3A_1064, %slice3A_1064, %slice3A_1064, %slice3A_1064 in 0 : vector<50x64xbf16>, vector<50x64xbf16>, vector<50x64xbf16>, vector<50x64xbf16> -> vector<200x64xbf16>
    %mul3A_1067 = arith.mulf %concatenate3A_1066, %convert_element_type3A_270 : vector<200x64xbf16>
    %concatenate3A_1068 = tpu.concatenate %slice3A_1065, %slice3A_1065, %slice3A_1065, %slice3A_1065 in 0 : vector<50x64xbf16>, vector<50x64xbf16>, vector<50x64xbf16>, vector<50x64xbf16> -> vector<200x64xbf16>
    %mul3A_1069 = arith.mulf %concatenate3A_1068, %convert_element_type3A_270 : vector<200x64xbf16>
    %dot_general3A_1070 = arith.constant dense<0.000000e+00> : vector<50x200xf32>
    %dot_general3A_1071 = tpu.matmul %slice3A_1063, %mul3A_1067, %dot_general3A_1070 {dimension_numbers = #tpu.dot_dimension_numbers<[1], [1], [0], [0], [0, 0, 1, 0], [], []>, transpose_lhs_hint = false} : vector<50x64xbf16>, vector<200x64xbf16>, vector<50x200xf32> -> vector<50x200xf32>
    %convert_element_type3A_1072 = arith.truncf %dot_general3A_1071 : vector<50x200xf32> to vector<50x200xbf16>
    %slice3A_1073 = vector.extract_strided_slice %convert_element_type3A_922 {offsets = [750, 0], sizes = [50, 64], strides = [1, 1]} : vector<1600x192xbf16> to vector<50x64xbf16>
    %slice3A_1074 = vector.extract_strided_slice %convert_element_type3A_922 {offsets = [750, 64], sizes = [50, 64], strides = [1, 1]} : vector<1600x192xbf16> to vector<50x64xbf16>
    %slice3A_1075 = vector.extract_strided_slice %convert_element_type3A_922 {offsets = [750, 128], sizes = [50, 64], strides = [1, 1]} : vector<1600x192xbf16> to vector<50x64xbf16>
    %concatenate3A_1076 = tpu.concatenate %slice3A_1074, %slice3A_1074, %slice3A_1074, %slice3A_1074 in 0 : vector<50x64xbf16>, vector<50x64xbf16>, vector<50x64xbf16>, vector<50x64xbf16> -> vector<200x64xbf16>
    %mul3A_1077 = arith.mulf %concatenate3A_1076, %convert_element_type3A_270 : vector<200x64xbf16>
    %concatenate3A_1078 = tpu.concatenate %slice3A_1075, %slice3A_1075, %slice3A_1075, %slice3A_1075 in 0 : vector<50x64xbf16>, vector<50x64xbf16>, vector<50x64xbf16>, vector<50x64xbf16> -> vector<200x64xbf16>
    %mul3A_1079 = arith.mulf %concatenate3A_1078, %convert_element_type3A_270 : vector<200x64xbf16>
    %dot_general3A_1080 = arith.constant dense<0.000000e+00> : vector<50x200xf32>
    %dot_general3A_1081 = tpu.matmul %slice3A_1073, %mul3A_1077, %dot_general3A_1080 {dimension_numbers = #tpu.dot_dimension_numbers<[1], [1], [0], [0], [0, 0, 1, 0], [], []>, transpose_lhs_hint = false} : vector<50x64xbf16>, vector<200x64xbf16>, vector<50x200xf32> -> vector<50x200xf32>
    %convert_element_type3A_1082 = arith.truncf %dot_general3A_1081 : vector<50x200xf32> to vector<50x200xbf16>
    %slice3A_1083 = vector.extract_strided_slice %convert_element_type3A_922 {offsets = [800, 0], sizes = [50, 64], strides = [1, 1]} : vector<1600x192xbf16> to vector<50x64xbf16>
    %slice3A_1084 = vector.extract_strided_slice %convert_element_type3A_922 {offsets = [800, 64], sizes = [50, 64], strides = [1, 1]} : vector<1600x192xbf16> to vector<50x64xbf16>
    %slice3A_1085 = vector.extract_strided_slice %convert_element_type3A_922 {offsets = [800, 128], sizes = [50, 64], strides = [1, 1]} : vector<1600x192xbf16> to vector<50x64xbf16>
    %concatenate3A_1086 = tpu.concatenate %slice3A_1084, %slice3A_1084, %slice3A_1084, %slice3A_1084 in 0 : vector<50x64xbf16>, vector<50x64xbf16>, vector<50x64xbf16>, vector<50x64xbf16> -> vector<200x64xbf16>
    %mul3A_1087 = arith.mulf %concatenate3A_1086, %convert_element_type3A_270 : vector<200x64xbf16>
    %concatenate3A_1088 = tpu.concatenate %slice3A_1085, %slice3A_1085, %slice3A_1085, %slice3A_1085 in 0 : vector<50x64xbf16>, vector<50x64xbf16>, vector<50x64xbf16>, vector<50x64xbf16> -> vector<200x64xbf16>
    %mul3A_1089 = arith.mulf %concatenate3A_1088, %convert_element_type3A_270 : vector<200x64xbf16>
    %dot_general3A_1090 = arith.constant dense<0.000000e+00> : vector<50x200xf32>
    %dot_general3A_1091 = tpu.matmul %slice3A_1083, %mul3A_1087, %dot_general3A_1090 {dimension_numbers = #tpu.dot_dimension_numbers<[1], [1], [0], [0], [0, 0, 1, 0], [], []>, transpose_lhs_hint = false} : vector<50x64xbf16>, vector<200x64xbf16>, vector<50x200xf32> -> vector<50x200xf32>
    %convert_element_type3A_1092 = arith.truncf %dot_general3A_1091 : vector<50x200xf32> to vector<50x200xbf16>
    %slice3A_1093 = vector.extract_strided_slice %convert_element_type3A_922 {offsets = [850, 0], sizes = [50, 64], strides = [1, 1]} : vector<1600x192xbf16> to vector<50x64xbf16>
    %slice3A_1094 = vector.extract_strided_slice %convert_element_type3A_922 {offsets = [850, 64], sizes = [50, 64], strides = [1, 1]} : vector<1600x192xbf16> to vector<50x64xbf16>
    %slice3A_1095 = vector.extract_strided_slice %convert_element_type3A_922 {offsets = [850, 128], sizes = [50, 64], strides = [1, 1]} : vector<1600x192xbf16> to vector<50x64xbf16>
    %concatenate3A_1096 = tpu.concatenate %slice3A_1094, %slice3A_1094, %slice3A_1094, %slice3A_1094 in 0 : vector<50x64xbf16>, vector<50x64xbf16>, vector<50x64xbf16>, vector<50x64xbf16> -> vector<200x64xbf16>
    %mul3A_1097 = arith.mulf %concatenate3A_1096, %convert_element_type3A_270 : vector<200x64xbf16>
    %concatenate3A_1098 = tpu.concatenate %slice3A_1095, %slice3A_1095, %slice3A_1095, %slice3A_1095 in 0 : vector<50x64xbf16>, vector<50x64xbf16>, vector<50x64xbf16>, vector<50x64xbf16> -> vector<200x64xbf16>
    %mul3A_1099 = arith.mulf %concatenate3A_1098, %convert_element_type3A_270 : vector<200x64xbf16>
    %dot_general3A_1100 = arith.constant dense<0.000000e+00> : vector<50x200xf32>
    %dot_general3A_1101 = tpu.matmul %slice3A_1093, %mul3A_1097, %dot_general3A_1100 {dimension_numbers = #tpu.dot_dimension_numbers<[1], [1], [0], [0], [0, 0, 1, 0], [], []>, transpose_lhs_hint = false} : vector<50x64xbf16>, vector<200x64xbf16>, vector<50x200xf32> -> vector<50x200xf32>
    %convert_element_type3A_1102 = arith.truncf %dot_general3A_1101 : vector<50x200xf32> to vector<50x200xbf16>
    %slice3A_1103 = vector.extract_strided_slice %convert_element_type3A_922 {offsets = [900, 0], sizes = [50, 64], strides = [1, 1]} : vector<1600x192xbf16> to vector<50x64xbf16>
    %slice3A_1104 = vector.extract_strided_slice %convert_element_type3A_922 {offsets = [900, 64], sizes = [50, 64], strides = [1, 1]} : vector<1600x192xbf16> to vector<50x64xbf16>
    %slice3A_1105 = vector.extract_strided_slice %convert_element_type3A_922 {offsets = [900, 128], sizes = [50, 64], strides = [1, 1]} : vector<1600x192xbf16> to vector<50x64xbf16>
    %concatenate3A_1106 = tpu.concatenate %slice3A_1104, %slice3A_1104, %slice3A_1104, %slice3A_1104 in 0 : vector<50x64xbf16>, vector<50x64xbf16>, vector<50x64xbf16>, vector<50x64xbf16> -> vector<200x64xbf16>
    %mul3A_1107 = arith.mulf %concatenate3A_1106, %convert_element_type3A_270 : vector<200x64xbf16>
    %concatenate3A_1108 = tpu.concatenate %slice3A_1105, %slice3A_1105, %slice3A_1105, %slice3A_1105 in 0 : vector<50x64xbf16>, vector<50x64xbf16>, vector<50x64xbf16>, vector<50x64xbf16> -> vector<200x64xbf16>
    %mul3A_1109 = arith.mulf %concatenate3A_1108, %convert_element_type3A_270 : vector<200x64xbf16>
    %dot_general3A_1110 = arith.constant dense<0.000000e+00> : vector<50x200xf32>
    %dot_general3A_1111 = tpu.matmul %slice3A_1103, %mul3A_1107, %dot_general3A_1110 {dimension_numbers = #tpu.dot_dimension_numbers<[1], [1], [0], [0], [0, 0, 1, 0], [], []>, transpose_lhs_hint = false} : vector<50x64xbf16>, vector<200x64xbf16>, vector<50x200xf32> -> vector<50x200xf32>
    %convert_element_type3A_1112 = arith.truncf %dot_general3A_1111 : vector<50x200xf32> to vector<50x200xbf16>
    %slice3A_1113 = vector.extract_strided_slice %convert_element_type3A_922 {offsets = [950, 0], sizes = [50, 64], strides = [1, 1]} : vector<1600x192xbf16> to vector<50x64xbf16>
    %slice3A_1114 = vector.extract_strided_slice %convert_element_type3A_922 {offsets = [950, 64], sizes = [50, 64], strides = [1, 1]} : vector<1600x192xbf16> to vector<50x64xbf16>
    %slice3A_1115 = vector.extract_strided_slice %convert_element_type3A_922 {offsets = [950, 128], sizes = [50, 64], strides = [1, 1]} : vector<1600x192xbf16> to vector<50x64xbf16>
    %concatenate3A_1116 = tpu.concatenate %slice3A_1114, %slice3A_1114, %slice3A_1114, %slice3A_1114 in 0 : vector<50x64xbf16>, vector<50x64xbf16>, vector<50x64xbf16>, vector<50x64xbf16> -> vector<200x64xbf16>
    %mul3A_1117 = arith.mulf %concatenate3A_1116, %convert_element_type3A_270 : vector<200x64xbf16>
    %concatenate3A_1118 = tpu.concatenate %slice3A_1115, %slice3A_1115, %slice3A_1115, %slice3A_1115 in 0 : vector<50x64xbf16>, vector<50x64xbf16>, vector<50x64xbf16>, vector<50x64xbf16> -> vector<200x64xbf16>
    %mul3A_1119 = arith.mulf %concatenate3A_1118, %convert_element_type3A_270 : vector<200x64xbf16>
    %dot_general3A_1120 = arith.constant dense<0.000000e+00> : vector<50x200xf32>
    %dot_general3A_1121 = tpu.matmul %slice3A_1113, %mul3A_1117, %dot_general3A_1120 {dimension_numbers = #tpu.dot_dimension_numbers<[1], [1], [0], [0], [0, 0, 1, 0], [], []>, transpose_lhs_hint = false} : vector<50x64xbf16>, vector<200x64xbf16>, vector<50x200xf32> -> vector<50x200xf32>
    %convert_element_type3A_1122 = arith.truncf %dot_general3A_1121 : vector<50x200xf32> to vector<50x200xbf16>
    %slice3A_1123 = vector.extract_strided_slice %convert_element_type3A_922 {offsets = [1000, 0], sizes = [50, 64], strides = [1, 1]} : vector<1600x192xbf16> to vector<50x64xbf16>
    %slice3A_1124 = vector.extract_strided_slice %convert_element_type3A_922 {offsets = [1000, 64], sizes = [50, 64], strides = [1, 1]} : vector<1600x192xbf16> to vector<50x64xbf16>
    %slice3A_1125 = vector.extract_strided_slice %convert_element_type3A_922 {offsets = [1000, 128], sizes = [50, 64], strides = [1, 1]} : vector<1600x192xbf16> to vector<50x64xbf16>
    %concatenate3A_1126 = tpu.concatenate %slice3A_1124, %slice3A_1124, %slice3A_1124, %slice3A_1124 in 0 : vector<50x64xbf16>, vector<50x64xbf16>, vector<50x64xbf16>, vector<50x64xbf16> -> vector<200x64xbf16>
    %mul3A_1127 = arith.mulf %concatenate3A_1126, %convert_element_type3A_270 : vector<200x64xbf16>
    %concatenate3A_1128 = tpu.concatenate %slice3A_1125, %slice3A_1125, %slice3A_1125, %slice3A_1125 in 0 : vector<50x64xbf16>, vector<50x64xbf16>, vector<50x64xbf16>, vector<50x64xbf16> -> vector<200x64xbf16>
    %mul3A_1129 = arith.mulf %concatenate3A_1128, %convert_element_type3A_270 : vector<200x64xbf16>
    %dot_general3A_1130 = arith.constant dense<0.000000e+00> : vector<50x200xf32>
    %dot_general3A_1131 = tpu.matmul %slice3A_1123, %mul3A_1127, %dot_general3A_1130 {dimension_numbers = #tpu.dot_dimension_numbers<[1], [1], [0], [0], [0, 0, 1, 0], [], []>, transpose_lhs_hint = false} : vector<50x64xbf16>, vector<200x64xbf16>, vector<50x200xf32> -> vector<50x200xf32>
    %convert_element_type3A_1132 = arith.truncf %dot_general3A_1131 : vector<50x200xf32> to vector<50x200xbf16>
    %slice3A_1133 = vector.extract_strided_slice %convert_element_type3A_922 {offsets = [1050, 0], sizes = [50, 64], strides = [1, 1]} : vector<1600x192xbf16> to vector<50x64xbf16>
    %slice3A_1134 = vector.extract_strided_slice %convert_element_type3A_922 {offsets = [1050, 64], sizes = [50, 64], strides = [1, 1]} : vector<1600x192xbf16> to vector<50x64xbf16>
    %slice3A_1135 = vector.extract_strided_slice %convert_element_type3A_922 {offsets = [1050, 128], sizes = [50, 64], strides = [1, 1]} : vector<1600x192xbf16> to vector<50x64xbf16>
    %concatenate3A_1136 = tpu.concatenate %slice3A_1134, %slice3A_1134, %slice3A_1134, %slice3A_1134 in 0 : vector<50x64xbf16>, vector<50x64xbf16>, vector<50x64xbf16>, vector<50x64xbf16> -> vector<200x64xbf16>
    %mul3A_1137 = arith.mulf %concatenate3A_1136, %convert_element_type3A_270 : vector<200x64xbf16>
    %concatenate3A_1138 = tpu.concatenate %slice3A_1135, %slice3A_1135, %slice3A_1135, %slice3A_1135 in 0 : vector<50x64xbf16>, vector<50x64xbf16>, vector<50x64xbf16>, vector<50x64xbf16> -> vector<200x64xbf16>
    %mul3A_1139 = arith.mulf %concatenate3A_1138, %convert_element_type3A_270 : vector<200x64xbf16>
    %dot_general3A_1140 = arith.constant dense<0.000000e+00> : vector<50x200xf32>
    %dot_general3A_1141 = tpu.matmul %slice3A_1133, %mul3A_1137, %dot_general3A_1140 {dimension_numbers = #tpu.dot_dimension_numbers<[1], [1], [0], [0], [0, 0, 1, 0], [], []>, transpose_lhs_hint = false} : vector<50x64xbf16>, vector<200x64xbf16>, vector<50x200xf32> -> vector<50x200xf32>
    %convert_element_type3A_1142 = arith.truncf %dot_general3A_1141 : vector<50x200xf32> to vector<50x200xbf16>
    %slice3A_1143 = vector.extract_strided_slice %convert_element_type3A_922 {offsets = [1100, 0], sizes = [50, 64], strides = [1, 1]} : vector<1600x192xbf16> to vector<50x64xbf16>
    %slice3A_1144 = vector.extract_strided_slice %convert_element_type3A_922 {offsets = [1100, 64], sizes = [50, 64], strides = [1, 1]} : vector<1600x192xbf16> to vector<50x64xbf16>
    %slice3A_1145 = vector.extract_strided_slice %convert_element_type3A_922 {offsets = [1100, 128], sizes = [50, 64], strides = [1, 1]} : vector<1600x192xbf16> to vector<50x64xbf16>
    %concatenate3A_1146 = tpu.concatenate %slice3A_1144, %slice3A_1144, %slice3A_1144, %slice3A_1144 in 0 : vector<50x64xbf16>, vector<50x64xbf16>, vector<50x64xbf16>, vector<50x64xbf16> -> vector<200x64xbf16>
    %mul3A_1147 = arith.mulf %concatenate3A_1146, %convert_element_type3A_270 : vector<200x64xbf16>
    %concatenate3A_1148 = tpu.concatenate %slice3A_1145, %slice3A_1145, %slice3A_1145, %slice3A_1145 in 0 : vector<50x64xbf16>, vector<50x64xbf16>, vector<50x64xbf16>, vector<50x64xbf16> -> vector<200x64xbf16>
    %mul3A_1149 = arith.mulf %concatenate3A_1148, %convert_element_type3A_270 : vector<200x64xbf16>
    %dot_general3A_1150 = arith.constant dense<0.000000e+00> : vector<50x200xf32>
    %dot_general3A_1151 = tpu.matmul %slice3A_1143, %mul3A_1147, %dot_general3A_1150 {dimension_numbers = #tpu.dot_dimension_numbers<[1], [1], [0], [0], [0, 0, 1, 0], [], []>, transpose_lhs_hint = false} : vector<50x64xbf16>, vector<200x64xbf16>, vector<50x200xf32> -> vector<50x200xf32>
    %convert_element_type3A_1152 = arith.truncf %dot_general3A_1151 : vector<50x200xf32> to vector<50x200xbf16>
    %slice3A_1153 = vector.extract_strided_slice %convert_element_type3A_922 {offsets = [1150, 0], sizes = [50, 64], strides = [1, 1]} : vector<1600x192xbf16> to vector<50x64xbf16>
    %slice3A_1154 = vector.extract_strided_slice %convert_element_type3A_922 {offsets = [1150, 64], sizes = [50, 64], strides = [1, 1]} : vector<1600x192xbf16> to vector<50x64xbf16>
    %slice3A_1155 = vector.extract_strided_slice %convert_element_type3A_922 {offsets = [1150, 128], sizes = [50, 64], strides = [1, 1]} : vector<1600x192xbf16> to vector<50x64xbf16>
    %concatenate3A_1156 = tpu.concatenate %slice3A_1154, %slice3A_1154, %slice3A_1154, %slice3A_1154 in 0 : vector<50x64xbf16>, vector<50x64xbf16>, vector<50x64xbf16>, vector<50x64xbf16> -> vector<200x64xbf16>
    %mul3A_1157 = arith.mulf %concatenate3A_1156, %convert_element_type3A_270 : vector<200x64xbf16>
    %concatenate3A_1158 = tpu.concatenate %slice3A_1155, %slice3A_1155, %slice3A_1155, %slice3A_1155 in 0 : vector<50x64xbf16>, vector<50x64xbf16>, vector<50x64xbf16>, vector<50x64xbf16> -> vector<200x64xbf16>
    %mul3A_1159 = arith.mulf %concatenate3A_1158, %convert_element_type3A_270 : vector<200x64xbf16>
    %dot_general3A_1160 = arith.constant dense<0.000000e+00> : vector<50x200xf32>
    %dot_general3A_1161 = tpu.matmul %slice3A_1153, %mul3A_1157, %dot_general3A_1160 {dimension_numbers = #tpu.dot_dimension_numbers<[1], [1], [0], [0], [0, 0, 1, 0], [], []>, transpose_lhs_hint = false} : vector<50x64xbf16>, vector<200x64xbf16>, vector<50x200xf32> -> vector<50x200xf32>
    %convert_element_type3A_1162 = arith.truncf %dot_general3A_1161 : vector<50x200xf32> to vector<50x200xbf16>
    %slice3A_1163 = vector.extract_strided_slice %convert_element_type3A_922 {offsets = [1200, 0], sizes = [50, 64], strides = [1, 1]} : vector<1600x192xbf16> to vector<50x64xbf16>
    %slice3A_1164 = vector.extract_strided_slice %convert_element_type3A_922 {offsets = [1200, 64], sizes = [50, 64], strides = [1, 1]} : vector<1600x192xbf16> to vector<50x64xbf16>
    %slice3A_1165 = vector.extract_strided_slice %convert_element_type3A_922 {offsets = [1200, 128], sizes = [50, 64], strides = [1, 1]} : vector<1600x192xbf16> to vector<50x64xbf16>
    %concatenate3A_1166 = tpu.concatenate %slice3A_1164, %slice3A_1164, %slice3A_1164, %slice3A_1164 in 0 : vector<50x64xbf16>, vector<50x64xbf16>, vector<50x64xbf16>, vector<50x64xbf16> -> vector<200x64xbf16>
    %mul3A_1167 = arith.mulf %concatenate3A_1166, %convert_element_type3A_270 : vector<200x64xbf16>
    %concatenate3A_1168 = tpu.concatenate %slice3A_1165, %slice3A_1165, %slice3A_1165, %slice3A_1165 in 0 : vector<50x64xbf16>, vector<50x64xbf16>, vector<50x64xbf16>, vector<50x64xbf16> -> vector<200x64xbf16>
    %mul3A_1169 = arith.mulf %concatenate3A_1168, %convert_element_type3A_270 : vector<200x64xbf16>
    %dot_general3A_1170 = arith.constant dense<0.000000e+00> : vector<50x200xf32>
    %dot_general3A_1171 = tpu.matmul %slice3A_1163, %mul3A_1167, %dot_general3A_1170 {dimension_numbers = #tpu.dot_dimension_numbers<[1], [1], [0], [0], [0, 0, 1, 0], [], []>, transpose_lhs_hint = false} : vector<50x64xbf16>, vector<200x64xbf16>, vector<50x200xf32> -> vector<50x200xf32>
    %convert_element_type3A_1172 = arith.truncf %dot_general3A_1171 : vector<50x200xf32> to vector<50x200xbf16>
    %slice3A_1173 = vector.extract_strided_slice %convert_element_type3A_922 {offsets = [1250, 0], sizes = [50, 64], strides = [1, 1]} : vector<1600x192xbf16> to vector<50x64xbf16>
    %slice3A_1174 = vector.extract_strided_slice %convert_element_type3A_922 {offsets = [1250, 64], sizes = [50, 64], strides = [1, 1]} : vector<1600x192xbf16> to vector<50x64xbf16>
    %slice3A_1175 = vector.extract_strided_slice %convert_element_type3A_922 {offsets = [1250, 128], sizes = [50, 64], strides = [1, 1]} : vector<1600x192xbf16> to vector<50x64xbf16>
    %concatenate3A_1176 = tpu.concatenate %slice3A_1174, %slice3A_1174, %slice3A_1174, %slice3A_1174 in 0 : vector<50x64xbf16>, vector<50x64xbf16>, vector<50x64xbf16>, vector<50x64xbf16> -> vector<200x64xbf16>
    %mul3A_1177 = arith.mulf %concatenate3A_1176, %convert_element_type3A_270 : vector<200x64xbf16>
    %concatenate3A_1178 = tpu.concatenate %slice3A_1175, %slice3A_1175, %slice3A_1175, %slice3A_1175 in 0 : vector<50x64xbf16>, vector<50x64xbf16>, vector<50x64xbf16>, vector<50x64xbf16> -> vector<200x64xbf16>
    %mul3A_1179 = arith.mulf %concatenate3A_1178, %convert_element_type3A_270 : vector<200x64xbf16>
    %dot_general3A_1180 = arith.constant dense<0.000000e+00> : vector<50x200xf32>
    %dot_general3A_1181 = tpu.matmul %slice3A_1173, %mul3A_1177, %dot_general3A_1180 {dimension_numbers = #tpu.dot_dimension_numbers<[1], [1], [0], [0], [0, 0, 1, 0], [], []>, transpose_lhs_hint = false} : vector<50x64xbf16>, vector<200x64xbf16>, vector<50x200xf32> -> vector<50x200xf32>
    %convert_element_type3A_1182 = arith.truncf %dot_general3A_1181 : vector<50x200xf32> to vector<50x200xbf16>
    %slice3A_1183 = vector.extract_strided_slice %convert_element_type3A_922 {offsets = [1300, 0], sizes = [50, 64], strides = [1, 1]} : vector<1600x192xbf16> to vector<50x64xbf16>
    %slice3A_1184 = vector.extract_strided_slice %convert_element_type3A_922 {offsets = [1300, 64], sizes = [50, 64], strides = [1, 1]} : vector<1600x192xbf16> to vector<50x64xbf16>
    %slice3A_1185 = vector.extract_strided_slice %convert_element_type3A_922 {offsets = [1300, 128], sizes = [50, 64], strides = [1, 1]} : vector<1600x192xbf16> to vector<50x64xbf16>
    %concatenate3A_1186 = tpu.concatenate %slice3A_1184, %slice3A_1184, %slice3A_1184, %slice3A_1184 in 0 : vector<50x64xbf16>, vector<50x64xbf16>, vector<50x64xbf16>, vector<50x64xbf16> -> vector<200x64xbf16>
    %mul3A_1187 = arith.mulf %concatenate3A_1186, %convert_element_type3A_270 : vector<200x64xbf16>
    %concatenate3A_1188 = tpu.concatenate %slice3A_1185, %slice3A_1185, %slice3A_1185, %slice3A_1185 in 0 : vector<50x64xbf16>, vector<50x64xbf16>, vector<50x64xbf16>, vector<50x64xbf16> -> vector<200x64xbf16>
    %mul3A_1189 = arith.mulf %concatenate3A_1188, %convert_element_type3A_270 : vector<200x64xbf16>
    %dot_general3A_1190 = arith.constant dense<0.000000e+00> : vector<50x200xf32>
    %dot_general3A_1191 = tpu.matmul %slice3A_1183, %mul3A_1187, %dot_general3A_1190 {dimension_numbers = #tpu.dot_dimension_numbers<[1], [1], [0], [0], [0, 0, 1, 0], [], []>, transpose_lhs_hint = false} : vector<50x64xbf16>, vector<200x64xbf16>, vector<50x200xf32> -> vector<50x200xf32>
    %convert_element_type3A_1192 = arith.truncf %dot_general3A_1191 : vector<50x200xf32> to vector<50x200xbf16>
    %slice3A_1193 = vector.extract_strided_slice %convert_element_type3A_922 {offsets = [1350, 0], sizes = [50, 64], strides = [1, 1]} : vector<1600x192xbf16> to vector<50x64xbf16>
    %slice3A_1194 = vector.extract_strided_slice %convert_element_type3A_922 {offsets = [1350, 64], sizes = [50, 64], strides = [1, 1]} : vector<1600x192xbf16> to vector<50x64xbf16>
    %slice3A_1195 = vector.extract_strided_slice %convert_element_type3A_922 {offsets = [1350, 128], sizes = [50, 64], strides = [1, 1]} : vector<1600x192xbf16> to vector<50x64xbf16>
    %concatenate3A_1196 = tpu.concatenate %slice3A_1194, %slice3A_1194, %slice3A_1194, %slice3A_1194 in 0 : vector<50x64xbf16>, vector<50x64xbf16>, vector<50x64xbf16>, vector<50x64xbf16> -> vector<200x64xbf16>
    %mul3A_1197 = arith.mulf %concatenate3A_1196, %convert_element_type3A_270 : vector<200x64xbf16>
    %concatenate3A_1198 = tpu.concatenate %slice3A_1195, %slice3A_1195, %slice3A_1195, %slice3A_1195 in 0 : vector<50x64xbf16>, vector<50x64xbf16>, vector<50x64xbf16>, vector<50x64xbf16> -> vector<200x64xbf16>
    %mul3A_1199 = arith.mulf %concatenate3A_1198, %convert_element_type3A_270 : vector<200x64xbf16>
    %dot_general3A_1200 = arith.constant dense<0.000000e+00> : vector<50x200xf32>
    %dot_general3A_1201 = tpu.matmul %slice3A_1193, %mul3A_1197, %dot_general3A_1200 {dimension_numbers = #tpu.dot_dimension_numbers<[1], [1], [0], [0], [0, 0, 1, 0], [], []>, transpose_lhs_hint = false} : vector<50x64xbf16>, vector<200x64xbf16>, vector<50x200xf32> -> vector<50x200xf32>
    %convert_element_type3A_1202 = arith.truncf %dot_general3A_1201 : vector<50x200xf32> to vector<50x200xbf16>
    %slice3A_1203 = vector.extract_strided_slice %convert_element_type3A_922 {offsets = [1400, 0], sizes = [50, 64], strides = [1, 1]} : vector<1600x192xbf16> to vector<50x64xbf16>
    %slice3A_1204 = vector.extract_strided_slice %convert_element_type3A_922 {offsets = [1400, 64], sizes = [50, 64], strides = [1, 1]} : vector<1600x192xbf16> to vector<50x64xbf16>
    %slice3A_1205 = vector.extract_strided_slice %convert_element_type3A_922 {offsets = [1400, 128], sizes = [50, 64], strides = [1, 1]} : vector<1600x192xbf16> to vector<50x64xbf16>
    %concatenate3A_1206 = tpu.concatenate %slice3A_1204, %slice3A_1204, %slice3A_1204, %slice3A_1204 in 0 : vector<50x64xbf16>, vector<50x64xbf16>, vector<50x64xbf16>, vector<50x64xbf16> -> vector<200x64xbf16>
    %mul3A_1207 = arith.mulf %concatenate3A_1206, %convert_element_type3A_270 : vector<200x64xbf16>
    %concatenate3A_1208 = tpu.concatenate %slice3A_1205, %slice3A_1205, %slice3A_1205, %slice3A_1205 in 0 : vector<50x64xbf16>, vector<50x64xbf16>, vector<50x64xbf16>, vector<50x64xbf16> -> vector<200x64xbf16>
    %mul3A_1209 = arith.mulf %concatenate3A_1208, %convert_element_type3A_270 : vector<200x64xbf16>
    %dot_general3A_1210 = arith.constant dense<0.000000e+00> : vector<50x200xf32>
    %dot_general3A_1211 = tpu.matmul %slice3A_1203, %mul3A_1207, %dot_general3A_1210 {dimension_numbers = #tpu.dot_dimension_numbers<[1], [1], [0], [0], [0, 0, 1, 0], [], []>, transpose_lhs_hint = false} : vector<50x64xbf16>, vector<200x64xbf16>, vector<50x200xf32> -> vector<50x200xf32>
    %convert_element_type3A_1212 = arith.truncf %dot_general3A_1211 : vector<50x200xf32> to vector<50x200xbf16>
    %slice3A_1213 = vector.extract_strided_slice %convert_element_type3A_922 {offsets = [1450, 0], sizes = [50, 64], strides = [1, 1]} : vector<1600x192xbf16> to vector<50x64xbf16>
    %slice3A_1214 = vector.extract_strided_slice %convert_element_type3A_922 {offsets = [1450, 64], sizes = [50, 64], strides = [1, 1]} : vector<1600x192xbf16> to vector<50x64xbf16>
    %slice3A_1215 = vector.extract_strided_slice %convert_element_type3A_922 {offsets = [1450, 128], sizes = [50, 64], strides = [1, 1]} : vector<1600x192xbf16> to vector<50x64xbf16>
    %concatenate3A_1216 = tpu.concatenate %slice3A_1214, %slice3A_1214, %slice3A_1214, %slice3A_1214 in 0 : vector<50x64xbf16>, vector<50x64xbf16>, vector<50x64xbf16>, vector<50x64xbf16> -> vector<200x64xbf16>
    %mul3A_1217 = arith.mulf %concatenate3A_1216, %convert_element_type3A_270 : vector<200x64xbf16>
    %concatenate3A_1218 = tpu.concatenate %slice3A_1215, %slice3A_1215, %slice3A_1215, %slice3A_1215 in 0 : vector<50x64xbf16>, vector<50x64xbf16>, vector<50x64xbf16>, vector<50x64xbf16> -> vector<200x64xbf16>
    %mul3A_1219 = arith.mulf %concatenate3A_1218, %convert_element_type3A_270 : vector<200x64xbf16>
    %dot_general3A_1220 = arith.constant dense<0.000000e+00> : vector<50x200xf32>
    %dot_general3A_1221 = tpu.matmul %slice3A_1213, %mul3A_1217, %dot_general3A_1220 {dimension_numbers = #tpu.dot_dimension_numbers<[1], [1], [0], [0], [0, 0, 1, 0], [], []>, transpose_lhs_hint = false} : vector<50x64xbf16>, vector<200x64xbf16>, vector<50x200xf32> -> vector<50x200xf32>
    %convert_element_type3A_1222 = arith.truncf %dot_general3A_1221 : vector<50x200xf32> to vector<50x200xbf16>
    %slice3A_1223 = vector.extract_strided_slice %convert_element_type3A_922 {offsets = [1500, 0], sizes = [50, 64], strides = [1, 1]} : vector<1600x192xbf16> to vector<50x64xbf16>
    %slice3A_1224 = vector.extract_strided_slice %convert_element_type3A_922 {offsets = [1500, 64], sizes = [50, 64], strides = [1, 1]} : vector<1600x192xbf16> to vector<50x64xbf16>
    %slice3A_1225 = vector.extract_strided_slice %convert_element_type3A_922 {offsets = [1500, 128], sizes = [50, 64], strides = [1, 1]} : vector<1600x192xbf16> to vector<50x64xbf16>
    %concatenate3A_1226 = tpu.concatenate %slice3A_1224, %slice3A_1224, %slice3A_1224, %slice3A_1224 in 0 : vector<50x64xbf16>, vector<50x64xbf16>, vector<50x64xbf16>, vector<50x64xbf16> -> vector<200x64xbf16>
    %mul3A_1227 = arith.mulf %concatenate3A_1226, %convert_element_type3A_270 : vector<200x64xbf16>
    %concatenate3A_1228 = tpu.concatenate %slice3A_1225, %slice3A_1225, %slice3A_1225, %slice3A_1225 in 0 : vector<50x64xbf16>, vector<50x64xbf16>, vector<50x64xbf16>, vector<50x64xbf16> -> vector<200x64xbf16>
    %mul3A_1229 = arith.mulf %concatenate3A_1228, %convert_element_type3A_270 : vector<200x64xbf16>
    %dot_general3A_1230 = arith.constant dense<0.000000e+00> : vector<50x200xf32>
    %dot_general3A_1231 = tpu.matmul %slice3A_1223, %mul3A_1227, %dot_general3A_1230 {dimension_numbers = #tpu.dot_dimension_numbers<[1], [1], [0], [0], [0, 0, 1, 0], [], []>, transpose_lhs_hint = false} : vector<50x64xbf16>, vector<200x64xbf16>, vector<50x200xf32> -> vector<50x200xf32>
    %convert_element_type3A_1232 = arith.truncf %dot_general3A_1231 : vector<50x200xf32> to vector<50x200xbf16>
    %slice3A_1233 = vector.extract_strided_slice %convert_element_type3A_922 {offsets = [1550, 0], sizes = [50, 64], strides = [1, 1]} : vector<1600x192xbf16> to vector<50x64xbf16>
    %slice3A_1234 = vector.extract_strided_slice %convert_element_type3A_922 {offsets = [1550, 64], sizes = [50, 64], strides = [1, 1]} : vector<1600x192xbf16> to vector<50x64xbf16>
    %slice3A_1235 = vector.extract_strided_slice %convert_element_type3A_922 {offsets = [1550, 128], sizes = [50, 64], strides = [1, 1]} : vector<1600x192xbf16> to vector<50x64xbf16>
    %concatenate3A_1236 = tpu.concatenate %slice3A_1234, %slice3A_1234, %slice3A_1234, %slice3A_1234 in 0 : vector<50x64xbf16>, vector<50x64xbf16>, vector<50x64xbf16>, vector<50x64xbf16> -> vector<200x64xbf16>
    %mul3A_1237 = arith.mulf %concatenate3A_1236, %convert_element_type3A_270 : vector<200x64xbf16>
    %concatenate3A_1238 = tpu.concatenate %slice3A_1235, %slice3A_1235, %slice3A_1235, %slice3A_1235 in 0 : vector<50x64xbf16>, vector<50x64xbf16>, vector<50x64xbf16>, vector<50x64xbf16> -> vector<200x64xbf16>
    %mul3A_1239 = arith.mulf %concatenate3A_1238, %convert_element_type3A_270 : vector<200x64xbf16>
    %dot_general3A_1240 = arith.constant dense<0.000000e+00> : vector<50x200xf32>
    %dot_general3A_1241 = tpu.matmul %slice3A_1233, %mul3A_1237, %dot_general3A_1240 {dimension_numbers = #tpu.dot_dimension_numbers<[1], [1], [0], [0], [0, 0, 1, 0], [], []>, transpose_lhs_hint = false} : vector<50x64xbf16>, vector<200x64xbf16>, vector<50x200xf32> -> vector<50x200xf32>
    %convert_element_type3A_1242 = arith.truncf %dot_general3A_1241 : vector<50x200xf32> to vector<50x200xbf16>
    %concatenate3A_1243 = tpu.concatenate %convert_element_type3A_932, %convert_element_type3A_942, %convert_element_type3A_952, %convert_element_type3A_962, %convert_element_type3A_972, %convert_element_type3A_982, %convert_element_type3A_992, %convert_element_type3A_1002, %convert_element_type3A_1012, %convert_element_type3A_1022, %convert_element_type3A_1032, %convert_element_type3A_1042, %convert_element_type3A_1052, %convert_element_type3A_1062, %convert_element_type3A_1072, %convert_element_type3A_1082, %convert_element_type3A_1092, %convert_element_type3A_1102, %convert_element_type3A_1112, %convert_element_type3A_1122, %convert_element_type3A_1132, %convert_element_type3A_1142, %convert_element_type3A_1152, %convert_element_type3A_1162, %convert_element_type3A_1172, %convert_element_type3A_1182, %convert_element_type3A_1192, %convert_element_type3A_1202, %convert_element_type3A_1212, %convert_element_type3A_1222, %convert_element_type3A_1232, %convert_element_type3A_1242 in 0 : vector<50x200xbf16>, vector<50x200xbf16>, vector<50x200xbf16>, vector<50x200xbf16>, vector<50x200xbf16>, vector<50x200xbf16>, vector<50x200xbf16>, vector<50x200xbf16>, vector<50x200xbf16>, vector<50x200xbf16>, vector<50x200xbf16>, vector<50x200xbf16>, vector<50x200xbf16>, vector<50x200xbf16>, vector<50x200xbf16>, vector<50x200xbf16>, vector<50x200xbf16>, vector<50x200xbf16>, vector<50x200xbf16>, vector<50x200xbf16>, vector<50x200xbf16>, vector<50x200xbf16>, vector<50x200xbf16>, vector<50x200xbf16>, vector<50x200xbf16>, vector<50x200xbf16>, vector<50x200xbf16>, vector<50x200xbf16>, vector<50x200xbf16>, vector<50x200xbf16>, vector<50x200xbf16>, vector<50x200xbf16> -> vector<1600x200xbf16>
    %mul3A_1244 = arith.constant 2.500000e-01 : bf16
    %mul3A_1245 = vector.broadcast %mul3A_1244 : bf16 to vector<1600x200xbf16>
    %mul3A_1246 = arith.mulf %concatenate3A_1243, %mul3A_1245 : vector<1600x200xbf16>
    %slice3A_1247 = vector.extract_strided_slice %mul3A_1246 {offsets = [0, 0], sizes = [1600, 50], strides = [1, 1]} : vector<1600x200xbf16> to vector<1600x50xbf16>
    %reduce_max3A_1248 = arith.constant dense<0xFF80> : vector<1600xbf16>
    %reduce_max3A_1249 = vector.multi_reduction <maximumf>, %slice3A_1247, %reduce_max3A_1248 [1] : vector<1600x50xbf16> to vector<1600xbf16>
    %broadcast_in_dim3A_1250 = vector.shape_cast %reduce_max3A_1249 : vector<1600xbf16> to vector<1600x1xbf16>
    %sub3A_1251 = vector.broadcast %broadcast_in_dim3A_1250 : vector<1600x1xbf16> to vector<1600x50xbf16>
    %sub3A_1252 = arith.subf %slice3A_1247, %sub3A_1251 : vector<1600x50xbf16>
    %exp3A_1253 = math.exp %sub3A_1252 : vector<1600x50xbf16>
    %convert_element_type3A_1254 = arith.extf %exp3A_1253 : vector<1600x50xbf16> to vector<1600x50xf32>
    %reduce_sum3A_1255 = arith.constant dense<0.000000e+00> : vector<1600xf32>
    %reduce_sum3A_1256 = vector.multi_reduction <add>, %convert_element_type3A_1254, %reduce_sum3A_1255 [1] : vector<1600x50xf32> to vector<1600xf32>
    %broadcast_in_dim3A_1257 = vector.shape_cast %reduce_sum3A_1256 : vector<1600xf32> to vector<1600x1xf32>
    %convert_element_type3A_1258 = arith.truncf %broadcast_in_dim3A_1257 : vector<1600x1xf32> to vector<1600x1xbf16>
    %div3A_1259 = vector.broadcast %convert_element_type3A_1258 : vector<1600x1xbf16> to vector<1600x50xbf16>
    %div3A_1260 = arith.divf %exp3A_1253, %div3A_1259 : vector<1600x50xbf16>
    %slice3A_1261 = vector.extract_strided_slice %mul3A_1246 {offsets = [0, 50], sizes = [1600, 50], strides = [1, 1]} : vector<1600x200xbf16> to vector<1600x50xbf16>
    %reduce_max3A_1262 = arith.constant dense<0xFF80> : vector<1600xbf16>
    %reduce_max3A_1263 = vector.multi_reduction <maximumf>, %slice3A_1261, %reduce_max3A_1262 [1] : vector<1600x50xbf16> to vector<1600xbf16>
    %broadcast_in_dim3A_1264 = vector.shape_cast %reduce_max3A_1263 : vector<1600xbf16> to vector<1600x1xbf16>
    %sub3A_1265 = vector.broadcast %broadcast_in_dim3A_1264 : vector<1600x1xbf16> to vector<1600x50xbf16>
    %sub3A_1266 = arith.subf %slice3A_1261, %sub3A_1265 : vector<1600x50xbf16>
    %exp3A_1267 = math.exp %sub3A_1266 : vector<1600x50xbf16>
    %convert_element_type3A_1268 = arith.extf %exp3A_1267 : vector<1600x50xbf16> to vector<1600x50xf32>
    %reduce_sum3A_1269 = arith.constant dense<0.000000e+00> : vector<1600xf32>
    %reduce_sum3A_1270 = vector.multi_reduction <add>, %convert_element_type3A_1268, %reduce_sum3A_1269 [1] : vector<1600x50xf32> to vector<1600xf32>
    %broadcast_in_dim3A_1271 = vector.shape_cast %reduce_sum3A_1270 : vector<1600xf32> to vector<1600x1xf32>
    %convert_element_type3A_1272 = arith.truncf %broadcast_in_dim3A_1271 : vector<1600x1xf32> to vector<1600x1xbf16>
    %div3A_1273 = vector.broadcast %convert_element_type3A_1272 : vector<1600x1xbf16> to vector<1600x50xbf16>
    %div3A_1274 = arith.divf %exp3A_1267, %div3A_1273 : vector<1600x50xbf16>
    %slice3A_1275 = vector.extract_strided_slice %mul3A_1246 {offsets = [0, 100], sizes = [1600, 50], strides = [1, 1]} : vector<1600x200xbf16> to vector<1600x50xbf16>
    %reduce_max3A_1276 = arith.constant dense<0xFF80> : vector<1600xbf16>
    %reduce_max3A_1277 = vector.multi_reduction <maximumf>, %slice3A_1275, %reduce_max3A_1276 [1] : vector<1600x50xbf16> to vector<1600xbf16>
    %broadcast_in_dim3A_1278 = vector.shape_cast %reduce_max3A_1277 : vector<1600xbf16> to vector<1600x1xbf16>
    %sub3A_1279 = vector.broadcast %broadcast_in_dim3A_1278 : vector<1600x1xbf16> to vector<1600x50xbf16>
    %sub3A_1280 = arith.subf %slice3A_1275, %sub3A_1279 : vector<1600x50xbf16>
    %exp3A_1281 = math.exp %sub3A_1280 : vector<1600x50xbf16>
    %convert_element_type3A_1282 = arith.extf %exp3A_1281 : vector<1600x50xbf16> to vector<1600x50xf32>
    %reduce_sum3A_1283 = arith.constant dense<0.000000e+00> : vector<1600xf32>
    %reduce_sum3A_1284 = vector.multi_reduction <add>, %convert_element_type3A_1282, %reduce_sum3A_1283 [1] : vector<1600x50xf32> to vector<1600xf32>
    %broadcast_in_dim3A_1285 = vector.shape_cast %reduce_sum3A_1284 : vector<1600xf32> to vector<1600x1xf32>
    %convert_element_type3A_1286 = arith.truncf %broadcast_in_dim3A_1285 : vector<1600x1xf32> to vector<1600x1xbf16>
    %div3A_1287 = vector.broadcast %convert_element_type3A_1286 : vector<1600x1xbf16> to vector<1600x50xbf16>
    %div3A_1288 = arith.divf %exp3A_1281, %div3A_1287 : vector<1600x50xbf16>
    %slice3A_1289 = vector.extract_strided_slice %mul3A_1246 {offsets = [0, 150], sizes = [1600, 50], strides = [1, 1]} : vector<1600x200xbf16> to vector<1600x50xbf16>
    %reduce_max3A_1290 = arith.constant dense<0xFF80> : vector<1600xbf16>
    %reduce_max3A_1291 = vector.multi_reduction <maximumf>, %slice3A_1289, %reduce_max3A_1290 [1] : vector<1600x50xbf16> to vector<1600xbf16>
    %broadcast_in_dim3A_1292 = vector.shape_cast %reduce_max3A_1291 : vector<1600xbf16> to vector<1600x1xbf16>
    %sub3A_1293 = vector.broadcast %broadcast_in_dim3A_1292 : vector<1600x1xbf16> to vector<1600x50xbf16>
    %sub3A_1294 = arith.subf %slice3A_1289, %sub3A_1293 : vector<1600x50xbf16>
    %exp3A_1295 = math.exp %sub3A_1294 : vector<1600x50xbf16>
    %convert_element_type3A_1296 = arith.extf %exp3A_1295 : vector<1600x50xbf16> to vector<1600x50xf32>
    %reduce_sum3A_1297 = arith.constant dense<0.000000e+00> : vector<1600xf32>
    %reduce_sum3A_1298 = vector.multi_reduction <add>, %convert_element_type3A_1296, %reduce_sum3A_1297 [1] : vector<1600x50xf32> to vector<1600xf32>
    %broadcast_in_dim3A_1299 = vector.shape_cast %reduce_sum3A_1298 : vector<1600xf32> to vector<1600x1xf32>
    %convert_element_type3A_1300 = arith.truncf %broadcast_in_dim3A_1299 : vector<1600x1xf32> to vector<1600x1xbf16>
    %div3A_1301 = vector.broadcast %convert_element_type3A_1300 : vector<1600x1xbf16> to vector<1600x50xbf16>
    %div3A_1302 = arith.divf %exp3A_1295, %div3A_1301 : vector<1600x50xbf16>
    %concatenate3A_1303 = tpu.concatenate %div3A_1260, %div3A_1274, %div3A_1288, %div3A_1302 in 1 : vector<1600x50xbf16>, vector<1600x50xbf16>, vector<1600x50xbf16>, vector<1600x50xbf16> -> vector<1600x200xbf16>
    %slice3A_1304 = vector.extract_strided_slice %concatenate3A_1303 {offsets = [0, 0], sizes = [50, 200], strides = [1, 1]} : vector<1600x200xbf16> to vector<50x200xbf16>
    %dot_general3A_1305 = arith.constant dense<0.000000e+00> : vector<50x64xf32>
    %dot_general3A_1306 = tpu.matmul %slice3A_1304, %mul3A_929, %dot_general3A_1305 {dimension_numbers = #tpu.dot_dimension_numbers<[1], [0], [0], [1], [0, 0, 1, 1], [], []>, transpose_lhs_hint = false} : vector<50x200xbf16>, vector<200x64xbf16>, vector<50x64xf32> -> vector<50x64xf32>
    %convert_element_type3A_1307 = arith.truncf %dot_general3A_1306 : vector<50x64xf32> to vector<50x64xbf16>
    %slice3A_1308 = vector.extract_strided_slice %concatenate3A_1303 {offsets = [50, 0], sizes = [50, 200], strides = [1, 1]} : vector<1600x200xbf16> to vector<50x200xbf16>
    %dot_general3A_1309 = arith.constant dense<0.000000e+00> : vector<50x64xf32>
    %dot_general3A_1310 = tpu.matmul %slice3A_1308, %mul3A_939, %dot_general3A_1309 {dimension_numbers = #tpu.dot_dimension_numbers<[1], [0], [0], [1], [0, 0, 1, 1], [], []>, transpose_lhs_hint = false} : vector<50x200xbf16>, vector<200x64xbf16>, vector<50x64xf32> -> vector<50x64xf32>
    %convert_element_type3A_1311 = arith.truncf %dot_general3A_1310 : vector<50x64xf32> to vector<50x64xbf16>
    %slice3A_1312 = vector.extract_strided_slice %concatenate3A_1303 {offsets = [100, 0], sizes = [50, 200], strides = [1, 1]} : vector<1600x200xbf16> to vector<50x200xbf16>
    %dot_general3A_1313 = arith.constant dense<0.000000e+00> : vector<50x64xf32>
    %dot_general3A_1314 = tpu.matmul %slice3A_1312, %mul3A_949, %dot_general3A_1313 {dimension_numbers = #tpu.dot_dimension_numbers<[1], [0], [0], [1], [0, 0, 1, 1], [], []>, transpose_lhs_hint = false} : vector<50x200xbf16>, vector<200x64xbf16>, vector<50x64xf32> -> vector<50x64xf32>
    %convert_element_type3A_1315 = arith.truncf %dot_general3A_1314 : vector<50x64xf32> to vector<50x64xbf16>
    %slice3A_1316 = vector.extract_strided_slice %concatenate3A_1303 {offsets = [150, 0], sizes = [50, 200], strides = [1, 1]} : vector<1600x200xbf16> to vector<50x200xbf16>
    %dot_general3A_1317 = arith.constant dense<0.000000e+00> : vector<50x64xf32>
    %dot_general3A_1318 = tpu.matmul %slice3A_1316, %mul3A_959, %dot_general3A_1317 {dimension_numbers = #tpu.dot_dimension_numbers<[1], [0], [0], [1], [0, 0, 1, 1], [], []>, transpose_lhs_hint = false} : vector<50x200xbf16>, vector<200x64xbf16>, vector<50x64xf32> -> vector<50x64xf32>
    %convert_element_type3A_1319 = arith.truncf %dot_general3A_1318 : vector<50x64xf32> to vector<50x64xbf16>
    %slice3A_1320 = vector.extract_strided_slice %concatenate3A_1303 {offsets = [200, 0], sizes = [50, 200], strides = [1, 1]} : vector<1600x200xbf16> to vector<50x200xbf16>
    %dot_general3A_1321 = arith.constant dense<0.000000e+00> : vector<50x64xf32>
    %dot_general3A_1322 = tpu.matmul %slice3A_1320, %mul3A_969, %dot_general3A_1321 {dimension_numbers = #tpu.dot_dimension_numbers<[1], [0], [0], [1], [0, 0, 1, 1], [], []>, transpose_lhs_hint = false} : vector<50x200xbf16>, vector<200x64xbf16>, vector<50x64xf32> -> vector<50x64xf32>
    %convert_element_type3A_1323 = arith.truncf %dot_general3A_1322 : vector<50x64xf32> to vector<50x64xbf16>
    %slice3A_1324 = vector.extract_strided_slice %concatenate3A_1303 {offsets = [250, 0], sizes = [50, 200], strides = [1, 1]} : vector<1600x200xbf16> to vector<50x200xbf16>
    %dot_general3A_1325 = arith.constant dense<0.000000e+00> : vector<50x64xf32>
    %dot_general3A_1326 = tpu.matmul %slice3A_1324, %mul3A_979, %dot_general3A_1325 {dimension_numbers = #tpu.dot_dimension_numbers<[1], [0], [0], [1], [0, 0, 1, 1], [], []>, transpose_lhs_hint = false} : vector<50x200xbf16>, vector<200x64xbf16>, vector<50x64xf32> -> vector<50x64xf32>
    %convert_element_type3A_1327 = arith.truncf %dot_general3A_1326 : vector<50x64xf32> to vector<50x64xbf16>
    %slice3A_1328 = vector.extract_strided_slice %concatenate3A_1303 {offsets = [300, 0], sizes = [50, 200], strides = [1, 1]} : vector<1600x200xbf16> to vector<50x200xbf16>
    %dot_general3A_1329 = arith.constant dense<0.000000e+00> : vector<50x64xf32>
    %dot_general3A_1330 = tpu.matmul %slice3A_1328, %mul3A_989, %dot_general3A_1329 {dimension_numbers = #tpu.dot_dimension_numbers<[1], [0], [0], [1], [0, 0, 1, 1], [], []>, transpose_lhs_hint = false} : vector<50x200xbf16>, vector<200x64xbf16>, vector<50x64xf32> -> vector<50x64xf32>
    %convert_element_type3A_1331 = arith.truncf %dot_general3A_1330 : vector<50x64xf32> to vector<50x64xbf16>
    %slice3A_1332 = vector.extract_strided_slice %concatenate3A_1303 {offsets = [350, 0], sizes = [50, 200], strides = [1, 1]} : vector<1600x200xbf16> to vector<50x200xbf16>
    %dot_general3A_1333 = arith.constant dense<0.000000e+00> : vector<50x64xf32>
    %dot_general3A_1334 = tpu.matmul %slice3A_1332, %mul3A_999, %dot_general3A_1333 {dimension_numbers = #tpu.dot_dimension_numbers<[1], [0], [0], [1], [0, 0, 1, 1], [], []>, transpose_lhs_hint = false} : vector<50x200xbf16>, vector<200x64xbf16>, vector<50x64xf32> -> vector<50x64xf32>
    %convert_element_type3A_1335 = arith.truncf %dot_general3A_1334 : vector<50x64xf32> to vector<50x64xbf16>
    %slice3A_1336 = vector.extract_strided_slice %concatenate3A_1303 {offsets = [400, 0], sizes = [50, 200], strides = [1, 1]} : vector<1600x200xbf16> to vector<50x200xbf16>
    %dot_general3A_1337 = arith.constant dense<0.000000e+00> : vector<50x64xf32>
    %dot_general3A_1338 = tpu.matmul %slice3A_1336, %mul3A_1009, %dot_general3A_1337 {dimension_numbers = #tpu.dot_dimension_numbers<[1], [0], [0], [1], [0, 0, 1, 1], [], []>, transpose_lhs_hint = false} : vector<50x200xbf16>, vector<200x64xbf16>, vector<50x64xf32> -> vector<50x64xf32>
    %convert_element_type3A_1339 = arith.truncf %dot_general3A_1338 : vector<50x64xf32> to vector<50x64xbf16>
    %slice3A_1340 = vector.extract_strided_slice %concatenate3A_1303 {offsets = [450, 0], sizes = [50, 200], strides = [1, 1]} : vector<1600x200xbf16> to vector<50x200xbf16>
    %dot_general3A_1341 = arith.constant dense<0.000000e+00> : vector<50x64xf32>
    %dot_general3A_1342 = tpu.matmul %slice3A_1340, %mul3A_1019, %dot_general3A_1341 {dimension_numbers = #tpu.dot_dimension_numbers<[1], [0], [0], [1], [0, 0, 1, 1], [], []>, transpose_lhs_hint = false} : vector<50x200xbf16>, vector<200x64xbf16>, vector<50x64xf32> -> vector<50x64xf32>
    %convert_element_type3A_1343 = arith.truncf %dot_general3A_1342 : vector<50x64xf32> to vector<50x64xbf16>
    %slice3A_1344 = vector.extract_strided_slice %concatenate3A_1303 {offsets = [500, 0], sizes = [50, 200], strides = [1, 1]} : vector<1600x200xbf16> to vector<50x200xbf16>
    %dot_general3A_1345 = arith.constant dense<0.000000e+00> : vector<50x64xf32>
    %dot_general3A_1346 = tpu.matmul %slice3A_1344, %mul3A_1029, %dot_general3A_1345 {dimension_numbers = #tpu.dot_dimension_numbers<[1], [0], [0], [1], [0, 0, 1, 1], [], []>, transpose_lhs_hint = false} : vector<50x200xbf16>, vector<200x64xbf16>, vector<50x64xf32> -> vector<50x64xf32>
    %convert_element_type3A_1347 = arith.truncf %dot_general3A_1346 : vector<50x64xf32> to vector<50x64xbf16>
    %slice3A_1348 = vector.extract_strided_slice %concatenate3A_1303 {offsets = [550, 0], sizes = [50, 200], strides = [1, 1]} : vector<1600x200xbf16> to vector<50x200xbf16>
    %dot_general3A_1349 = arith.constant dense<0.000000e+00> : vector<50x64xf32>
    %dot_general3A_1350 = tpu.matmul %slice3A_1348, %mul3A_1039, %dot_general3A_1349 {dimension_numbers = #tpu.dot_dimension_numbers<[1], [0], [0], [1], [0, 0, 1, 1], [], []>, transpose_lhs_hint = false} : vector<50x200xbf16>, vector<200x64xbf16>, vector<50x64xf32> -> vector<50x64xf32>
    %convert_element_type3A_1351 = arith.truncf %dot_general3A_1350 : vector<50x64xf32> to vector<50x64xbf16>
    %slice3A_1352 = vector.extract_strided_slice %concatenate3A_1303 {offsets = [600, 0], sizes = [50, 200], strides = [1, 1]} : vector<1600x200xbf16> to vector<50x200xbf16>
    %dot_general3A_1353 = arith.constant dense<0.000000e+00> : vector<50x64xf32>
    %dot_general3A_1354 = tpu.matmul %slice3A_1352, %mul3A_1049, %dot_general3A_1353 {dimension_numbers = #tpu.dot_dimension_numbers<[1], [0], [0], [1], [0, 0, 1, 1], [], []>, transpose_lhs_hint = false} : vector<50x200xbf16>, vector<200x64xbf16>, vector<50x64xf32> -> vector<50x64xf32>
    %convert_element_type3A_1355 = arith.truncf %dot_general3A_1354 : vector<50x64xf32> to vector<50x64xbf16>
    %slice3A_1356 = vector.extract_strided_slice %concatenate3A_1303 {offsets = [650, 0], sizes = [50, 200], strides = [1, 1]} : vector<1600x200xbf16> to vector<50x200xbf16>
    %dot_general3A_1357 = arith.constant dense<0.000000e+00> : vector<50x64xf32>
    %dot_general3A_1358 = tpu.matmul %slice3A_1356, %mul3A_1059, %dot_general3A_1357 {dimension_numbers = #tpu.dot_dimension_numbers<[1], [0], [0], [1], [0, 0, 1, 1], [], []>, transpose_lhs_hint = false} : vector<50x200xbf16>, vector<200x64xbf16>, vector<50x64xf32> -> vector<50x64xf32>
    %convert_element_type3A_1359 = arith.truncf %dot_general3A_1358 : vector<50x64xf32> to vector<50x64xbf16>
    %slice3A_1360 = vector.extract_strided_slice %concatenate3A_1303 {offsets = [700, 0], sizes = [50, 200], strides = [1, 1]} : vector<1600x200xbf16> to vector<50x200xbf16>
    %dot_general3A_1361 = arith.constant dense<0.000000e+00> : vector<50x64xf32>
    %dot_general3A_1362 = tpu.matmul %slice3A_1360, %mul3A_1069, %dot_general3A_1361 {dimension_numbers = #tpu.dot_dimension_numbers<[1], [0], [0], [1], [0, 0, 1, 1], [], []>, transpose_lhs_hint = false} : vector<50x200xbf16>, vector<200x64xbf16>, vector<50x64xf32> -> vector<50x64xf32>
    %convert_element_type3A_1363 = arith.truncf %dot_general3A_1362 : vector<50x64xf32> to vector<50x64xbf16>
    %slice3A_1364 = vector.extract_strided_slice %concatenate3A_1303 {offsets = [750, 0], sizes = [50, 200], strides = [1, 1]} : vector<1600x200xbf16> to vector<50x200xbf16>
    %dot_general3A_1365 = arith.constant dense<0.000000e+00> : vector<50x64xf32>
    %dot_general3A_1366 = tpu.matmul %slice3A_1364, %mul3A_1079, %dot_general3A_1365 {dimension_numbers = #tpu.dot_dimension_numbers<[1], [0], [0], [1], [0, 0, 1, 1], [], []>, transpose_lhs_hint = false} : vector<50x200xbf16>, vector<200x64xbf16>, vector<50x64xf32> -> vector<50x64xf32>
    %convert_element_type3A_1367 = arith.truncf %dot_general3A_1366 : vector<50x64xf32> to vector<50x64xbf16>
    %slice3A_1368 = vector.extract_strided_slice %concatenate3A_1303 {offsets = [800, 0], sizes = [50, 200], strides = [1, 1]} : vector<1600x200xbf16> to vector<50x200xbf16>
    %dot_general3A_1369 = arith.constant dense<0.000000e+00> : vector<50x64xf32>
    %dot_general3A_1370 = tpu.matmul %slice3A_1368, %mul3A_1089, %dot_general3A_1369 {dimension_numbers = #tpu.dot_dimension_numbers<[1], [0], [0], [1], [0, 0, 1, 1], [], []>, transpose_lhs_hint = false} : vector<50x200xbf16>, vector<200x64xbf16>, vector<50x64xf32> -> vector<50x64xf32>
    %convert_element_type3A_1371 = arith.truncf %dot_general3A_1370 : vector<50x64xf32> to vector<50x64xbf16>
    %slice3A_1372 = vector.extract_strided_slice %concatenate3A_1303 {offsets = [850, 0], sizes = [50, 200], strides = [1, 1]} : vector<1600x200xbf16> to vector<50x200xbf16>
    %dot_general3A_1373 = arith.constant dense<0.000000e+00> : vector<50x64xf32>
    %dot_general3A_1374 = tpu.matmul %slice3A_1372, %mul3A_1099, %dot_general3A_1373 {dimension_numbers = #tpu.dot_dimension_numbers<[1], [0], [0], [1], [0, 0, 1, 1], [], []>, transpose_lhs_hint = false} : vector<50x200xbf16>, vector<200x64xbf16>, vector<50x64xf32> -> vector<50x64xf32>
    %convert_element_type3A_1375 = arith.truncf %dot_general3A_1374 : vector<50x64xf32> to vector<50x64xbf16>
    %slice3A_1376 = vector.extract_strided_slice %concatenate3A_1303 {offsets = [900, 0], sizes = [50, 200], strides = [1, 1]} : vector<1600x200xbf16> to vector<50x200xbf16>
    %dot_general3A_1377 = arith.constant dense<0.000000e+00> : vector<50x64xf32>
    %dot_general3A_1378 = tpu.matmul %slice3A_1376, %mul3A_1109, %dot_general3A_1377 {dimension_numbers = #tpu.dot_dimension_numbers<[1], [0], [0], [1], [0, 0, 1, 1], [], []>, transpose_lhs_hint = false} : vector<50x200xbf16>, vector<200x64xbf16>, vector<50x64xf32> -> vector<50x64xf32>
    %convert_element_type3A_1379 = arith.truncf %dot_general3A_1378 : vector<50x64xf32> to vector<50x64xbf16>
    %slice3A_1380 = vector.extract_strided_slice %concatenate3A_1303 {offsets = [950, 0], sizes = [50, 200], strides = [1, 1]} : vector<1600x200xbf16> to vector<50x200xbf16>
    %dot_general3A_1381 = arith.constant dense<0.000000e+00> : vector<50x64xf32>
    %dot_general3A_1382 = tpu.matmul %slice3A_1380, %mul3A_1119, %dot_general3A_1381 {dimension_numbers = #tpu.dot_dimension_numbers<[1], [0], [0], [1], [0, 0, 1, 1], [], []>, transpose_lhs_hint = false} : vector<50x200xbf16>, vector<200x64xbf16>, vector<50x64xf32> -> vector<50x64xf32>
    %convert_element_type3A_1383 = arith.truncf %dot_general3A_1382 : vector<50x64xf32> to vector<50x64xbf16>
    %slice3A_1384 = vector.extract_strided_slice %concatenate3A_1303 {offsets = [1000, 0], sizes = [50, 200], strides = [1, 1]} : vector<1600x200xbf16> to vector<50x200xbf16>
    %dot_general3A_1385 = arith.constant dense<0.000000e+00> : vector<50x64xf32>
    %dot_general3A_1386 = tpu.matmul %slice3A_1384, %mul3A_1129, %dot_general3A_1385 {dimension_numbers = #tpu.dot_dimension_numbers<[1], [0], [0], [1], [0, 0, 1, 1], [], []>, transpose_lhs_hint = false} : vector<50x200xbf16>, vector<200x64xbf16>, vector<50x64xf32> -> vector<50x64xf32>
    %convert_element_type3A_1387 = arith.truncf %dot_general3A_1386 : vector<50x64xf32> to vector<50x64xbf16>
    %slice3A_1388 = vector.extract_strided_slice %concatenate3A_1303 {offsets = [1050, 0], sizes = [50, 200], strides = [1, 1]} : vector<1600x200xbf16> to vector<50x200xbf16>
    %dot_general3A_1389 = arith.constant dense<0.000000e+00> : vector<50x64xf32>
    %dot_general3A_1390 = tpu.matmul %slice3A_1388, %mul3A_1139, %dot_general3A_1389 {dimension_numbers = #tpu.dot_dimension_numbers<[1], [0], [0], [1], [0, 0, 1, 1], [], []>, transpose_lhs_hint = false} : vector<50x200xbf16>, vector<200x64xbf16>, vector<50x64xf32> -> vector<50x64xf32>
    %convert_element_type3A_1391 = arith.truncf %dot_general3A_1390 : vector<50x64xf32> to vector<50x64xbf16>
    %slice3A_1392 = vector.extract_strided_slice %concatenate3A_1303 {offsets = [1100, 0], sizes = [50, 200], strides = [1, 1]} : vector<1600x200xbf16> to vector<50x200xbf16>
    %dot_general3A_1393 = arith.constant dense<0.000000e+00> : vector<50x64xf32>
    %dot_general3A_1394 = tpu.matmul %slice3A_1392, %mul3A_1149, %dot_general3A_1393 {dimension_numbers = #tpu.dot_dimension_numbers<[1], [0], [0], [1], [0, 0, 1, 1], [], []>, transpose_lhs_hint = false} : vector<50x200xbf16>, vector<200x64xbf16>, vector<50x64xf32> -> vector<50x64xf32>
    %convert_element_type3A_1395 = arith.truncf %dot_general3A_1394 : vector<50x64xf32> to vector<50x64xbf16>
    %slice3A_1396 = vector.extract_strided_slice %concatenate3A_1303 {offsets = [1150, 0], sizes = [50, 200], strides = [1, 1]} : vector<1600x200xbf16> to vector<50x200xbf16>
    %dot_general3A_1397 = arith.constant dense<0.000000e+00> : vector<50x64xf32>
    %dot_general3A_1398 = tpu.matmul %slice3A_1396, %mul3A_1159, %dot_general3A_1397 {dimension_numbers = #tpu.dot_dimension_numbers<[1], [0], [0], [1], [0, 0, 1, 1], [], []>, transpose_lhs_hint = false} : vector<50x200xbf16>, vector<200x64xbf16>, vector<50x64xf32> -> vector<50x64xf32>
    %convert_element_type3A_1399 = arith.truncf %dot_general3A_1398 : vector<50x64xf32> to vector<50x64xbf16>
    %slice3A_1400 = vector.extract_strided_slice %concatenate3A_1303 {offsets = [1200, 0], sizes = [50, 200], strides = [1, 1]} : vector<1600x200xbf16> to vector<50x200xbf16>
    %dot_general3A_1401 = arith.constant dense<0.000000e+00> : vector<50x64xf32>
    %dot_general3A_1402 = tpu.matmul %slice3A_1400, %mul3A_1169, %dot_general3A_1401 {dimension_numbers = #tpu.dot_dimension_numbers<[1], [0], [0], [1], [0, 0, 1, 1], [], []>, transpose_lhs_hint = false} : vector<50x200xbf16>, vector<200x64xbf16>, vector<50x64xf32> -> vector<50x64xf32>
    %convert_element_type3A_1403 = arith.truncf %dot_general3A_1402 : vector<50x64xf32> to vector<50x64xbf16>
    %slice3A_1404 = vector.extract_strided_slice %concatenate3A_1303 {offsets = [1250, 0], sizes = [50, 200], strides = [1, 1]} : vector<1600x200xbf16> to vector<50x200xbf16>
    %dot_general3A_1405 = arith.constant dense<0.000000e+00> : vector<50x64xf32>
    %dot_general3A_1406 = tpu.matmul %slice3A_1404, %mul3A_1179, %dot_general3A_1405 {dimension_numbers = #tpu.dot_dimension_numbers<[1], [0], [0], [1], [0, 0, 1, 1], [], []>, transpose_lhs_hint = false} : vector<50x200xbf16>, vector<200x64xbf16>, vector<50x64xf32> -> vector<50x64xf32>
    %convert_element_type3A_1407 = arith.truncf %dot_general3A_1406 : vector<50x64xf32> to vector<50x64xbf16>
    %slice3A_1408 = vector.extract_strided_slice %concatenate3A_1303 {offsets = [1300, 0], sizes = [50, 200], strides = [1, 1]} : vector<1600x200xbf16> to vector<50x200xbf16>
    %dot_general3A_1409 = arith.constant dense<0.000000e+00> : vector<50x64xf32>
    %dot_general3A_1410 = tpu.matmul %slice3A_1408, %mul3A_1189, %dot_general3A_1409 {dimension_numbers = #tpu.dot_dimension_numbers<[1], [0], [0], [1], [0, 0, 1, 1], [], []>, transpose_lhs_hint = false} : vector<50x200xbf16>, vector<200x64xbf16>, vector<50x64xf32> -> vector<50x64xf32>
    %convert_element_type3A_1411 = arith.truncf %dot_general3A_1410 : vector<50x64xf32> to vector<50x64xbf16>
    %slice3A_1412 = vector.extract_strided_slice %concatenate3A_1303 {offsets = [1350, 0], sizes = [50, 200], strides = [1, 1]} : vector<1600x200xbf16> to vector<50x200xbf16>
    %dot_general3A_1413 = arith.constant dense<0.000000e+00> : vector<50x64xf32>
    %dot_general3A_1414 = tpu.matmul %slice3A_1412, %mul3A_1199, %dot_general3A_1413 {dimension_numbers = #tpu.dot_dimension_numbers<[1], [0], [0], [1], [0, 0, 1, 1], [], []>, transpose_lhs_hint = false} : vector<50x200xbf16>, vector<200x64xbf16>, vector<50x64xf32> -> vector<50x64xf32>
    %convert_element_type3A_1415 = arith.truncf %dot_general3A_1414 : vector<50x64xf32> to vector<50x64xbf16>
    %slice3A_1416 = vector.extract_strided_slice %concatenate3A_1303 {offsets = [1400, 0], sizes = [50, 200], strides = [1, 1]} : vector<1600x200xbf16> to vector<50x200xbf16>
    %dot_general3A_1417 = arith.constant dense<0.000000e+00> : vector<50x64xf32>
    %dot_general3A_1418 = tpu.matmul %slice3A_1416, %mul3A_1209, %dot_general3A_1417 {dimension_numbers = #tpu.dot_dimension_numbers<[1], [0], [0], [1], [0, 0, 1, 1], [], []>, transpose_lhs_hint = false} : vector<50x200xbf16>, vector<200x64xbf16>, vector<50x64xf32> -> vector<50x64xf32>
    %convert_element_type3A_1419 = arith.truncf %dot_general3A_1418 : vector<50x64xf32> to vector<50x64xbf16>
    %slice3A_1420 = vector.extract_strided_slice %concatenate3A_1303 {offsets = [1450, 0], sizes = [50, 200], strides = [1, 1]} : vector<1600x200xbf16> to vector<50x200xbf16>
    %dot_general3A_1421 = arith.constant dense<0.000000e+00> : vector<50x64xf32>
    %dot_general3A_1422 = tpu.matmul %slice3A_1420, %mul3A_1219, %dot_general3A_1421 {dimension_numbers = #tpu.dot_dimension_numbers<[1], [0], [0], [1], [0, 0, 1, 1], [], []>, transpose_lhs_hint = false} : vector<50x200xbf16>, vector<200x64xbf16>, vector<50x64xf32> -> vector<50x64xf32>
    %convert_element_type3A_1423 = arith.truncf %dot_general3A_1422 : vector<50x64xf32> to vector<50x64xbf16>
    %slice3A_1424 = vector.extract_strided_slice %concatenate3A_1303 {offsets = [1500, 0], sizes = [50, 200], strides = [1, 1]} : vector<1600x200xbf16> to vector<50x200xbf16>
    %dot_general3A_1425 = arith.constant dense<0.000000e+00> : vector<50x64xf32>
    %dot_general3A_1426 = tpu.matmul %slice3A_1424, %mul3A_1229, %dot_general3A_1425 {dimension_numbers = #tpu.dot_dimension_numbers<[1], [0], [0], [1], [0, 0, 1, 1], [], []>, transpose_lhs_hint = false} : vector<50x200xbf16>, vector<200x64xbf16>, vector<50x64xf32> -> vector<50x64xf32>
    %convert_element_type3A_1427 = arith.truncf %dot_general3A_1426 : vector<50x64xf32> to vector<50x64xbf16>
    %slice3A_1428 = vector.extract_strided_slice %concatenate3A_1303 {offsets = [1550, 0], sizes = [50, 200], strides = [1, 1]} : vector<1600x200xbf16> to vector<50x200xbf16>
    %dot_general3A_1429 = arith.constant dense<0.000000e+00> : vector<50x64xf32>
    %dot_general3A_1430 = tpu.matmul %slice3A_1428, %mul3A_1239, %dot_general3A_1429 {dimension_numbers = #tpu.dot_dimension_numbers<[1], [0], [0], [1], [0, 0, 1, 1], [], []>, transpose_lhs_hint = false} : vector<50x200xbf16>, vector<200x64xbf16>, vector<50x64xf32> -> vector<50x64xf32>
    %convert_element_type3A_1431 = arith.truncf %dot_general3A_1430 : vector<50x64xf32> to vector<50x64xbf16>
    %concatenate3A_1432 = tpu.concatenate %convert_element_type3A_1307, %convert_element_type3A_1311, %convert_element_type3A_1315, %convert_element_type3A_1319, %convert_element_type3A_1323, %convert_element_type3A_1327, %convert_element_type3A_1331, %convert_element_type3A_1335, %convert_element_type3A_1339, %convert_element_type3A_1343, %convert_element_type3A_1347, %convert_element_type3A_1351, %convert_element_type3A_1355, %convert_element_type3A_1359, %convert_element_type3A_1363, %convert_element_type3A_1367, %convert_element_type3A_1371, %convert_element_type3A_1375, %convert_element_type3A_1379, %convert_element_type3A_1383, %convert_element_type3A_1387, %convert_element_type3A_1391, %convert_element_type3A_1395, %convert_element_type3A_1399, %convert_element_type3A_1403, %convert_element_type3A_1407, %convert_element_type3A_1411, %convert_element_type3A_1415, %convert_element_type3A_1419, %convert_element_type3A_1423, %convert_element_type3A_1427, %convert_element_type3A_1431 in 0 : vector<50x64xbf16>, vector<50x64xbf16>, vector<50x64xbf16>, vector<50x64xbf16>, vector<50x64xbf16>, vector<50x64xbf16>, vector<50x64xbf16>, vector<50x64xbf16>, vector<50x64xbf16>, vector<50x64xbf16>, vector<50x64xbf16>, vector<50x64xbf16>, vector<50x64xbf16>, vector<50x64xbf16>, vector<50x64xbf16>, vector<50x64xbf16>, vector<50x64xbf16>, vector<50x64xbf16>, vector<50x64xbf16>, vector<50x64xbf16>, vector<50x64xbf16>, vector<50x64xbf16>, vector<50x64xbf16>, vector<50x64xbf16>, vector<50x64xbf16>, vector<50x64xbf16>, vector<50x64xbf16>, vector<50x64xbf16>, vector<50x64xbf16>, vector<50x64xbf16>, vector<50x64xbf16>, vector<50x64xbf16> -> vector<1600x64xbf16>
    %get3A_1433 = arith.constant 0 : index
    %get3A_1434 = arith.constant 0 : index
    %get3A_1435 = vector.load %arg31[%get3A_1433, %get3A_1434] : memref<64x64xf32, #tpu.memory_space<vmem>>, vector<64x64xf32>
    %convert_element_type3A_1436 = arith.truncf %get3A_1435 : vector<64x64xf32> to vector<64x64xbf16>
    %dot_general3A_1437 = arith.constant dense<0.000000e+00> : vector<1600x64xf32>
    %dot_general3A_1438 = tpu.matmul %concatenate3A_1432, %convert_element_type3A_1436, %dot_general3A_1437 {dimension_numbers = #tpu.dot_dimension_numbers<[1], [0], [0], [1], [0, 0, 1, 1], [], []>, transpose_lhs_hint = false} : vector<1600x64xbf16>, vector<64x64xbf16>, vector<1600x64xf32> -> vector<1600x64xf32>
    %convert_element_type3A_1439 = arith.truncf %dot_general3A_1438 : vector<1600x64xf32> to vector<1600x64xbf16>
    %get3A_1440 = arith.constant 0 : index
    %get3A_1441 = arith.constant 0 : index
    %get3A_1442 = vector.load %arg32[%get3A_1440, %get3A_1441] : memref<1x64xf32, #tpu.memory_space<vmem>>, vector<1x64xf32>
    %convert_element_type3A_1443 = arith.truncf %get3A_1442 : vector<1x64xf32> to vector<1x64xbf16>
    %add3A_1444 = vector.broadcast %convert_element_type3A_1443 : vector<1x64xbf16> to vector<1600x64xbf16>
    %add3A_1445 = arith.addf %convert_element_type3A_1439, %add3A_1444 : vector<1600x64xbf16>
    %add3A_1446 = arith.addf %add3A_910, %add3A_1445 : vector<1600x64xbf16>
    %get3A_1447 = arith.constant 0 : index
    %get3A_1448 = arith.constant 0 : index
    %get3A_1449 = vector.load %arg33[%get3A_1447, %get3A_1448] : memref<1x64xf32, #tpu.memory_space<vmem>>, vector<1x64xf32>
    %convert_element_type3A_1450 = arith.truncf %get3A_1449 : vector<1x64xf32> to vector<1x64xbf16>
    %get3A_1451 = arith.constant 0 : index
    %get3A_1452 = arith.constant 0 : index
    %get3A_1453 = vector.load %arg34[%get3A_1451, %get3A_1452] : memref<1x64xf32, #tpu.memory_space<vmem>>, vector<1x64xf32>
    %convert_element_type3A_1454 = arith.truncf %get3A_1453 : vector<1x64xf32> to vector<1x64xbf16>
    %convert_element_type3A_1455 = arith.extf %add3A_1446 : vector<1600x64xbf16> to vector<1600x64xf32>
    %reduce_sum3A_1456 = arith.constant dense<0.000000e+00> : vector<1600xf32>
    %reduce_sum3A_1457 = vector.multi_reduction <add>, %convert_element_type3A_1455, %reduce_sum3A_1456 [1] : vector<1600x64xf32> to vector<1600xf32>
    %broadcast_in_dim3A_1458 = vector.shape_cast %reduce_sum3A_1457 : vector<1600xf32> to vector<1600x1xf32>
    %div3A_1459 = arith.constant 6.400000e+01 : f32
    %div3A_1460 = vector.broadcast %div3A_1459 : f32 to vector<1600x1xf32>
    %div3A_1461 = arith.divf %broadcast_in_dim3A_1458, %div3A_1460 : vector<1600x1xf32>
    %convert_element_type3A_1462 = arith.truncf %div3A_1461 : vector<1600x1xf32> to vector<1600x1xbf16>
    %sub3A_1463 = vector.broadcast %convert_element_type3A_1462 : vector<1600x1xbf16> to vector<1600x64xbf16>
    %sub3A_1464 = arith.subf %add3A_1446, %sub3A_1463 : vector<1600x64xbf16>
    %integer_pow3A_1465 = arith.mulf %sub3A_1464, %sub3A_1464 : vector<1600x64xbf16>
    %convert_element_type3A_1466 = arith.extf %integer_pow3A_1465 : vector<1600x64xbf16> to vector<1600x64xf32>
    %reduce_sum3A_1467 = arith.constant dense<0.000000e+00> : vector<1600xf32>
    %reduce_sum3A_1468 = vector.multi_reduction <add>, %convert_element_type3A_1466, %reduce_sum3A_1467 [1] : vector<1600x64xf32> to vector<1600xf32>
    %broadcast_in_dim3A_1469 = vector.shape_cast %reduce_sum3A_1468 : vector<1600xf32> to vector<1600x1xf32>
    %div3A_1470 = arith.constant 6.400000e+01 : f32
    %div3A_1471 = vector.broadcast %div3A_1470 : f32 to vector<1600x1xf32>
    %div3A_1472 = arith.divf %broadcast_in_dim3A_1469, %div3A_1471 : vector<1600x1xf32>
    %convert_element_type3A_1473 = arith.truncf %div3A_1472 : vector<1600x1xf32> to vector<1600x1xbf16>
    %sub3A_1474 = vector.broadcast %convert_element_type3A_1462 : vector<1600x1xbf16> to vector<1600x64xbf16>
    %sub3A_1475 = arith.subf %add3A_1446, %sub3A_1474 : vector<1600x64xbf16>
    %add3A_1476 = arith.constant 1.001360e-05 : bf16
    %add3A_1477 = vector.broadcast %add3A_1476 : bf16 to vector<1600x1xbf16>
    %add3A_1478 = arith.addf %convert_element_type3A_1473, %add3A_1477 : vector<1600x1xbf16>
    %sqrt3A_1479 = math.sqrt %add3A_1478 : vector<1600x1xbf16>
    %div3A_1480 = vector.broadcast %sqrt3A_1479 : vector<1600x1xbf16> to vector<1600x64xbf16>
    %div3A_1481 = arith.divf %sub3A_1475, %div3A_1480 : vector<1600x64xbf16>
    %mul3A_1482 = vector.broadcast %convert_element_type3A_1450 : vector<1x64xbf16> to vector<1600x64xbf16>
    %mul3A_1483 = arith.mulf %div3A_1481, %mul3A_1482 : vector<1600x64xbf16>
    %add3A_1484 = vector.broadcast %convert_element_type3A_1454 : vector<1x64xbf16> to vector<1600x64xbf16>
    %add3A_1485 = arith.addf %mul3A_1483, %add3A_1484 : vector<1600x64xbf16>
    %get3A_1486 = arith.constant 0 : index
    %get3A_1487 = arith.constant 0 : index
    %get3A_1488 = vector.load %arg35[%get3A_1486, %get3A_1487] : memref<64x128xf32, #tpu.memory_space<vmem>>, vector<64x128xf32>
    %convert_element_type3A_1489 = arith.truncf %get3A_1488 : vector<64x128xf32> to vector<64x128xbf16>
    %dot_general3A_1490 = arith.constant dense<0.000000e+00> : vector<1600x128xf32>
    %dot_general3A_1491 = tpu.matmul %add3A_1485, %convert_element_type3A_1489, %dot_general3A_1490 {dimension_numbers = #tpu.dot_dimension_numbers<[1], [0], [0], [1], [0, 0, 1, 1], [], []>, transpose_lhs_hint = false} : vector<1600x64xbf16>, vector<64x128xbf16>, vector<1600x128xf32> -> vector<1600x128xf32>
    %convert_element_type3A_1492 = arith.truncf %dot_general3A_1491 : vector<1600x128xf32> to vector<1600x128xbf16>
    %get3A_1493 = arith.constant 0 : index
    %get3A_1494 = arith.constant 0 : index
    %get3A_1495 = vector.load %arg36[%get3A_1493, %get3A_1494] : memref<1x128xf32, #tpu.memory_space<vmem>>, vector<1x128xf32>
    %convert_element_type3A_1496 = arith.truncf %get3A_1495 : vector<1x128xf32> to vector<1x128xbf16>
    %add3A_1497 = vector.broadcast %convert_element_type3A_1496 : vector<1x128xbf16> to vector<1600x128xbf16>
    %add3A_1498 = arith.addf %convert_element_type3A_1492, %add3A_1497 : vector<1600x128xbf16>
    %max3A_1499 = arith.constant 0.000000e+00 : bf16
    %max3A_1500 = vector.broadcast %max3A_1499 : bf16 to vector<1600x128xbf16>
    %max3A_1501 = arith.maximumf %add3A_1498, %max3A_1500 : vector<1600x128xbf16>
    %get3A_1502 = arith.constant 0 : index
    %get3A_1503 = arith.constant 0 : index
    %get3A_1504 = vector.load %arg37[%get3A_1502, %get3A_1503] : memref<128x64xf32, #tpu.memory_space<vmem>>, vector<128x64xf32>
    %convert_element_type3A_1505 = arith.truncf %get3A_1504 : vector<128x64xf32> to vector<128x64xbf16>
    %dot_general3A_1506 = arith.constant dense<0.000000e+00> : vector<1600x64xf32>
    %dot_general3A_1507 = tpu.matmul %max3A_1501, %convert_element_type3A_1505, %dot_general3A_1506 {dimension_numbers = #tpu.dot_dimension_numbers<[1], [0], [0], [1], [0, 0, 1, 1], [], []>, transpose_lhs_hint = false} : vector<1600x128xbf16>, vector<128x64xbf16>, vector<1600x64xf32> -> vector<1600x64xf32>
    %convert_element_type3A_1508 = arith.truncf %dot_general3A_1507 : vector<1600x64xf32> to vector<1600x64xbf16>
    %get3A_1509 = arith.constant 0 : index
    %get3A_1510 = arith.constant 0 : index
    %get3A_1511 = vector.load %arg38[%get3A_1509, %get3A_1510] : memref<1x64xf32, #tpu.memory_space<vmem>>, vector<1x64xf32>
    %convert_element_type3A_1512 = arith.truncf %get3A_1511 : vector<1x64xf32> to vector<1x64xbf16>
    %add3A_1513 = vector.broadcast %convert_element_type3A_1512 : vector<1x64xbf16> to vector<1600x64xbf16>
    %add3A_1514 = arith.addf %convert_element_type3A_1508, %add3A_1513 : vector<1600x64xbf16>
    %add3A_1515 = arith.addf %add3A_1485, %add3A_1514 : vector<1600x64xbf16>
    %get3A_1516 = arith.constant 0 : index
    %get3A_1517 = arith.constant 0 : index
    %get3A_1518 = vector.load %arg39[%get3A_1516, %get3A_1517] : memref<1x64xf32, #tpu.memory_space<vmem>>, vector<1x64xf32>
    %convert_element_type3A_1519 = arith.truncf %get3A_1518 : vector<1x64xf32> to vector<1x64xbf16>
    %get3A_1520 = arith.constant 0 : index
    %get3A_1521 = arith.constant 0 : index
    %get3A_1522 = vector.load %arg40[%get3A_1520, %get3A_1521] : memref<1x64xf32, #tpu.memory_space<vmem>>, vector<1x64xf32>
    %convert_element_type3A_1523 = arith.truncf %get3A_1522 : vector<1x64xf32> to vector<1x64xbf16>
    %convert_element_type3A_1524 = arith.extf %add3A_1515 : vector<1600x64xbf16> to vector<1600x64xf32>
    %reduce_sum3A_1525 = arith.constant dense<0.000000e+00> : vector<1600xf32>
    %reduce_sum3A_1526 = vector.multi_reduction <add>, %convert_element_type3A_1524, %reduce_sum3A_1525 [1] : vector<1600x64xf32> to vector<1600xf32>
    %broadcast_in_dim3A_1527 = vector.shape_cast %reduce_sum3A_1526 : vector<1600xf32> to vector<1600x1xf32>
    %div3A_1528 = arith.constant 6.400000e+01 : f32
    %div3A_1529 = vector.broadcast %div3A_1528 : f32 to vector<1600x1xf32>
    %div3A_1530 = arith.divf %broadcast_in_dim3A_1527, %div3A_1529 : vector<1600x1xf32>
    %convert_element_type3A_1531 = arith.truncf %div3A_1530 : vector<1600x1xf32> to vector<1600x1xbf16>
    %sub3A_1532 = vector.broadcast %convert_element_type3A_1531 : vector<1600x1xbf16> to vector<1600x64xbf16>
    %sub3A_1533 = arith.subf %add3A_1515, %sub3A_1532 : vector<1600x64xbf16>
    %integer_pow3A_1534 = arith.mulf %sub3A_1533, %sub3A_1533 : vector<1600x64xbf16>
    %convert_element_type3A_1535 = arith.extf %integer_pow3A_1534 : vector<1600x64xbf16> to vector<1600x64xf32>
    %reduce_sum3A_1536 = arith.constant dense<0.000000e+00> : vector<1600xf32>
    %reduce_sum3A_1537 = vector.multi_reduction <add>, %convert_element_type3A_1535, %reduce_sum3A_1536 [1] : vector<1600x64xf32> to vector<1600xf32>
    %broadcast_in_dim3A_1538 = vector.shape_cast %reduce_sum3A_1537 : vector<1600xf32> to vector<1600x1xf32>
    %div3A_1539 = arith.constant 6.400000e+01 : f32
    %div3A_1540 = vector.broadcast %div3A_1539 : f32 to vector<1600x1xf32>
    %div3A_1541 = arith.divf %broadcast_in_dim3A_1538, %div3A_1540 : vector<1600x1xf32>
    %convert_element_type3A_1542 = arith.truncf %div3A_1541 : vector<1600x1xf32> to vector<1600x1xbf16>
    %sub3A_1543 = vector.broadcast %convert_element_type3A_1531 : vector<1600x1xbf16> to vector<1600x64xbf16>
    %sub3A_1544 = arith.subf %add3A_1515, %sub3A_1543 : vector<1600x64xbf16>
    %add3A_1545 = arith.constant 1.001360e-05 : bf16
    %add3A_1546 = vector.broadcast %add3A_1545 : bf16 to vector<1600x1xbf16>
    %add3A_1547 = arith.addf %convert_element_type3A_1542, %add3A_1546 : vector<1600x1xbf16>
    %sqrt3A_1548 = math.sqrt %add3A_1547 : vector<1600x1xbf16>
    %div3A_1549 = vector.broadcast %sqrt3A_1548 : vector<1600x1xbf16> to vector<1600x64xbf16>
    %div3A_1550 = arith.divf %sub3A_1544, %div3A_1549 : vector<1600x64xbf16>
    %mul3A_1551 = vector.broadcast %convert_element_type3A_1519 : vector<1x64xbf16> to vector<1600x64xbf16>
    %mul3A_1552 = arith.mulf %div3A_1550, %mul3A_1551 : vector<1600x64xbf16>
    %add3A_1553 = vector.broadcast %convert_element_type3A_1523 : vector<1x64xbf16> to vector<1600x64xbf16>
    %add3A_1554 = arith.addf %mul3A_1552, %add3A_1553 : vector<1600x64xbf16>
    %convert_element_type3A_1555 = arith.extf %add3A_1554 : vector<1600x64xbf16> to vector<1600x64xf32>
    %reshape3A_1556 = vector.shape_cast %convert_element_type3A_1555 : vector<1600x64xf32> to vector<32x50x64xf32>
    %reduce_sum3A_1557 = arith.constant dense<0.000000e+00> : vector<32x64xf32>
    %reduce_sum3A_1558 = vector.multi_reduction <add>, %reshape3A_1556, %reduce_sum3A_1557 [1] : vector<32x50x64xf32> to vector<32x64xf32>
    %div3A_1559 = arith.constant 5.000000e+01 : f32
    %div3A_1560 = vector.broadcast %div3A_1559 : f32 to vector<32x64xf32>
    %div3A_1561 = arith.divf %reduce_sum3A_1558, %div3A_1560 : vector<32x64xf32>
    %concatenate3A_1562 = tpu.concatenate %get3A_1, %reduce_sum3A_124, %add3A_197, %div3A_1561 in 1 : vector<32x64xf32>, vector<32x64xf32>, vector<32x64xf32>, vector<32x64xf32> -> vector<32x256xf32>
    %get3A_1563 = arith.constant 0 : index
    %get3A_1564 = arith.constant 0 : index
    %get3A_1565 = vector.load %arg41[%get3A_1563, %get3A_1564] : memref<256x256xf32, #tpu.memory_space<vmem>>, vector<256x256xf32>
    %dot_general3A_1566 = arith.constant dense<0.000000e+00> : vector<32x256xf32>
    %dot_general3A_1567 = tpu.matmul %concatenate3A_1562, %get3A_1565, %dot_general3A_1566 {dimension_numbers = #tpu.dot_dimension_numbers<[1], [0], [0], [1], [0, 0, 1, 1], [], []>, transpose_lhs_hint = false} : vector<32x256xf32>, vector<256x256xf32>, vector<32x256xf32> -> vector<32x256xf32>
    %get3A_1568 = arith.constant 0 : index
    %get3A_1569 = arith.constant 0 : index
    %get3A_1570 = vector.load %arg42[%get3A_1568, %get3A_1569] : memref<1x256xf32, #tpu.memory_space<vmem>>, vector<1x256xf32>
    %add3A_1571 = vector.broadcast %get3A_1570 : vector<1x256xf32> to vector<32x256xf32>
    %add3A_1572 = arith.addf %dot_general3A_1567, %add3A_1571 : vector<32x256xf32>
    %max3A_1573 = arith.constant 0.000000e+00 : f32
    %max3A_1574 = vector.broadcast %max3A_1573 : f32 to vector<32x256xf32>
    %max3A_1575 = arith.maximumf %add3A_1572, %max3A_1574 : vector<32x256xf32>
    %get3A_1576 = arith.constant 0 : index
    %get3A_1577 = arith.constant 0 : index
    %get3A_1578 = vector.load %arg43[%get3A_1576, %get3A_1577] : memref<256x128xf32, #tpu.memory_space<vmem>>, vector<256x128xf32>
    %dot_general3A_1579 = arith.constant dense<0.000000e+00> : vector<32x128xf32>
    %dot_general3A_1580 = tpu.matmul %max3A_1575, %get3A_1578, %dot_general3A_1579 {dimension_numbers = #tpu.dot_dimension_numbers<[1], [0], [0], [1], [0, 0, 1, 1], [], []>, transpose_lhs_hint = false} : vector<32x256xf32>, vector<256x128xf32>, vector<32x128xf32> -> vector<32x128xf32>
    %get3A_1581 = arith.constant 0 : index
    %get3A_1582 = arith.constant 0 : index
    %get3A_1583 = vector.load %arg44[%get3A_1581, %get3A_1582] : memref<1x128xf32, #tpu.memory_space<vmem>>, vector<1x128xf32>
    %add3A_1584 = vector.broadcast %get3A_1583 : vector<1x128xf32> to vector<32x128xf32>
    %add3A_1585 = arith.addf %dot_general3A_1580, %add3A_1584 : vector<32x128xf32>
    %max3A_1586 = arith.constant 0.000000e+00 : f32
    %max3A_1587 = vector.broadcast %max3A_1586 : f32 to vector<32x128xf32>
    %max3A_1588 = arith.maximumf %add3A_1585, %max3A_1587 : vector<32x128xf32>
    %get3A_1589 = arith.constant 0 : index
    %get3A_1590 = arith.constant 0 : index
    %get3A_1591 = vector.load %arg45[%get3A_1589, %get3A_1590] : memref<128x1xf32, #tpu.memory_space<vmem>>, vector<128x1xf32>
    %dot_general3A_1592 = arith.constant dense<0.000000e+00> : vector<32x1xf32>
    %dot_general3A_1593 = tpu.matmul %max3A_1588, %get3A_1591, %dot_general3A_1592 {dimension_numbers = #tpu.dot_dimension_numbers<[1], [0], [0], [1], [0, 0, 1, 1], [], []>, transpose_lhs_hint = false} : vector<32x128xf32>, vector<128x1xf32>, vector<32x1xf32> -> vector<32x1xf32>
    %get3A_1594 = arith.constant 0 : index
    %get3A_1595 = arith.constant 0 : index
    %get3A_1596 = vector.load %arg46[%get3A_1594, %get3A_1595] : memref<1x1xf32, #tpu.memory_space<vmem>>, vector<1x1xf32>
    %add3A_1597 = vector.broadcast %get3A_1596 : vector<1x1xf32> to vector<32x1xf32>
    %add3A_1598 = arith.addf %dot_general3A_1593, %add3A_1597 : vector<32x1xf32>
    %swap3A = arith.constant 0 : index
    %swap3A_1599 = arith.constant 0 : index
    %swap3A_1600 = vector.load %arg47[%swap3A, %swap3A_1599] : memref<32x1xf32, #tpu.memory_space<vmem>>, vector<32x1xf32>
    tpu.vector_store %arg47[%swap3A, %swap3A_1599], %add3A_1598 {strides = array<i32>} : memref<32x1xf32, #tpu.memory_space<vmem>>, vector<32x1xf32>,
    return
  }
  func.func @transform_0(%arg0: i32) -> (i32, i32) {
    %c0_i32 = arith.constant 0 : i32
    %c0_i32_0 = arith.constant 0 : i32
    return %arg0, %c0_i32 : i32, i32
  }
  func.func @transform_1(%arg0: i32) -> (i32, i32, i32) {
    %c0_i32 = arith.constant 0 : i32
    %c0_i32_0 = arith.constant 0 : i32
    %c0_i32_1 = arith.constant 0 : i32
    return %arg0, %c0_i32, %c0_i32_0 : i32, i32, i32
  }
  func.func @transform_2(%arg0: i32) -> (i32, i32, i32) {
    %c0_i32 = arith.constant 0 : i32
    %c0_i32_0 = arith.constant 0 : i32
    %c0_i32_1 = arith.constant 0 : i32
    return %arg0, %c0_i32, %c0_i32_0 : i32, i32, i32
  }
  func.func @transform_3(%arg0: i32) -> (i32, i32) {
    %c0_i32 = arith.constant 0 : i32
    %c0_i32_0 = arith.constant 0 : i32
    return %arg0, %c0_i32 : i32, i32
  }
  func.func @transform_4(%arg0: i32) -> (i32, i32) {
    %c0_i32 = arith.constant 0 : i32
    %c0_i32_0 = arith.constant 0 : i32
    return %arg0, %c0_i32 : i32, i32
  }
  func.func @transform_5(%arg0: i32) -> (i32, i32) {
    %c0_i32 = arith.constant 0 : i32
    %c0_i32_0 = arith.constant 0 : i32
    %c0_i32_1 = arith.constant 0 : i32
    return %c0_i32, %c0_i32_0 : i32, i32
  }
  func.func @transform_6(%arg0: i32) -> (i32, i32) {
    %c0_i32 = arith.constant 0 : i32
    %c0_i32_0 = arith.constant 0 : i32
    %c0_i32_1 = arith.constant 0 : i32
    return %c0_i32, %c0_i32_0 : i32, i32
  }
  func.func @transform_7(%arg0: i32) -> (i32, i32) {
    %c0_i32 = arith.constant 0 : i32
    %c0_i32_0 = arith.constant 0 : i32
    %c0_i32_1 = arith.constant 0 : i32
    return %c0_i32, %c0_i32_0 : i32, i32
  }
  func.func @transform_8(%arg0: i32) -> (i32, i32) {
    %c0_i32 = arith.constant 0 : i32
    %c0_i32_0 = arith.constant 0 : i32
    %c0_i32_1 = arith.constant 0 : i32
    return %c0_i32, %c0_i32_0 : i32, i32
  }
  func.func @transform_9(%arg0: i32) -> (i32, i32) {
    %c0_i32 = arith.constant 0 : i32
    %c0_i32_0 = arith.constant 0 : i32
    %c0_i32_1 = arith.constant 0 : i32
    return %c0_i32, %c0_i32_0 : i32, i32
  }
  func.func @transform_10(%arg0: i32) -> (i32, i32) {
    %c0_i32 = arith.constant 0 : i32
    %c0_i32_0 = arith.constant 0 : i32
    %c0_i32_1 = arith.constant 0 : i32
    return %c0_i32, %c0_i32_0 : i32, i32
  }
  func.func @transform_11(%arg0: i32) -> (i32, i32) {
    %c0_i32 = arith.constant 0 : i32
    %c0_i32_0 = arith.constant 0 : i32
    %c0_i32_1 = arith.constant 0 : i32
    return %c0_i32, %c0_i32_0 : i32, i32
  }
  func.func @transform_12(%arg0: i32) -> (i32, i32) {
    %c0_i32 = arith.constant 0 : i32
    %c0_i32_0 = arith.constant 0 : i32
    %c0_i32_1 = arith.constant 0 : i32
    return %c0_i32, %c0_i32_0 : i32, i32
  }
  func.func @transform_13(%arg0: i32) -> (i32, i32) {
    %c0_i32 = arith.constant 0 : i32
    %c0_i32_0 = arith.constant 0 : i32
    %c0_i32_1 = arith.constant 0 : i32
    return %c0_i32, %c0_i32_0 : i32, i32
  }
  func.func @transform_14(%arg0: i32) -> (i32, i32) {
    %c0_i32 = arith.constant 0 : i32
    %c0_i32_0 = arith.constant 0 : i32
    %c0_i32_1 = arith.constant 0 : i32
    return %c0_i32, %c0_i32_0 : i32, i32
  }
  func.func @transform_15(%arg0: i32) -> (i32, i32) {
    %c0_i32 = arith.constant 0 : i32
    %c0_i32_0 = arith.constant 0 : i32
    %c0_i32_1 = arith.constant 0 : i32
    return %c0_i32, %c0_i32_0 : i32, i32
  }
  func.func @transform_16(%arg0: i32) -> (i32, i32) {
    %c0_i32 = arith.constant 0 : i32
    %c0_i32_0 = arith.constant 0 : i32
    %c0_i32_1 = arith.constant 0 : i32
    return %c0_i32, %c0_i32_0 : i32, i32
  }
  func.func @transform_17(%arg0: i32) -> (i32, i32) {
    %c0_i32 = arith.constant 0 : i32
    %c0_i32_0 = arith.constant 0 : i32
    %c0_i32_1 = arith.constant 0 : i32
    return %c0_i32, %c0_i32_0 : i32, i32
  }
  func.func @transform_18(%arg0: i32) -> (i32, i32) {
    %c0_i32 = arith.constant 0 : i32
    %c0_i32_0 = arith.constant 0 : i32
    %c0_i32_1 = arith.constant 0 : i32
    return %c0_i32, %c0_i32_0 : i32, i32
  }
  func.func @transform_19(%arg0: i32) -> (i32, i32) {
    %c0_i32 = arith.constant 0 : i32
    %c0_i32_0 = arith.constant 0 : i32
    %c0_i32_1 = arith.constant 0 : i32
    return %c0_i32, %c0_i32_0 : i32, i32
  }
  func.func @transform_20(%arg0: i32) -> (i32, i32) {
    %c0_i32 = arith.constant 0 : i32
    %c0_i32_0 = arith.constant 0 : i32
    %c0_i32_1 = arith.constant 0 : i32
    return %c0_i32, %c0_i32_0 : i32, i32
  }
  func.func @transform_21(%arg0: i32) -> (i32, i32) {
    %c0_i32 = arith.constant 0 : i32
    %c0_i32_0 = arith.constant 0 : i32
    %c0_i32_1 = arith.constant 0 : i32
    return %c0_i32, %c0_i32_0 : i32, i32
  }
  func.func @transform_22(%arg0: i32) -> (i32, i32) {
    %c0_i32 = arith.constant 0 : i32
    %c0_i32_0 = arith.constant 0 : i32
    %c0_i32_1 = arith.constant 0 : i32
    return %c0_i32, %c0_i32_0 : i32, i32
  }
  func.func @transform_23(%arg0: i32) -> (i32, i32) {
    %c0_i32 = arith.constant 0 : i32
    %c0_i32_0 = arith.constant 0 : i32
    %c0_i32_1 = arith.constant 0 : i32
    return %c0_i32, %c0_i32_0 : i32, i32
  }
  func.func @transform_24(%arg0: i32) -> (i32, i32) {
    %c0_i32 = arith.constant 0 : i32
    %c0_i32_0 = arith.constant 0 : i32
    %c0_i32_1 = arith.constant 0 : i32
    return %c0_i32, %c0_i32_0 : i32, i32
  }
  func.func @transform_25(%arg0: i32) -> (i32, i32) {
    %c0_i32 = arith.constant 0 : i32
    %c0_i32_0 = arith.constant 0 : i32
    %c0_i32_1 = arith.constant 0 : i32
    return %c0_i32, %c0_i32_0 : i32, i32
  }
  func.func @transform_26(%arg0: i32) -> (i32, i32) {
    %c0_i32 = arith.constant 0 : i32
    %c0_i32_0 = arith.constant 0 : i32
    %c0_i32_1 = arith.constant 0 : i32
    return %c0_i32, %c0_i32_0 : i32, i32
  }
  func.func @transform_27(%arg0: i32) -> (i32, i32) {
    %c0_i32 = arith.constant 0 : i32
    %c0_i32_0 = arith.constant 0 : i32
    %c0_i32_1 = arith.constant 0 : i32
    return %c0_i32, %c0_i32_0 : i32, i32
  }
  func.func @transform_28(%arg0: i32) -> (i32, i32) {
    %c0_i32 = arith.constant 0 : i32
    %c0_i32_0 = arith.constant 0 : i32
    %c0_i32_1 = arith.constant 0 : i32
    return %c0_i32, %c0_i32_0 : i32, i32
  }
  func.func @transform_29(%arg0: i32) -> (i32, i32) {
    %c0_i32 = arith.constant 0 : i32
    %c0_i32_0 = arith.constant 0 : i32
    %c0_i32_1 = arith.constant 0 : i32
    return %c0_i32, %c0_i32_0 : i32, i32
  }
  func.func @transform_30(%arg0: i32) -> (i32, i32) {
    %c0_i32 = arith.constant 0 : i32
    %c0_i32_0 = arith.constant 0 : i32
    %c0_i32_1 = arith.constant 0 : i32
    return %c0_i32, %c0_i32_0 : i32, i32
  }
  func.func @transform_31(%arg0: i32) -> (i32, i32) {
    %c0_i32 = arith.constant 0 : i32
    %c0_i32_0 = arith.constant 0 : i32
    %c0_i32_1 = arith.constant 0 : i32
    return %c0_i32, %c0_i32_0 : i32, i32
  }
  func.func @transform_32(%arg0: i32) -> (i32, i32) {
    %c0_i32 = arith.constant 0 : i32
    %c0_i32_0 = arith.constant 0 : i32
    %c0_i32_1 = arith.constant 0 : i32
    return %c0_i32, %c0_i32_0 : i32, i32
  }
  func.func @transform_33(%arg0: i32) -> (i32, i32) {
    %c0_i32 = arith.constant 0 : i32
    %c0_i32_0 = arith.constant 0 : i32
    %c0_i32_1 = arith.constant 0 : i32
    return %c0_i32, %c0_i32_0 : i32, i32
  }
  func.func @transform_34(%arg0: i32) -> (i32, i32) {
    %c0_i32 = arith.constant 0 : i32
    %c0_i32_0 = arith.constant 0 : i32
    %c0_i32_1 = arith.constant 0 : i32
    return %c0_i32, %c0_i32_0 : i32, i32
  }
  func.func @transform_35(%arg0: i32) -> (i32, i32) {
    %c0_i32 = arith.constant 0 : i32
    %c0_i32_0 = arith.constant 0 : i32
    %c0_i32_1 = arith.constant 0 : i32
    return %c0_i32, %c0_i32_0 : i32, i32
  }
  func.func @transform_36(%arg0: i32) -> (i32, i32) {
    %c0_i32 = arith.constant 0 : i32
    %c0_i32_0 = arith.constant 0 : i32
    %c0_i32_1 = arith.constant 0 : i32
    return %c0_i32, %c0_i32_0 : i32, i32
  }
  func.func @transform_37(%arg0: i32) -> (i32, i32) {
    %c0_i32 = arith.constant 0 : i32
    %c0_i32_0 = arith.constant 0 : i32
    %c0_i32_1 = arith.constant 0 : i32
    return %c0_i32, %c0_i32_0 : i32, i32
  }
  func.func @transform_38(%arg0: i32) -> (i32, i32) {
    %c0_i32 = arith.constant 0 : i32
    %c0_i32_0 = arith.constant 0 : i32
    %c0_i32_1 = arith.constant 0 : i32
    return %c0_i32, %c0_i32_0 : i32, i32
  }
  func.func @transform_39(%arg0: i32) -> (i32, i32) {
    %c0_i32 = arith.constant 0 : i32
    %c0_i32_0 = arith.constant 0 : i32
    %c0_i32_1 = arith.constant 0 : i32
    return %c0_i32, %c0_i32_0 : i32, i32
  }
  func.func @transform_40(%arg0: i32) -> (i32, i32) {
    %c0_i32 = arith.constant 0 : i32
    %c0_i32_0 = arith.constant 0 : i32
    %c0_i32_1 = arith.constant 0 : i32
    return %c0_i32, %c0_i32_0 : i32, i32
  }
  func.func @transform_41(%arg0: i32) -> (i32, i32) {
    %c0_i32 = arith.constant 0 : i32
    %c0_i32_0 = arith.constant 0 : i32
    %c0_i32_1 = arith.constant 0 : i32
    return %c0_i32, %c0_i32_0 : i32, i32
  }
  func.func @transform_42(%arg0: i32) -> (i32, i32) {
    %c0_i32 = arith.constant 0 : i32
    %c0_i32_0 = arith.constant 0 : i32
    %c0_i32_1 = arith.constant 0 : i32
    return %c0_i32, %c0_i32_0 : i32, i32
  }
  func.func @transform_43(%arg0: i32) -> (i32, i32) {
    %c0_i32 = arith.constant 0 : i32
    %c0_i32_0 = arith.constant 0 : i32
    %c0_i32_1 = arith.constant 0 : i32
    return %c0_i32, %c0_i32_0 : i32, i32
  }
  func.func @transform_44(%arg0: i32) -> (i32, i32) {
    %c0_i32 = arith.constant 0 : i32
    %c0_i32_0 = arith.constant 0 : i32
    %c0_i32_1 = arith.constant 0 : i32
    return %c0_i32, %c0_i32_0 : i32, i32
  }
  func.func @transform_45(%arg0: i32) -> (i32, i32) {
    %c0_i32 = arith.constant 0 : i32
    %c0_i32_0 = arith.constant 0 : i32
    %c0_i32_1 = arith.constant 0 : i32
    return %c0_i32, %c0_i32_0 : i32, i32
  }
  func.func @transform_46(%arg0: i32) -> (i32, i32) {
    %c0_i32 = arith.constant 0 : i32
    %c0_i32_0 = arith.constant 0 : i32
    return %arg0, %c0_i32 : i32, i32
  }
}

</mosaic_0001>

<sc_bundles>
// kernel: kernel.4.cloned.1.call-start
scs
__scs_entry_jumppad:
0x0: {  	(pc) =	sbr.rel $0x88, $3  }
0x1: {  	(tag) =	ssettag $0x0;
	lr =	simm.s32 $0x1  }
0x2: {  	[smem:$0x3F72] =	sst lr;
	_ =	strace $0xD0000000  }
0x3: {  	_ = 	snop  }
0x4: {  	_ = 	snop  }
0x5: {  	_ = 	snop  }
0x6: {  	_ = 	snop  }
0x7: {  	_ = 	snop  }
__scs_overlays_trampoline_lowered:
0x8: {  	[smem:$0x3F81] =	sst s0  }
0x9: {  	[smem:$0x3F82] =	sst s1  }
0xa: {  	[smem:$0x3F83] =	sst s2  }
0xb: {  	[smem:$0x3F84] =	sst s3  }
0xc: {  	[smem:$0x3F85] =	sst s4  }
0xd: {  	[smem:$0x3F86] =	sst s5  }
0xe: {  	[smem:$0x3F87] =	sst s6  }
0xf: {  	[smem:$0x3F88] =	sst s7  }
0x10: {  	[smem:$0x3F89] =	sst s8  }
0x11: {  	[smem:$0x3F8A] =	sst s9;
	s0 =	simm.s32 @!p0 $0x0  }
0x12: {  	s1 =	sld [smem:$0x3F70];
	s0 =	simm.s32 @p0 $0x1  }
0x13: {  	[smem:$0x3F8B] =	sst s0;
	s0 =	simm.s32 @!p1 $0x0  }
0x14: {  	s2 =	sld [smem:$0x3F6F];
	s0 =	simm.s32 @p1 $0x1  }
0x15: {  	[smem:$0x3F8C] =	sst s0;
	s0 =	simm.s32 @!p2 $0x0  }
0x16: {  	s3 =	sld [smem:$0x3FDB];
	s0 =	simm.s32 @p2 $0x1  }
0x17: {  	s4 =	simm.s32 $0x1BF5;
	[smem:$0x3F8E] =	sst s0  }
0x18: {  	s0 =	sld [smem:$0x3F71];
	_ =	swait.ge [sflag:s4], $0x0  }
0x19: {  	s7 =	sld [smem:$0x3F72]  }
0x1a: {  	s8 =	sadd.s32 $0xFFFFE003, lr  }
0x1b: {  	s9 =	sadd.s32 $0xFFFFFEF7, lr;
	s5 =	simm.s32 $0xFFFFFFFF;
	p2 =	slt.u32 s8, $0xFFFFF086  }
0x1c: {  	p1 =	slt.u32 s9, $0xF7A;
	s5 =	simm.s32 @!p2 $0x0  }
0x1d: {  	s5 =	simm.s32 @p1 $0x1;
	p0 =	seq.s32 s7, s2  }
0x1e: {  	s7 =	smul.u32 @!p0 $0xF7A, s2;
	p2 =	seq.s32 @!p0 s5, $0x0  }
0x1f: {  	s9 =	smul.u32 $0xF7A, s1;
	s8 =	simm.s32 @!p0 $0x1BF5;
	p2 =	por !p2, p0  }
0x20: {  	[sflag:s8] =	ssyncset.s32 @!p0 $0xFFFFF086;
	s6 =	sadd.s32 @!p0 s3, s7;
	s7 =	simm.s32 @!p0 $0x108  }
0x21: {  	s3 =	sadd.s32 s3, s9;
	s6 =	sadd.s32 @!p0 $0x88, s6;
	s7 =	simm.s32 @p2 $0x1082  }
0x22: {  	[simem:s7], [sflag:s8] =	dma.local @!p0 [hbm:s6], $0xF7A  }
0x23: {  	s9 =	sor.u32 $0xD0000000, s2;
	s6 =	simm.s32 $0x108;
	_ =	swait.ge @!p0 [sflag:s8], $0x0  }
0x24: {  	s3 =	sadd.s32 $0x88, s3;
	s6 =	simm.s32 @!p1 $0x1082;
	[sflag:s4] =	ssyncset.s32 $0xFFFFF086  }
0x25: {  	[simem:s6], [sflag:s4] =	dma.local [hbm:s3], $0xF7A  }
0x26: {  	[smem:$0x3F72] =	sst s1;
	(tag) =	ssettag s2;
	_ =	strace s9  }
0x27: {  	s1 =	sld [smem:$0x3F82]  }
0x28: {  	s2 =	sld [smem:$0x3F83]  }
0x29: {  	s4 =	sld [smem:$0x3F85]  }
0x2a: {  	p0 =	seq.s32 s5, $0x0;
	s5 =	sld [smem:$0x3F86]  }
0x2b: {  	s6 =	sld [smem:$0x3F87]  }
0x2c: {  	s7 =	sld [smem:$0x3F88]  }
0x2d: {  	s3 =	simm.s32 $0x108;
	s8 =	sld [smem:$0x3F89]  }
0x2e: {  	s3 =	simm.s32 @!p0 $0x1082;
	s9 =	sld [smem:$0x3F8A]  }
0x2f: {  	lr =	sadd.s32 s0, s3;
	s0 =	sld [smem:$0x3F81]  }
0x30: {  	s3 =	sld [smem:$0x3F84]  }
0x31: {  	[smem:$0x3F8D] =	sst s10  }
0x32: {  	s10 =	sld [smem:$0x3F8B];
	_ =	sdelay $0x3  }
0x33: {  	p0 =	seq.s32 s10, $0x1;
	s10 =	sld [smem:$0x3F8D];
	_ =	sdelay $0x3  }
0x34: {  	[smem:$0x3F8D] =	sst s10  }
0x35: {  	s10 =	sld [smem:$0x3F8C];
	_ =	sdelay $0x3  }
0x36: {  	p1 =	seq.s32 s10, $0x1;
	s10 =	sld [smem:$0x3F8D];
	_ =	sdelay $0x3  }
0x37: {  	[smem:$0x3F8D] =	sst s10  }
0x38: {  	s10 =	sld [smem:$0x3F8E]  }
0x39: {  	_ = 	snop;
	(pc) =	sbr.ind lr, $3  }
0x3a: {  	_ = 	snop  }
0x3b: {  	_ = 	snop  }
0x3c: {  	p2 =	seq.s32 s10, $0x1;
	s10 =	sld [smem:$0x3F8D]  }
0x3d: {  	_ =	shalt  }
0x3e: {  	_ =	shalt  }
0x3f: {  	_ =	shalt  }
0x40: {  	_ =	shalt  }
0x41: {  	_ =	shalt  }
0x42: {  	_ =	shalt  }
0x43: {  	_ =	shalt  }
0x44: {  	_ =	shalt  }
0x45: {  	_ =	shalt  }
0x46: {  	_ =	shalt  }
0x47: {  	_ =	shalt  }
0x48: {  	_ =	shalt  }
0x49: {  	_ =	shalt  }
0x4a: {  	_ =	shalt  }
0x4b: {  	_ =	shalt  }
0x4c: {  	_ =	shalt  }
0x4d: {  	_ =	shalt  }
0x4e: {  	_ =	shalt  }
0x4f: {  	_ =	shalt  }
0x50: {  	_ =	shalt  }
0x51: {  	_ =	shalt  }
0x52: {  	_ =	shalt  }
0x53: {  	_ =	shalt  }
0x54: {  	_ =	shalt  }
0x55: {  	_ =	shalt  }
0x56: {  	_ =	shalt  }
0x57: {  	_ =	shalt  }
0x58: {  	_ =	shalt  }
0x59: {  	_ =	shalt  }
0x5a: {  	_ =	shalt  }
0x5b: {  	_ =	shalt  }
0x5c: {  	_ =	shalt  }
0x5d: {  	_ =	shalt  }
0x5e: {  	_ =	shalt  }
0x5f: {  	_ =	shalt  }
0x60: {  	_ =	shalt  }
0x61: {  	_ =	shalt  }
0x62: {  	_ =	shalt  }
0x63: {  	_ =	shalt  }
0x64: {  	_ =	shalt  }
0x65: {  	_ =	shalt  }
0x66: {  	_ =	shalt  }
0x67: {  	_ =	shalt  }
0x68: {  	_ =	shalt  }
0x69: {  	_ =	shalt  }
0x6a: {  	_ =	shalt  }
0x6b: {  	_ =	shalt  }
0x6c: {  	_ =	shalt  }
0x6d: {  	_ =	shalt  }
0x6e: {  	_ =	shalt  }
0x6f: {  	_ =	shalt  }
0x70: {  	_ =	shalt  }
0x71: {  	_ =	shalt  }
0x72: {  	_ =	shalt  }
0x73: {  	_ =	shalt  }
0x74: {  	_ =	shalt  }
0x75: {  	_ =	shalt  }
0x76: {  	_ =	shalt  }
0x77: {  	_ =	shalt  }
0x78: {  	_ =	shalt  }
0x79: {  	_ =	shalt  }
0x7a: {  	_ =	shalt  }
0x7b: {  	_ =	shalt  }
0x7c: {  	_ =	shalt  }
0x7d: {  	_ =	shalt  }
0x7e: {  	_ =	shalt  }
0x7f: {  	_ =	shalt  }
0x80: {  	_ =	shalt  }
0x81: {  	_ =	shalt  }
0x82: {  	_ =	shalt  }
0x83: {  	_ =	shalt  }
0x84: {  	_ =	shalt  }
0x85: {  	_ =	shalt  }
0x86: {  	_ =	shalt  }
0x87: {  	_ =	shalt  }
.Lfunc_end0:
.L_simem_size_0:
called_computation.1_lowered:
.L_overlay_start_0:
0x88: {  	s2 =	sld [smem:$0x3FD9]  }
0x89: {  	s3 =	sld [smem:$0x3FFE];
	_ =	sdelay $0x1  }
0x8a: {  	s1 =	srdreg.scid  }
0x8b: {  	s0 =	sand.u32 $0x1, s1  }
0x8c: {  	s16 =	sshll.u32 s0, $0xA;
	s2 =	sadd.s32 s3, s2  }
0x8d: {  	s2 =	sadd.s32 s2, s16  }
0x8e: {  	[smem:$0x3F99] =	sst s2  }
0x8f: {  	_ = 	snop  }
0x90: {  	(tm) =	ssettm $0x1  }
0x91: {  	s17 =	sld [smem:$0x3FFB];
	_ =	sdelay $0x3  }
0x92: {  	_ =	strace s17  }
0x93: {  	s2 =	sld [smem:$0x3FFC];
	_ =	sdelay $0x3  }
0x94: {  	_ =	strace s2  }
0x95: {  	s2 =	sld [smem:$0x3FFD];
	_ =	sdelay $0x3  }
0x96: {  	_ =	strace s2  }
0x97: {  	_ =	strace $0x8FFFFFFF  }
0x98: {  	s18 =	sld [smem:$0x3FDB];
	_ =	sdelay $0x1  }
0x99: {  	s19 =	simm.s32 $_scs_section_size  }
0x9a: {  	s4 =	simm.s32 $_size__tile_overlayer_lowered;
	s5 =	simm.s32 $_tile_overlayer_lowered  }
0x9b: {  	s22 =	simm.s32 $0x1BFF;
	s21 =	sshll.u32 s5, $0x1;
	s2 =	sadd.s32 s19, s18  }
0x9c: {  	s6 =	simm.s32 $0x0;
	s20 =	sshll.u32 s4, $0x1;
	s4 =	sadd.s32 s21, s2  }
0x9d: {  	[timem:s6], [sflag:s22] =	dma.local [hbm:s4], s20  }
0x9e: {  	_ =	swait.ge [sflag:s22], s20  }
0x9f: {  	s3 =	ssub.s32 $0x0, s20;
	[sflag:s22] =	ssyncset.done $0x0  }
0xa0: {  	[sflag:s22] =	ssyncadd.s32 s3;
	_ =	sdelay $0x1  }
0xa1: {  	s23 =	simm.s32 $0x1B8B  }
0xa2: {  	_ =	swait.ge [sflag:s23], $0x1  }
0xa3: {  	[sflag:s23] =	ssyncset.done $0x0  }
0xa4: {  	s25 =	simm.s32 $0x1B8E;
	s24 =	sld [smem:$0x3FFE];
	[sflag:s23] =	ssyncadd.s32 $0xFFFFFFFF  }
0xa5: {  	s26 =	simm.s32 $execute0_lowered;
	[smem:$0x3FD2] =	sst s25  }
0xa6: {  	s4 =	sshll.u32 s26, $0x1;
	_ =	strace $0x80000049;
	[dreg:$0x1] =	wrdreg $0xFFFFFFFF  }
0xa7: {  	s28 =	simm.s32 $_size_execute0_lowered;
	s2 =	sadd.s32 s2, s4;
	[dreg:$0x0] =	wrdreg $0x0  }
0xa8: {  	s4 =	sshll.u32 s28, $0x1;
	[dreg:$0x2] =	wrdreg s2  }
0xa9: {  	[dreg:$0x3] =	wrdreg s4  }
0xaa: {  	[dreg:$0x4] =	wrdreg $0xC0  }
0xab: {  	_ =	task [dreg:s6], $0x5FFFF  }
0xac: {  	[dreg:$0x1] =	wrdreg $0xFFFFFFFF  }
0xad: {  	[dreg:$0x0] =	wrdreg $0x60  }
0xae: {  	[dreg:$0x2] =	wrdreg s24  }
0xaf: {  	[dreg:$0x3] =	wrdreg $0x9  }
0xb0: {  	_ =	task.clear_ibuf [dreg:s6], $0x4FFFF;
	_ =	strace $0x90000049  }
0xb1: {  	s29 =	simm.s32 $0x9;
	_ =	strace $0x8000004B  }
0xb2: {  	_ =	swait.ge [sflag:s29], $0x1  }
0xb3: {  	[sflag:s29] =	ssyncadd.s32 $0xFFFFFFFF  }
0xb4: {  	_ =	strace $0x9000004B  }
0xb5: {  	_ =	sfence  }
0xb6: {  	s30 =	sld [smem:$0x0];
	_ =	sdelay $0x2  }
0xb7: {  	s31 =	sshll.u32 s1, $0xD;
	s1 =	sshrl.u32 s1, $0x2  }
0xb8: {  	s3 =	sand.u32 $0x4000, s31;
	s1 =	sadd.s32 s1, s30  }
0xb9: {  	s0 =	sor.u32 s3, s0;
	s1 =	sshll.u32 s1, $0x11  }
0xba: {  	s0 =	sor.u32 s1, s0  }
0xbb: {  	s0 =	sadd.s32 $0x8F2B, s0  }
0xbc: {  	[sflag:s0] =	ssyncadd.remote.s32 $0x1  }
0xbd: {  	_ =	sfence.sel $0xFFFF  }
0xbe: {  	[dreg:$0x0] =	wrdreg $0xFFFFFFFF;
	(pc) =	sbr.abs _section_cstart, $3  }
0xbf: {  	[dreg:$0x1] =	wrdreg $0xFFFFFFFF  }
0xc0: {  	_ =	task.clear_ibuf [dreg:s6], $0x2FFFF;
	_ =	strace $0x9FFFFFFF  }
0xc1: {  	(tm) =	ssettm $0x7FFFFFFF  }
tec
execute0_lowered:
.L_overlay_start_1:
0x0: {  	(tag) =	ssettag $0x1  }
0x1: {  	s4 =	rddreg [dreg:$0x0]  }
0x2: {  	s0 =	rddreg [dreg:$0x1]  }
0x3: {  	s3 =	srdreg.scid;
	s2 =	simm.s32 $0x0;
	s1 =	stileid.u32  }
0x4: {  	s11 =	simm.s32 $0x4000;
	s12 =	simm.s32 $0x100;
	s13 =	simm.s32 $0x6000  }
0x5: {  	s14 =	simm.s32 $0x180;
	s15 =	simm.s32 $0x8000;
	s16 =	simm.s32 $0x1  }
0x6: {  	s17 =	simm.s32 $0x2;
	s18 =	simm.s32 $0x0;
	s5 =	sand.u32 $0x1, s3  }
0x7: {  	[smem:$0x7FF] =	sst s2;
	s29 =	sshll.u32 s1, $0xE;
	s3 =	sadd.s32 $0xF58C00, s4  }
0x8: {  	s9 =	sadd.s32 $0x6600, s4;
	s31 =	sshll.u32 s1, $0x11;
	s6 =	sshll.u32 s5, $0xD  }
0x9: {  	_ =	strace $0x8000004A;
	s8 =	ssub.s32 $0x2, s5;
	s6 =	sor.u32 s6, s29  }
0xa: {  	s10 =	sshll.u32 s5, $0x10;
	s30 =	sshrl.u32 s8, $0x1;
	s7 =	sshrl.u32 s6, $0x3  }
0xb: {  	s8 =	ssub.s32 s8, s30;
	s6 =	sshll.u32 s6, $0x3;
	s7 =	sadd.s32 s7, s4  }
0xc: {  	s5 =	sadd.s32 s9, s6;
	s4 =	sadd.s32 $0xF50C00, s7;
	s7 =	sadd.s32 s31, s9  }
0xd: {  	s6 =	smax.u32 s8, $0x1;
	s8 =	simm.s32 $0x3;
	s7 =	sadd.s32 s10, s7  }
0xe: {  	s9 =	simm.s32 $0x80;
	s10 =	simm.s32 $0x2000;
	s7 =	sadd.s32 $0x400, s7  }
.LBB2_1:
0xf: {  	[tilespmem:s2], [sflag:$0x3] =	stream.linear.gather [hbm4b:s4+s2], $0x2000, $0x38;
	[tilespmem:$0xA000] =	vst v63  }
0x10: {  	_ =	swait.ge [sflag:s8], $0x2000  }
0x11: {  	[sflag:s8] =	ssyncset.done $0x0  }
0x12: {  	[sflag:s8] =	ssyncadd.s32 $0xFFFFE000  }
0x13: {  	[tilespmem:s10], [sflag:$0x1] =	stream.indirect.gather [hbm4b:s3+s9], $0x40, s2, s9, $0xb8;
	[tilespmem:$0xA000] =	vst v63  }
0x14: {  	_ = 	snop  }
0x15: {  	[tilespmem:s11], [sflag:$0x1] =	stream.indirect.gather [hbm4b:s3+s9], $0x40, s9, s9, $0xb8;
	[tilespmem:$0xA000] =	vst v63  }
0x16: {  	_ = 	snop  }
0x17: {  	[tilespmem:s13], [sflag:$0x1] =	stream.indirect.gather [hbm4b:s3+s9], $0x40, s12, s9, $0xb8;
	[tilespmem:$0xA000] =	vst v63  }
0x18: {  	_ =	swait.ge [sflag:s16], $0x2000  }
0x19: {  	[sflag:s16] =	ssyncset.done $0x0  }
0x1a: {  	s19 =	simm.s32 $0x20000;
	s21 =	simm.s32 $0x8000;
	[sflag:s16] =	ssyncadd.s32 $0xFFFFE000  }
0x1b: {  	[hbm4b:s5+s2] =	stream.linear.scatter [tilespmem:s10], [sflag:$0x2], $0x2000, $0x38;
	[tilespmem:$0xA000] =	vst v63  }
0x1c: {  	s20 =	simm.s32 $0x200;
	p0 =	por $0x0, $0x0;
	s22 =	sand.u32 $0x18000, s21  }
0x1d: {  	[tilespmem:s15], [sflag:$0x1] =	stream.indirect.gather [hbm4b:s3+s9], $0x40, s14, s9, $0xb8;
	[tilespmem:$0xA000] =	vst v63  }
0x1e: {  	s21 =	simm.s32 $0x2;
	s24 =	simm.s32 @!p0 $0x2;
	_ =	swait.ge [sflag:s16], $0x2000  }
0x1f: {  	s23 =	sand.u32 @!p0 $0x18000, s19;
	s22 =	sshrl.u32 s22, $0x2;
	[sflag:s16] =	ssyncset.done $0x0  }
0x20: {  	s26 =	simm.s32 @!p0 $0x80;
	s22 =	sadd.s32 $0x2000, s22;
	[sflag:s16] =	ssyncadd.s32 $0xFFFFE000  }
0x21: {  	[hbm4b:s7+s2] =	stream.linear.scatter [tilespmem:s22], [sflag:$0x2], $0x2000, $0x38;
	[tilespmem:$0xA000] =	vst v63  }
0x22: {  	s25 =	sshrl.u32 @!p0 s23, $0x2;
	s23 =	simm.s32 $0x280;
	_ =	swait.ge @!p0 [sflag:s24], $0x2000  }
0x23: {  	s25 =	sadd.s32 @!p0 $0x2000, s25;
	s22 =	sadd.s32 $0x400, s7;
	[sflag:s24] =	ssyncset.done @!p0 $0x0  }
.LBB2_2:
0x24: {  	[sflag:s24] =	ssyncadd.s32 @!p0 $0xFFFFE000  }
0x25: {  	s19 =	sadd.s32 $0x8000, s19;
	s24 =	smov.u32 s21;
	s21 =	sadd.s32 $0x1, s21  }
0x26: {  	[tilespmem:s25], [sflag:$0x1] =	stream.indirect.gather @!p0 [hbm4b:s3+s26], $0x40, s20, s26, $0xb8;
	[tilespmem:$0xA000] =	vst v63  }
0x27: {  	p1 =	sne.s32 s21, $0x40;
	s20 =	smov.u32 s23  }
0x28: {  	s25 =	sadd.s32 $0xFFFE8000, s19  }
0x29: {  	s25 =	sand.u32 $0x18000, s25;
	_ =	swait.ge [sflag:s16], $0x2000  }
0x2a: {  	p0 =	sgt.u32 s24, $0x3C;
	s25 =	sshrl.u32 s25, $0x2;
	[sflag:s16] =	ssyncset.done $0x0  }
.Ltmp0:
0x2b: {  	s25 =	sadd.s32 $0x2000, s25;
	[sflag:s16] =	ssyncadd.s32 $0xFFFFE000;
	(pc) =	sbr.rel @p1 .LBB2_2-.Ltmp0, $4  }
0x2c: {  	[hbm4b:s22+s2] =	stream.linear.scatter [tilespmem:s25], [sflag:$0x2], $0x2000, $0x38;
	[tilespmem:$0xA000] =	vst v63  }
0x2d: {  	s24 =	simm.s32 @!p0 $0x2;
	s25 =	sand.u32 @!p0 $0x18000, s19;
	s22 =	sadd.s32 $0x400, s22  }
0x2e: {  	s23 =	sadd.s32 $0x80, s23;
	s25 =	sshrl.u32 @!p0 s25, $0x2;
	_ =	swait.ge @!p0 [sflag:s24], $0x2000  }
0x2f: {  	s26 =	simm.s32 @!p0 $0x80;
	s25 =	sadd.s32 @!p0 $0x2000, s25;
	[sflag:s24] =	ssyncset.done @!p0 $0x0  }
0x30: {  	[sflag:s24] =	ssyncadd.s32 @!p0 $0xFFFFE000  }
0x31: {  	[tilespmem:s25], [sflag:$0x1] =	stream.indirect.gather @!p0 [hbm4b:s3+s26], $0x40, s20, s26, $0xb8;
	[tilespmem:$0xA000] =	vst v63  }
0x32: {  	_ =	swait.ge [sflag:s17], $0x2000  }
0x33: {  	[sflag:s17] =	ssyncset.done $0x0  }
0x34: {  	[sflag:s17] =	ssyncadd.s32 $0xFFFFE000  }
0x35: {  	_ =	swait.ge [sflag:s17], $0x2000  }
0x36: {  	[sflag:s17] =	ssyncset.done $0x0  }
0x37: {  	s18 =	sadd.s32 $0x1, s18;
	[sflag:s17] =	ssyncadd.s32 $0xFFFFE000  }
0x38: {  	p0 =	sne.s32 s18, s6;
	_ =	swait.ge [sflag:s17], $0x2000  }
.Ltmp1:
0x39: {  	[sflag:s17] =	ssyncset.done $0x0;
	(pc) =	sbr.rel @p0 .LBB2_1-.Ltmp1, $4  }
0x3a: {  	[sflag:s17] =	ssyncadd.s32 $0xFFFFE000  }
0x3b: {  	_ =	swait.ge [sflag:s17], $0x2000  }
0x3c: {  	[sflag:s17] =	ssyncset.done $0x0  }
0x3d: {  	[sflag:s17] =	ssyncadd.s32 $0xFFFFE000  }
0x3e: {  	_ =	sfence.sel $0x180000  }
0x3f: {  	[bflag:$0x0] =	sbarrier.arrive $0xFFFF  }
0x40: {  	p0 =	sne.s32 s1, $0x0;
	_ =	strace $0x9000004A  }
0x41: {  	s0 =	sadd.s32 @!p0 $0x100000, s0;
	[bflag:$0x2] =	sbarrier.arrive $0xFFFF  }
0x42: {  	[sflag:s0] =	ssyncadd.tile.s32 @!p0 $0x1;
	_ =	shalt  }
.Lfunc_end2:
_tile_overlayer_lowered:
.L_overlay_start_2:
0x43: {  	(tag) =	ssettag $0x2  }
0x44: {  	s0 =	rddreg [dreg:$0x0];
	s2 =	stileid.u32  }
0x45: {  	s1 =	rddreg [dreg:$0x1];
	p0 =	sne.s32 s2, $0x0  }
0x46: {  	s3 =	rddreg [dreg:$0x2];
	[bflag:$0x3] =	sbarrier.arrive $0xFFFF;
	s2 =	simm.s32 @!p0 $0x1C03  }
0x47: {  	[timem:s3], [sflag:s2] =	dma.local @!p0 [hbm:s0], s1  }
0x48: {  	s0 =	simm.s32 @!p0 $0x3  }
0x49: {  	_ =	swait.ge @!p0 [sflag:s0], s1  }
0x4a: {  	s1 =	ssub.s32 @!p0 $0x0, s1;
	[sflag:s0] =	ssyncset.done @!p0 $0x0  }
0x4b: {  	[sflag:s0] =	ssyncadd.s32 @!p0 s1  }
0x4c: {  	[bflag:$0x3] =	sbarrier.arrive $0xFFFF  }
0x4d: {  	_ =	shalt  }

// kernel: sparse-core-data-format-call.cloned.1.call-start
scs
called_computation_lowered:
.L_overlay_start_0:
0x0: {  	s2 =	sld [smem:$0x3FD9]  }
0x1: {  	s3 =	sld [smem:$0x3FFE];
	_ =	sdelay $0x1  }
0x2: {  	s1 =	srdreg.scid  }
0x3: {  	s0 =	sand.u32 $0x1, s1  }
0x4: {  	s18 =	sshll.u32 s0, $0xA;
	s2 =	sadd.s32 s3, s2  }
0x5: {  	s2 =	sadd.s32 s2, s18  }
0x6: {  	[smem:$0x3F99] =	sst s2  }
0x7: {  	_ = 	snop  }
0x8: {  	s2 =	sld [smem:$0x3F9E];
	(tm) =	ssettm $0x1  }
0x9: {  	s19 =	sld [smem:$0x3FFB];
	_ =	sdelay $0x3  }
0xa: {  	_ =	strace s19  }
0xb: {  	s3 =	sld [smem:$0x3FFC];
	_ =	sdelay $0x3  }
0xc: {  	_ =	strace s3  }
0xd: {  	s3 =	sld [smem:$0x3FFD];
	_ =	sdelay $0x3  }
0xe: {  	_ =	strace s3  }
0xf: {  	_ =	strace $0x8FFFFFFF  }
0x10: {  	s20 =	sld [smem:$0x3FDB];
	_ =	sdelay $0x1  }
0x11: {  	s4 =	simm.s32 $_scs_section_size  }
0x12: {  	s5 =	simm.s32 $_size__tile_overlayer_lowered;
	s6 =	simm.s32 $_tile_overlayer_lowered  }
0x13: {  	s23 =	simm.s32 $0x1BFF;
	s22 =	sshll.u32 s6, $0x1;
	s3 =	sadd.s32 s4, s20  }
0x14: {  	s7 =	simm.s32 $0x0;
	s21 =	sshll.u32 s5, $0x1;
	s5 =	sadd.s32 s22, s3  }
0x15: {  	[timem:s7], [sflag:s23] =	dma.local [hbm:s5], s21  }
0x16: {  	_ =	swait.ge [sflag:s23], s21  }
0x17: {  	s4 =	ssub.s32 $0x0, s21;
	[sflag:s23] =	ssyncset.done $0x0  }
0x18: {  	[sflag:s23] =	ssyncadd.s32 s4;
	_ =	sdelay $0x1  }
0x19: {  	s24 =	simm.s32 $0x1B8B  }
0x1a: {  	_ =	swait.ge [sflag:s24], $0x1  }
0x1b: {  	[sflag:s24] =	ssyncset.done $0x0  }
0x1c: {  	s26 =	simm.s32 $0x1B8E;
	s25 =	sld [smem:$0x3FFE];
	[sflag:s24] =	ssyncadd.s32 $0xFFFFFFFF  }
0x1d: {  	s27 =	simm.s32 $execute0_lowered;
	[smem:$0x3FD2] =	sst s26  }
0x1e: {  	s5 =	sshll.u32 s27, $0x1;
	_ =	strace $0x80000046;
	[dreg:$0x1] =	wrdreg $0xFFFFFFFF  }
0x1f: {  	s28 =	simm.s32 $_size_execute0_lowered;
	s3 =	sadd.s32 s3, s5;
	[dreg:$0x0] =	wrdreg $0x0  }
0x20: {  	s5 =	sshll.u32 s28, $0x1;
	[dreg:$0x2] =	wrdreg s3  }
0x21: {  	[dreg:$0x3] =	wrdreg s5  }
0x22: {  	[dreg:$0x4] =	wrdreg $0xC0  }
0x23: {  	_ =	task [dreg:s7], $0x5FFFF  }
0x24: {  	[dreg:$0x1] =	wrdreg $0xFFFFFFFF  }
0x25: {  	[dreg:$0x0] =	wrdreg $0x60  }
0x26: {  	[dreg:$0x2] =	wrdreg s2  }
0x27: {  	[dreg:$0x3] =	wrdreg s25  }
0x28: {  	[dreg:$0x4] =	wrdreg $0x9  }
0x29: {  	_ =	task.clear_ibuf [dreg:s7], $0x5FFFF;
	_ =	strace $0x90000046  }
0x2a: {  	s29 =	simm.s32 $0x9;
	_ =	strace $0x80000048  }
0x2b: {  	_ =	swait.ge [sflag:s29], $0x1  }
0x2c: {  	[sflag:s29] =	ssyncadd.s32 $0xFFFFFFFF  }
0x2d: {  	_ =	strace $0x90000048  }
0x2e: {  	_ =	sfence  }
0x2f: {  	s30 =	sld [smem:$0x0];
	_ =	sdelay $0x2  }
0x30: {  	s31 =	sshll.u32 s1, $0xD;
	s1 =	sshrl.u32 s1, $0x2  }
0x31: {  	s3 =	sand.u32 $0x4000, s31;
	s1 =	sadd.s32 s1, s30  }
0x32: {  	s0 =	sor.u32 s3, s0;
	s1 =	sshll.u32 s1, $0x11  }
0x33: {  	s0 =	sor.u32 s1, s0  }
0x34: {  	s0 =	sadd.s32 $0x8F2B, s0  }
0x35: {  	[sflag:s0] =	ssyncadd.remote.s32 $0x1  }
0x36: {  	_ =	sfence.sel $0xFFFF  }
0x37: {  	[dreg:$0x0] =	wrdreg $0xFFFFFFFF;
	(pc) =	sbr.abs _section_cstart, $3  }
0x38: {  	[dreg:$0x1] =	wrdreg $0xFFFFFFFF  }
0x39: {  	_ =	task.clear_ibuf [dreg:s7], $0x2FFFF;
	_ =	strace $0x9FFFFFFF  }
0x3a: {  	(tm) =	ssettm $0x7FFFFFFF  }
0x3b: {  	_ =	shalt  }
tec
execute0_lowered:
.L_overlay_start_1:
0x0: {  	(tag) =	ssettag $0x1  }
0x1: {  	s0 =	srdreg.scid;
	s2 =	rddreg [dreg:$0x0]  }
0x2: {  	s5 =	rddreg [dreg:$0x1];
	s1 =	stileid.u32  }
0x3: {  	s4 =	simm.s32 $0x1;
	s6 =	simm.s32 $0x2;
	s15 =	simm.s32 $0x0  }
0x4: {  	p0 =	por $0x0, $0x0;
	s8 =	simm.s32 $0x80;
	s0 =	sshll.u32 s0, $0x4  }
0x5: {  	s14 =	simm.s32 $0x0;
	s9 =	simm.s32 $0x0;
	s3 =	sand.u32 $0x10, s0  }
.Ltmp0:
0x6: {  	s10 =	simm.s32 $0x0;
	s3 =	sor.u32 s1, s3;
	(pc) =	sbr.rel .LBB1_1-.Ltmp0, $4  }
0x7: {  	s0 =	rddreg [dreg:$0x2];
	_ =	strace $0x80000047;
	s3 =	sshll.u32 s3, $0x7  }
0x8: {  	s12 =	simm.s32 $0x0;
	[sflag:s4] =	ssyncpa.u1 $0x0;
	s7 =	ssub.s32 $0xF4200, s3  }
0x9: {  	s13 =	simm.s32 $0x0;
	[sflag:s6] =	ssyncpa.u1 $0x0;
	s6 =	sshrl.u32 s7, $0xC  }
0xa: {  	s5 =	sadd.s32 $0x6600, s5;
	s11 =	smov.u32 s3;
	s7 =	sadd.s32 $0x2, s6  }
.LBB1_5:
0xb: {  	p1 =	slt.u32 s13, $0x2  }
0xc: {  	s17 =	smov.u32 s15;
	p2 =	sgt.s32 @!p1 s15, $0xF41C8;
	s16 =	sshra.s32 @!p1 s15, $0x1F  }
0xd: {  	p3 =	sgt.s32 @!p1 s14, $0x40;
	s18 =	sshra.s32 @!p1 s14, $0x1F;
	p2 =	por !p2, p1  }
0xe: {  	s15 =	sand.u32 @!p1 s16, s15;
	p3 =	por !p3, p1;
	s16 =	smov.u32 s14  }
0xf: {  	s14 =	sand.u32 @!p1 s18, s14;
	s17 =	simm.s32 @p2 $0xF41C8;
	s16 =	simm.s32 @p3 $0x40  }
0x10: {  	s15 =	ssub.s32 @!p1 s17, s15;
	s14 =	ssub.s32 @!p1 s16, s14  }
0x11: {  	s18 =	smov.u32 s12;
	s16 =	sadd.s32 @!p1 $0xFFF0BE38, s15;
	s17 =	sadd.s32 @!p1 $0xFFFFFFC0, s14  }
0x12: {  	s15 =	ssub.s32 @!p1 $0xF4248, s15;
	p2 =	sgt.s32 @!p1 s16, $0x7F;
	p3 =	sgt.s32 @!p1 s17, $0x3F  }
0x13: {  	s14 =	ssub.s32 @!p1 $0x80, s14;
	p2 =	por !p2, p1;
	p3 =	por !p3, p1  }
0x14: {  	s16 =	sadd.s32 $0x1000, s11;
	s15 =	simm.s32 @!p2 $0x0;
	s14 =	simm.s32 @!p3 $0x0  }
0x15: {  	p2 =	sgt.s32 s16, $0xF4240;
	s14 =	smul.u32 @!p1 s14, s15;
	s15 =	sadd.s32 $0x40, s12  }
0x16: {  	s18 =	smov.u32 @p2 s15  }
0x17: {  	s16 =	smov.u32 @p2 s3;
	p2 =	sgt.s32 s18, $0x3F  }
0x18: {  	s18 =	simm.s32 @p2 $0x0;
	p2 =	sne.s32 s13, s7  }
.Ltmp1:
0x19: {  	p0 =	por !p0, !p0;
	s17 =	simm.s32 @!p1 $0x2;
	(pc) =	sbr.rel @!p2 .LBB1_6-.Ltmp1, $4  }
0x1a: {  	s15 =	smov.u32 s9;
	s9 =	smov.u32 s11;
	s14 =	sand.u32 @!p1 $0x3FFFFFFF, s14  }
0x1b: {  	s11 =	smov.u32 s16;
	_ =	swait.ge @!p1 [sflag:s17], s14;
	s19 =	ssub.s32 @!p1 $0x0, s14  }
0x1c: {  	s14 =	smov.u32 s10;
	s13 =	sadd.s32 $0x1, s13;
	[sflag:s17] =	ssyncset.done @!p1 $0x0  }
0x1d: {  	s10 =	smov.u32 s12;
	s12 =	smov.u32 s18;
	[sflag:s17] =	ssyncadd.s32 @!p1 s19  }
.LBB1_1:
0x1e: {  	p1 =	sgt.u32 s13, s6  }
0x1f: {  	s16 =	sshrl.u32 @!p1 s12, $0x3  }
0x20: {  	s17 =	sshll.u32 @!p1 s11, $0x3;
	s16 =	smul.u32 @!p1 $0x7A1400, s16  }
0x21: {  	s18 =	sshll.u32 @!p1 s12, $0x7;
	s17 =	sand.u32 @!p1 $0xFFFFFC00, s17  }
0x22: {  	s16 =	sadd.s32 @!p1 s16, s17;
	s17 =	sand.u32 @!p1 $0x380, s18  }
0x23: {  	s18 =	sand.u32 @!p1 $0x7F, s11;
	s16 =	sor.u32 @!p1 s17, s16  }
0x24: {  	s17 =	sor.u32 @!p1 s18, s16  }
0x25: {  	s18 =	smulhi.u32 @!p1 $0x218D6287, s17;
	_ =	sdelay $0x1  }
0x26: {  	s16 =	smulhi.u32 @!p1 $0x218D6287, s16;
	s18 =	sshrl.u32 @!p1 s18, $0x11  }
0x27: {  	s18 =	smul.u32 @!p1 $0xF4280, s18  }
0x28: {  	s19 =	sxor.u32 @!p1 $0xFFFFFFFF, s13;
	s16 =	sshrl.u32 @!p1 s16, $0x11  }
0x29: {  	s19 =	sshll.u32 @!p1 s19, $0xD;
	s16 =	sand.u32 @!p1 $0x3F, s16;
	s17 =	ssub.s32 @!p1 s17, s18  }
0x2a: {  	s16 =	smul.u32 @!p1 $0x1E850, s16;
	s18 =	sshrl.u32 @!p1 s17, $0x3;
	s17 =	sand.u32 @!p1 $0x7, s17  }
0x2b: {  	s19 =	sand.u32 @!p1 $0x2000, s19;
	s18 =	sadd.s32 @!p1 s2, s18;
	s17 =	sshll.u32 @!p1 s17, $0x12  }
0x2c: {  	s16 =	sadd.s32 @!p1 s16, s18;
	s17 =	sor.u32 @!p1 $0x400, s17;
	s18 =	simm.s32 @!p1 $0x7A1400  }
0x2d: {  	[tilespmem:s19], [sflag:$0x1] =	stream.strided.gather @!p1 [hbm4b:s16+s17], $0x2000, s18, s17, $0x38;
	[tilespmem:$0x8100] =	vst v63  }
0x2e: {  	p1 =	seq.s32 s13, $0x0  }
0x2f: {  	p2 =	sge.u32 @!p1 s13, s7  }
0x30: {  	p1 =	por p1, p2  }
.Ltmp2:
0x31: {  	_ = 	snop;
	(pc) =	sbr.rel @p1 .LBB1_5-.Ltmp2, $1  }
0x32: {  	_ =	sdelay $0x3  }
0x33: {  	s16 =	simm.s32 $0x1  }
0x34: {  	_ =	swait.ge [sflag:s4], $0x2000;
	s16 =	simm.s32 @!p0 $0x0  }
0x35: {  	[sflag:s4] =	ssyncset.done $0x0;
	s17 =	sshll.u32 s16, $0xD  }
0x36: {  	[sflag:s4] =	ssyncadd.s32 $0xFFFFE000;
	s17 =	sor.u32 $0x40, s17  }
0x37: {  	s16 =	smul.u32 $0x8200, s16;
	v0 =	vld [tilespmem:s17+$0x30]  }
0x38: {  	v1 =	vld [tilespmem:s17+$0xFFFFFFD0]  }
0x39: {  	s16 =	sshrl.u32 s16, $0x2;
	v5 =	vld [tilespmem:s17+$0xFFFFFFE0]  }
0x3a: {  	v6 =	vld [tilespmem:s17+$0xFFFFFFF0];
	s19 =	sor.u32 $0x4000, s16  }
0x3b: {  	s31 =	sand.u32 $0x1, s13;
	v4 =	vld [tilespmem:s17+$0x0];
	s18 =	sadd.s32 $0x0, s19  }
0x3c: {  	v3 =	vld [tilespmem:s17+$0x10];
	s16 =	smul.u32 $0x8200, s31;
	[tilespmem:s18+$0x1C70 ss:$0x41] =	vst.msk $0xffff, v0  }
0x3d: {  	v2 =	vld [tilespmem:s17+$0x20];
	[tilespmem:s18+$0x410 ss:$0x41] =	vst.msk $0xffff, v1  }
0x3e: {  	s16 =	sshrl.u32 s16, $0x2;
	v1 =	vld [tilespmem:s17+$0xFFFFFFC0];
	[tilespmem:s18+$0x820 ss:$0x41] =	vst.msk $0xffff, v5;
	s17 =	sadd.s32 $0x80, s17  }
0x3f: {  	s20 =	simm.s32 $0x4;
	s21 =	simm.s32 $0x8;
	s16 =	sor.u32 $0x4000, s16;
	[tilespmem:s18+$0xC30 ss:$0x41] =	vst.msk $0xffff, v6;
	v0 =	vld [tilespmem:s17+$0x30]  }
.LBB1_3:
0x40: {  	p1 =	sne.s32 s21, $0xFC;
	v5 =	vld [tilespmem:s17+$0xFFFFFFD0];
	[tilespmem:s18+$0x1040 ss:$0x41] =	vst.msk $0xffff, v4  }
0x41: {  	v6 =	vld [tilespmem:s17+$0xFFFFFFE0];
	[tilespmem:s18+$0x1450 ss:$0x41] =	vst.msk $0xffff, v3  }
0x42: {  	s22 =	sshra.s32 s20, $0x2;
	s20 =	smov.u32 s21;
	v7 =	vld [tilespmem:s17+$0xFFFFFFF0];
	[tilespmem:s18+$0x1860 ss:$0x41] =	vst.msk $0xffff, v2  }
.Ltmp3:
0x43: {  	v4 =	vld [tilespmem:s17+$0x0];
	[tilespmem:s18+$0x0 ss:$0x41] =	vst.msk $0xffff, v1;
	s18 =	sadd.s32 s22, s19;
	(pc) =	sbr.rel @p1 .LBB1_3-.Ltmp3, $4  }
0x44: {  	v3 =	vld [tilespmem:s17+$0x10];
	[tilespmem:s18+$0x1C70 ss:$0x41] =	vst.msk $0xffff, v0  }
0x45: {  	[tilespmem:s18+$0x410 ss:$0x41] =	vst.msk $0xffff, v5;
	v2 =	vld [tilespmem:s17+$0x20]  }
0x46: {  	v1 =	vld [tilespmem:s17+$0xFFFFFFC0];
	[tilespmem:s18+$0x820 ss:$0x41] =	vst.msk $0xffff, v6;
	s17 =	sadd.s32 $0x80, s17  }
0x47: {  	s21 =	sadd.s32 $0x4, s21;
	v0 =	vld [tilespmem:s17+$0x30];
	[tilespmem:s18+$0xC30 ss:$0x41] =	vst.msk $0xffff, v7  }
0x48: {  	s21 =	sshll.u32 s9, $0x7;
	s22 =	sshll.u32 s10, $0x3;
	s20 =	sshra.s32 s20, $0x2  }
0x49: {  	p1 =	sgt.s32 s9, $0xF41C8;
	s30 =	sshra.s32 s9, $0x1F;
	s25 =	sshra.s32 s10, $0x1F  }
0x4a: {  	v5 =	vld [tilespmem:s17+$0xFFFFFFD0];
	s28 =	sshrl.u32 s10, $0x3;
	s23 =	sand.u32 $0xFFFFFC00, s21;
	s22 =	sand.u32 $0xFFFFFC00, s22  }
0x4b: {  	[tilespmem:s18+$0x1040 ss:$0x41] =	vst.msk $0xffff, v4;
	v58 =	vld [tilespmem:s17+$0xFFFFFFE0];
	s21 =	sand.u32 $0x380, s21;
	s19 =	sadd.s32 s20, s19;
	s22 =	sadd.s32 s22, s23  }
0x4c: {  	v59 =	vld [tilespmem:s17+$0xFFFFFFF0];
	[tilespmem:s18+$0x1450 ss:$0x41] =	vst.msk $0xffff, v3;
	s29 =	sor.u32 s21, s22;
	s21 =	smov.u32 s9;
	s22 =	sand.u32 s30, s9  }
0x4d: {  	v60 =	vld [tilespmem:s17+$0x0];
	[tilespmem:s18+$0x1860 ss:$0x41] =	vst.msk $0xffff, v2;
	s30 =	sand.u32 $0x7, s10;
	s20 =	sshrl.u32 s29, $0x7;
	s21 =	simm.s32 @!p1 $0xF41C8  }
0x4e: {  	v61 =	vld [tilespmem:s17+$0x10];
	[tilespmem:s18+$0x0 ss:$0x41] =	vst.msk $0xffff, v1;
	p1 =	sgt.s32 s10, $0x40;
	s24 =	ssub.s32 s21, s22;
	s21 =	smov.u32 s10  }
0x4f: {  	v62 =	vld [tilespmem:s17+$0x20];
	[tilespmem:s19+$0x1C70 ss:$0x41] =	vst.msk $0xffff, v0;
	s31 =	smulhi.u32 $0x218DDDB, s20;
	s22 =	sand.u32 s25, s10;
	s21 =	simm.s32 @!p1 $0x40  }
0x50: {  	v63 =	vld [tilespmem:s17+$0xFFFFFFC0];
	[tilespmem:s19+$0x410 ss:$0x41] =	vst.msk $0xffff, v5;
	s26 =	sadd.s32 $0xFFF0BE38, s24;
	s17 =	ssub.s32 $0xF4248, s24;
	s21 =	ssub.s32 s21, s22  }
0x51: {  	[tilespmem:s19+$0x820 ss:$0x41] =	vst.msk $0xffff, v58;
	s23 =	sshrl.u32 s31, $0xD;
	p1 =	sgt.s32 s26, $0x7F;
	s27 =	sadd.s32 $0xFFFFFFC0, s21  }
0x52: {  	[tilespmem:s19+$0xC30 ss:$0x41] =	vst.msk $0xffff, v59;
	s23 =	smul.u32 $0xF4248, s23;
	s18 =	ssub.s32 $0x80, s21;
	p2 =	sgt.s32 s27, $0x3F  }
.Ltmp4:
0x53: {  	[tilespmem:s19+$0x1040 ss:$0x41] =	vst.msk $0xffff, v60;
	s17 =	simm.s32 @p1 $0x0;
	s18 =	simm.s32 @p2 $0x0;
	(pc) =	sbr.rel .LBB1_5-.Ltmp4, $4  }
0x54: {  	s29 =	sand.u32 $0xF, s28;
	[tilespmem:s19+$0x1450 ss:$0x41] =	vst.msk $0xffff, v61;
	s20 =	ssub.s32 s20, s23;
	s17 =	smul.u32 s18, s17  }
0x55: {  	[tilespmem:s19+$0x1860 ss:$0x41] =	vst.msk $0xffff, v62;
	s21 =	sshll.u32 s30, $0x12;
	s20 =	sshll.u32 s20, $0x4;
	s18 =	sadd.s32 s5, s29  }
0x56: {  	[tilespmem:s19+$0x0 ss:$0x41] =	vst.msk $0xffff, v63;
	s31 =	sor.u32 $0x40, s21;
	s18 =	sadd.s32 s20, s18;
	s17 =	sand.u32 $0x3FFFFFFF, s17  }
0x57: {  	[hbm4b:s18+s31] =	stream.strided.scatter [tilespmem:s16], [sflag:$0x2], s17, s8, s31, $0x18;
	[tilespmem:$0x8100] =	vst v63  }
.LBB1_6:
0x58: {  	_ =	sfence.sel $0x180000  }
0x59: {  	s2 =	simm.s32 $0x1;
	[bflag:$0x0] =	sbarrier.arrive $0xFFFF  }
0x5a: {  	s31 =	simm.s32 $0x2;
	[sflag:s2] =	ssyncpa.u1 $0x1  }
0x5b: {  	[sflag:s31] =	ssyncpa.u1 $0x1  }
0x5c: {  	p0 =	sne.s32 s1, $0x0;
	_ =	strace $0x90000047  }
0x5d: {  	s0 =	sadd.s32 @!p0 $0x100000, s0;
	[bflag:$0x2] =	sbarrier.arrive $0xFFFF  }
0x5e: {  	[sflag:s0] =	ssyncadd.tile.s32 @!p0 $0x1;
	_ =	shalt  }
.Lfunc_end1:
_tile_overlayer_lowered:
.L_overlay_start_2:
0x5f: {  	(tag) =	ssettag $0x2  }
0x60: {  	s0 =	rddreg [dreg:$0x0];
	s2 =	stileid.u32  }
0x61: {  	s1 =	rddreg [dreg:$0x1];
	p0 =	sne.s32 s2, $0x0  }
0x62: {  	s3 =	rddreg [dreg:$0x2];
	[bflag:$0x3] =	sbarrier.arrive $0xFFFF;
	s2 =	simm.s32 @!p0 $0x1C01  }
0x63: {  	[timem:s3], [sflag:s2] =	dma.local @!p0 [hbm:s0], s1  }
0x64: {  	s0 =	simm.s32 @!p0 $0x1  }
0x65: {  	_ =	swait.ge @!p0 [sflag:s0], s1  }
0x66: {  	s1 =	ssub.s32 @!p0 $0x0, s1;
	[sflag:s0] =	ssyncset.done @!p0 $0x0  }
0x67: {  	[sflag:s0] =	ssyncadd.s32 @!p0 s1  }
0x68: {  	[bflag:$0x3] =	sbarrier.arrive $0xFFFF  }
0x69: {  	_ =	shalt  }

</sc_bundles>
